<compile_context>
chip_gen: v7x
topology: tpu7x:2x2x1
jax: 0.10.2.dev20260603
libtpu: 0.0.44.dev20260713+nightly
codegen_flags: <defaults>
</compile_context>

<pallas_src>
import jax
import jax.numpy as jnp
from jax import lax
from jax.experimental import pallas as pl
from jax.experimental.pallas import tpu as pltpu
from jax.experimental.pallas import tpu_sc as plsc

_MAXLEN = 200
_EMBED = 64
_BATCH = 4096

_NW = 32
_BB = _BATCH // _NW
_NEG = _EMBED // 16


def _body(x_hbm, tok_hbm, pos_hbm, out_hbm,
          xblk, pos_v, gidx0, gidx1, gidx2, gidx3,
          rows0, rows1, rows2, rows3, ot0, ot1,
          sem_g0, sem_g1, sem_g2, sem_g3, sem_w0, sem_w1):
    wid = lax.axis_index("s") * 2 + lax.axis_index("c")
    b0 = wid * _BB

    pltpu.sync_copy(x_hbm.at[pl.ds(b0, _BB), :], xblk.at[:, pl.ds(0, _MAXLEN)])
    pltpu.sync_copy(pos_hbm, pos_v)

    gidx = (gidx0, gidx1, gidx2, gidx3)
    rows = (rows0, rows1, rows2, rows3)
    otile = (ot0, ot1)
    sem_g = (sem_g0, sem_g1, sem_g2, sem_g3)
    sem_w = (sem_w0, sem_w1)

    iota = lax.iota(jnp.int32, 16)
    r1 = lax.bitwise_and(iota, 7)
    r0s = [lax.shift_right_logical(iota, 3) + (eg * 2) for eg in range(_NEG)]

    def prep_and_gather(l, slot):
        lsplat = jnp.zeros((16,), jnp.int32) + l
        vs = [plsc.load_gather(xblk, [iota + (kg * 16), lsplat])
              for kg in range(_BB // 16)]
        for kg in range(_BB // 16):
            gidx[slot][pl.ds(kg * 16, 16)] = vs[kg]
        pltpu.async_copy(tok_hbm.at[gidx[slot]], rows[slot], sem_g[slot])

    def wait_gather(slot):
        pltpu.make_async_copy(tok_hbm.at[pl.ds(0, _BB)], rows[slot],
                              sem_g[slot]).wait()

    def start_write(l, slot):
        pltpu.async_copy(otile[slot].at[:, :, pl.ds(0, 128)],
                         out_hbm.at[l, :, wid], sem_w[slot])

    def wait_write(slot):
        pltpu.make_async_copy(otile[slot].at[:, :, pl.ds(0, 128)],
                              out_hbm.at[0, :, wid], sem_w[slot]).wait()

    def compute(l, slot, wslot):
        rv, ot = rows[slot], otile[wslot]
        pv = [pos_v[l, pl.ds(eg * 16, 16)] for eg in range(_NEG)]

        def bloop(bg, carry):
            b_base = bg * 8
            vals = []
            for bi in range(8):
                for eg in range(_NEG):
                    vals.append(rv[b_base + bi, pl.ds(eg * 16, 16)])
            vals = [v + pv[i % _NEG] for i, v in enumerate(vals)]
            for bi in range(8):
                bs = jnp.zeros((16,), jnp.int32) + (b_base + bi)
                for eg in range(_NEG):
                    plsc.store_scatter(ot, [r0s[eg], r1, bs],
                                       vals[bi * _NEG + eg])
            return carry

        lax.fori_loop(0, _BB // 8, bloop, 0)

    prep_and_gather(0, 0)
    prep_and_gather(1, 1)
    prep_and_gather(2, 2)

    def outer(cc, carry):
        for j in range(4):
            l = cc * 4 + j
            slot = j
            wslot = j & 1

            @pl.when(l + 3 < _MAXLEN)
            def _():
                prep_and_gather(l + 3, (j + 3) & 3)

            wait_gather(slot)

            @pl.when(l >= 2)
            def _():
                wait_write(wslot)

            compute(l, slot, wslot)
            start_write(l, wslot)
        return carry

    lax.fori_loop(0, _MAXLEN // 4, outer, 0)
    wait_write(0)
    wait_write(1)


def kernel(x, token_table, pos_table):
    B, L = x.shape
    E = token_table.shape[1]
    x32 = x.astype(jnp.int32)
    tpad = jnp.pad(token_table, ((0, 0), (0, 128 - E)))

    k = pl.kernel(
        _body,
        out_type=jax.ShapeDtypeStruct((L, E // 8, B // 128, 8, 128),
                                      jnp.float32),
        mesh=plsc.VectorSubcoreMesh(core_axis_name="c", subcore_axis_name="s"),
        scratch_types=[
            pltpu.VMEM((_BB, _MAXLEN + 1), jnp.int32),
            pltpu.VMEM((_MAXLEN, _EMBED), jnp.float32),
            pltpu.VMEM((_BB,), jnp.int32),
            pltpu.VMEM((_BB,), jnp.int32),
            pltpu.VMEM((_BB,), jnp.int32),
            pltpu.VMEM((_BB,), jnp.int32),
            pltpu.VMEM((_BB, 128), jnp.float32),
            pltpu.VMEM((_BB, 128), jnp.float32),
            pltpu.VMEM((_BB, 128), jnp.float32),
            pltpu.VMEM((_BB, 128), jnp.float32),
            pltpu.VMEM((8, 8, 129), jnp.float32),
            pltpu.VMEM((8, 8, 129), jnp.float32),
            pltpu.SemaphoreType.DMA,
            pltpu.SemaphoreType.DMA,
            pltpu.SemaphoreType.DMA,
            pltpu.SemaphoreType.DMA,
            pltpu.SemaphoreType.DMA,
            pltpu.SemaphoreType.DMA,
        ],
        compiler_params=pltpu.CompilerParams(use_tc_tiling_on_sc=False,
                                             needs_layout_passes=False),
    )
    r = k(x32, tpad, pos_table)
    return r.transpose(2, 4, 0, 1, 3).reshape(B, L, E)

# --- scband reference (transcript-rebuilt; emitter-appended) ---
"""Pipeline reference for scband-token-and-position-embedding-20761871909650 (READ-ONLY COPY).

The authoritative reference and input builder live on the scoring server;
editing this copy changes nothing except your own understanding.
"""

import jax, jax.numpy as jnp
import numpy as np

VOCAB = 1000000
MAXLEN = 200
EMBED = 64
BATCH = 4096

def setup_inputs(seed: int = 0) -> dict:
    key = jax.random.key(seed)
    k1, k2, k3 = jax.random.split(key, 3)
    x = jax.random.randint(k1, (BATCH, MAXLEN), 0, VOCAB, dtype=jnp.int64 if jax.config.jax_enable_x64 else jnp.int32)
    token_table = jax.random.normal(k2, (VOCAB, EMBED), dtype=jnp.float32) * 0.02
    pos_table = jax.random.normal(k3, (MAXLEN, EMBED), dtype=jnp.float32) * 0.02
    return {"x": x, "token_table": token_table, "pos_table": pos_table}

def reference(x, token_table, pos_table):
    # maxlen inferred from the last dim of x, as in the TF layer
    L = x.shape[-1]
    positions = jnp.arange(0, L)
    pos_emb = jnp.take(pos_table, positions, axis=0)          # [L, E]
    tok_emb = jnp.take(token_table, x, axis=0)                # [B, L, E]
    return tok_emb + pos_emb[None, :, :]

if __name__ == "__main__":
    import jax
    _d = setup_inputs()
    print(jax.jit(kernel)(*tuple(_d.values())))

</pallas_src>

<mosaic_0001>
#map = affine_map<(d0, d1) -> (0, 0)>
#map1 = affine_map<(d0, d1) -> (0, 0, 0, 0, 0)>
module attributes {stable_mosaic.version = 14 : i64} {
  func.func @_body(%arg0: i32, %arg1: i32, %arg2: memref<4096x200xi32, #tpu.memory_space<hbm>>, %arg3: memref<1000000x128xf32, #tpu.memory_space<hbm>>, %arg4: memref<200x64xf32, #tpu.memory_space<hbm>>, %arg5: memref<200x8x32x8x128xf32, #tpu.memory_space<hbm>>, %arg6: memref<128x201xi32, #tpu.memory_space<vmem>>, %arg7: memref<200x64xf32, #tpu.memory_space<vmem>>, %arg8: memref<128xi32, #tpu.memory_space<vmem>>, %arg9: memref<128xi32, #tpu.memory_space<vmem>>, %arg10: memref<128xi32, #tpu.memory_space<vmem>>, %arg11: memref<128xi32, #tpu.memory_space<vmem>>, %arg12: memref<128x128xf32, #tpu.memory_space<vmem>>, %arg13: memref<128x128xf32, #tpu.memory_space<vmem>>, %arg14: memref<128x128xf32, #tpu.memory_space<vmem>>, %arg15: memref<128x128xf32, #tpu.memory_space<vmem>>, %arg16: memref<8x8x129xf32, #tpu.memory_space<vmem>>, %arg17: memref<8x8x129xf32, #tpu.memory_space<vmem>>, %arg18: memref<!tpu.dma_semaphore, #tpu.memory_space<semaphore_mem>>, %arg19: memref<!tpu.dma_semaphore, #tpu.memory_space<semaphore_mem>>, %arg20: memref<!tpu.dma_semaphore, #tpu.memory_space<semaphore_mem>>, %arg21: memref<!tpu.dma_semaphore, #tpu.memory_space<semaphore_mem>>, %arg22: memref<!tpu.dma_semaphore, #tpu.memory_space<semaphore_mem>>, %arg23: memref<!tpu.dma_semaphore, #tpu.memory_space<semaphore_mem>>) attributes {dimension_semantics = [#tpu.dimension_semantics<core_parallel>, #tpu.dimension_semantics<subcore_parallel>], iteration_bounds = array<i64: 2, 16>, scalar_prefetch = 0 : i64, scratch_operands = 18 : i64, tpu.core_type = #tpu.core_type<sc_vector_subcore>, window_params = [{transform_indices = #map}, {transform_indices = #map}, {transform_indices = #map}, {transform_indices = #map1}]} {
    %mul3A = arith.constant 2 : i32
    %mul3A_0 = arith.muli %arg1, %mul3A : i32
    %add3A = arith.addi %mul3A_0, %arg0 : i32
    %mul3A_1 = arith.constant 128 : i32
    %mul3A_2 = arith.muli %add3A, %mul3A_1 : i32
    "tpu.region"() ({
      %run_scoped3A = tpu.sem_alloc : memref<!tpu.dma_semaphore, #tpu.memory_space<semaphore_mem>>
      %dma_start3A_234 = arith.constant 0 : i32
      %dma_start3A_235 = arith.constant 0 : i32
      %dma_start3A_236 = tpu.memref_slice %arg6[%dma_start3A_234, %dma_start3A_235] : memref<128x201xi32, #tpu.memory_space<vmem>> -> memref<128x200xi32, #tpu.memory_space<vmem>>
      %dma_start3A_237 = arith.constant 0 : i32
      %dma_start3A_238 = tpu.memref_slice %arg2[%mul3A_2, %dma_start3A_237] : memref<4096x200xi32, #tpu.memory_space<hbm>> -> memref<128x200xi32, #tpu.memory_space<hbm>>
      %dma_start3A_239 = arith.constant 0 : i32
      %dma_start3A_240 = arith.constant 0 : i32
      %dma_start3A_241 = tpu.memref_slice %arg6[%dma_start3A_239, %dma_start3A_240] : memref<128x201xi32, #tpu.memory_space<vmem>> -> memref<128x200xi32, #tpu.memory_space<vmem>>
      %dma_start3A_242 = arith.constant 0 : i32
      %dma_start3A_243 = tpu.memref_slice %arg2[%mul3A_2, %dma_start3A_242] : memref<4096x200xi32, #tpu.memory_space<hbm>> -> memref<128x200xi32, #tpu.memory_space<hbm>>
      tpu.enqueue_dma source(%dma_start3A_243 : memref<128x200xi32, #tpu.memory_space<hbm>>) target(%dma_start3A_241 : memref<128x200xi32, #tpu.memory_space<vmem>>) target_semaphore(%run_scoped3A : memref<!tpu.dma_semaphore, #tpu.memory_space<semaphore_mem>>)
      %dma_wait3A_244 = arith.constant 0 : i32
      %dma_wait3A_245 = arith.constant 0 : i32
      %dma_wait3A_246 = tpu.memref_slice %arg6[%dma_wait3A_244, %dma_wait3A_245] : memref<128x201xi32, #tpu.memory_space<vmem>> -> memref<128x200xi32, #tpu.memory_space<vmem>>
      %dma_wait3A_247 = arith.constant 0 : i32
      %dma_wait3A_248 = tpu.memref_slice %arg2[%mul3A_2, %dma_wait3A_247] : memref<4096x200xi32, #tpu.memory_space<hbm>> -> memref<128x200xi32, #tpu.memory_space<hbm>>
      %dma_wait3A_249 = arith.constant 0 : i32
      %dma_wait3A_250 = arith.constant 0 : i32
      %dma_wait3A_251 = tpu.memref_slice %arg6[%dma_wait3A_249, %dma_wait3A_250] : memref<128x201xi32, #tpu.memory_space<vmem>> -> memref<128x200xi32, #tpu.memory_space<vmem>>
      %dma_wait3A_252 = arith.constant 0 : i32
      %dma_wait3A_253 = tpu.memref_slice %arg2[%mul3A_2, %dma_wait3A_252] : memref<4096x200xi32, #tpu.memory_space<hbm>> -> memref<128x200xi32, #tpu.memory_space<hbm>>
      tpu.wait_dma2 semaphore(%run_scoped3A : memref<!tpu.dma_semaphore, #tpu.memory_space<semaphore_mem>>) src(%dma_wait3A_253 : memref<128x200xi32, #tpu.memory_space<hbm>>) dst(%dma_wait3A_251 : memref<128x200xi32, #tpu.memory_space<vmem>>)
      tpu.yield
    }) : () -> ()
    "tpu.region"() ({
      %run_scoped3A = tpu.sem_alloc : memref<!tpu.dma_semaphore, #tpu.memory_space<semaphore_mem>>
      tpu.enqueue_dma source(%arg4 : memref<200x64xf32, #tpu.memory_space<hbm>>) target(%arg7 : memref<200x64xf32, #tpu.memory_space<vmem>>) target_semaphore(%run_scoped3A : memref<!tpu.dma_semaphore, #tpu.memory_space<semaphore_mem>>)
      tpu.wait_dma2 semaphore(%run_scoped3A : memref<!tpu.dma_semaphore, #tpu.memory_space<semaphore_mem>>) src(%arg4 : memref<200x64xf32, #tpu.memory_space<hbm>>) dst(%arg7 : memref<200x64xf32, #tpu.memory_space<vmem>>)
      tpu.yield
    }) : () -> ()
    %iota3A = tpu.iota {dimensions = array<i32: 0>} : vector<16xi32>
    %and3A = arith.constant 7 : i32
    %and3A_3 = vector.broadcast %and3A : i32 to vector<16xi32>
    %and3A_4 = arith.andi %iota3A, %and3A_3 : vector<16xi32>
    %shift_right_logical3A = arith.constant 3 : i32
    %shift_right_logical3A_5 = vector.broadcast %shift_right_logical3A : i32 to vector<16xi32>
    %shift_right_logical3A_6 = arith.shrui %iota3A, %shift_right_logical3A_5 : vector<16xi32>
    %add3A_7 = arith.constant 0 : i32
    %add3A_8 = vector.broadcast %add3A_7 : i32 to vector<16xi32>
    %add3A_9 = arith.addi %shift_right_logical3A_6, %add3A_8 : vector<16xi32>
    %shift_right_logical3A_10 = arith.constant 3 : i32
    %shift_right_logical3A_11 = vector.broadcast %shift_right_logical3A_10 : i32 to vector<16xi32>
    %shift_right_logical3A_12 = arith.shrui %iota3A, %shift_right_logical3A_11 : vector<16xi32>
    %add3A_13 = arith.constant 2 : i32
    %add3A_14 = vector.broadcast %add3A_13 : i32 to vector<16xi32>
    %add3A_15 = arith.addi %shift_right_logical3A_12, %add3A_14 : vector<16xi32>
    %shift_right_logical3A_16 = arith.constant 3 : i32
    %shift_right_logical3A_17 = vector.broadcast %shift_right_logical3A_16 : i32 to vector<16xi32>
    %shift_right_logical3A_18 = arith.shrui %iota3A, %shift_right_logical3A_17 : vector<16xi32>
    %add3A_19 = arith.constant 4 : i32
    %add3A_20 = vector.broadcast %add3A_19 : i32 to vector<16xi32>
    %add3A_21 = arith.addi %shift_right_logical3A_18, %add3A_20 : vector<16xi32>
    %shift_right_logical3A_22 = arith.constant 3 : i32
    %shift_right_logical3A_23 = vector.broadcast %shift_right_logical3A_22 : i32 to vector<16xi32>
    %shift_right_logical3A_24 = arith.shrui %iota3A, %shift_right_logical3A_23 : vector<16xi32>
    %add3A_25 = arith.constant 6 : i32
    %add3A_26 = vector.broadcast %add3A_25 : i32 to vector<16xi32>
    %add3A_27 = arith.addi %shift_right_logical3A_24, %add3A_26 : vector<16xi32>
    %broadcast_in_dim3A = arith.constant 0 : i32
    %broadcast_in_dim3A_28 = vector.broadcast %broadcast_in_dim3A : i32 to vector<16xi32>
    %add3A_29 = arith.constant 0 : i32
    %add3A_30 = vector.broadcast %add3A_29 : i32 to vector<16xi32>
    %add3A_31 = arith.addi %broadcast_in_dim3A_28, %add3A_30 : vector<16xi32>
    %add3A_32 = arith.constant 0 : i32
    %add3A_33 = vector.broadcast %add3A_32 : i32 to vector<16xi32>
    %add3A_34 = arith.addi %iota3A, %add3A_33 : vector<16xi32>
    %gather3A = tpu.vector_load_idx %arg6[%add3A_34, %add3A_31] : memref<128x201xi32, #tpu.memory_space<vmem>>[vector<16xi32>, vector<16xi32>], vector<16xi32>,
    %add3A_35 = arith.constant 16 : i32
    %add3A_36 = vector.broadcast %add3A_35 : i32 to vector<16xi32>
    %add3A_37 = arith.addi %iota3A, %add3A_36 : vector<16xi32>
    %gather3A_38 = tpu.vector_load_idx %arg6[%add3A_37, %add3A_31] : memref<128x201xi32, #tpu.memory_space<vmem>>[vector<16xi32>, vector<16xi32>], vector<16xi32>,
    %add3A_39 = arith.constant 32 : i32
    %add3A_40 = vector.broadcast %add3A_39 : i32 to vector<16xi32>
    %add3A_41 = arith.addi %iota3A, %add3A_40 : vector<16xi32>
    %gather3A_42 = tpu.vector_load_idx %arg6[%add3A_41, %add3A_31] : memref<128x201xi32, #tpu.memory_space<vmem>>[vector<16xi32>, vector<16xi32>], vector<16xi32>,
    %add3A_43 = arith.constant 48 : i32
    %add3A_44 = vector.broadcast %add3A_43 : i32 to vector<16xi32>
    %add3A_45 = arith.addi %iota3A, %add3A_44 : vector<16xi32>
    %gather3A_46 = tpu.vector_load_idx %arg6[%add3A_45, %add3A_31] : memref<128x201xi32, #tpu.memory_space<vmem>>[vector<16xi32>, vector<16xi32>], vector<16xi32>,
    %add3A_47 = arith.constant 64 : i32
    %add3A_48 = vector.broadcast %add3A_47 : i32 to vector<16xi32>
    %add3A_49 = arith.addi %iota3A, %add3A_48 : vector<16xi32>
    %gather3A_50 = tpu.vector_load_idx %arg6[%add3A_49, %add3A_31] : memref<128x201xi32, #tpu.memory_space<vmem>>[vector<16xi32>, vector<16xi32>], vector<16xi32>,
    %add3A_51 = arith.constant 80 : i32
    %add3A_52 = vector.broadcast %add3A_51 : i32 to vector<16xi32>
    %add3A_53 = arith.addi %iota3A, %add3A_52 : vector<16xi32>
    %gather3A_54 = tpu.vector_load_idx %arg6[%add3A_53, %add3A_31] : memref<128x201xi32, #tpu.memory_space<vmem>>[vector<16xi32>, vector<16xi32>], vector<16xi32>,
    %add3A_55 = arith.constant 96 : i32
    %add3A_56 = vector.broadcast %add3A_55 : i32 to vector<16xi32>
    %add3A_57 = arith.addi %iota3A, %add3A_56 : vector<16xi32>
    %gather3A_58 = tpu.vector_load_idx %arg6[%add3A_57, %add3A_31] : memref<128x201xi32, #tpu.memory_space<vmem>>[vector<16xi32>, vector<16xi32>], vector<16xi32>,
    %add3A_59 = arith.constant 112 : i32
    %add3A_60 = vector.broadcast %add3A_59 : i32 to vector<16xi32>
    %add3A_61 = arith.addi %iota3A, %add3A_60 : vector<16xi32>
    %gather3A_62 = tpu.vector_load_idx %arg6[%add3A_61, %add3A_31] : memref<128x201xi32, #tpu.memory_space<vmem>>[vector<16xi32>, vector<16xi32>], vector<16xi32>,
    %swap3A = arith.constant 0 : index
    %swap3A_63 = tpu.vector_load %arg8[%swap3A] {strides = array<i32>} : memref<128xi32, #tpu.memory_space<vmem>>, vector<16xi32>,
    tpu.vector_store %arg8[%swap3A], %gather3A {strides = array<i32>} : memref<128xi32, #tpu.memory_space<vmem>>, vector<16xi32>,
    %swap3A_64 = arith.constant 16 : index
    %swap3A_65 = tpu.vector_load %arg8[%swap3A_64] {strides = array<i32>} : memref<128xi32, #tpu.memory_space<vmem>>, vector<16xi32>,
    tpu.vector_store %arg8[%swap3A_64], %gather3A_38 {strides = array<i32>} : memref<128xi32, #tpu.memory_space<vmem>>, vector<16xi32>,
    %swap3A_66 = arith.constant 32 : index
    %swap3A_67 = tpu.vector_load %arg8[%swap3A_66] {strides = array<i32>} : memref<128xi32, #tpu.memory_space<vmem>>, vector<16xi32>,
    tpu.vector_store %arg8[%swap3A_66], %gather3A_42 {strides = array<i32>} : memref<128xi32, #tpu.memory_space<vmem>>, vector<16xi32>,
    %swap3A_68 = arith.constant 48 : index
    %swap3A_69 = tpu.vector_load %arg8[%swap3A_68] {strides = array<i32>} : memref<128xi32, #tpu.memory_space<vmem>>, vector<16xi32>,
    tpu.vector_store %arg8[%swap3A_68], %gather3A_46 {strides = array<i32>} : memref<128xi32, #tpu.memory_space<vmem>>, vector<16xi32>,
    %swap3A_70 = arith.constant 64 : index
    %swap3A_71 = tpu.vector_load %arg8[%swap3A_70] {strides = array<i32>} : memref<128xi32, #tpu.memory_space<vmem>>, vector<16xi32>,
    tpu.vector_store %arg8[%swap3A_70], %gather3A_50 {strides = array<i32>} : memref<128xi32, #tpu.memory_space<vmem>>, vector<16xi32>,
    %swap3A_72 = arith.constant 80 : index
    %swap3A_73 = tpu.vector_load %arg8[%swap3A_72] {strides = array<i32>} : memref<128xi32, #tpu.memory_space<vmem>>, vector<16xi32>,
    tpu.vector_store %arg8[%swap3A_72], %gather3A_54 {strides = array<i32>} : memref<128xi32, #tpu.memory_space<vmem>>, vector<16xi32>,
    %swap3A_74 = arith.constant 96 : index
    %swap3A_75 = tpu.vector_load %arg8[%swap3A_74] {strides = array<i32>} : memref<128xi32, #tpu.memory_space<vmem>>, vector<16xi32>,
    tpu.vector_store %arg8[%swap3A_74], %gather3A_58 {strides = array<i32>} : memref<128xi32, #tpu.memory_space<vmem>>, vector<16xi32>,
    %swap3A_76 = arith.constant 112 : index
    %swap3A_77 = tpu.vector_load %arg8[%swap3A_76] {strides = array<i32>} : memref<128xi32, #tpu.memory_space<vmem>>, vector<16xi32>,
    tpu.vector_store %arg8[%swap3A_76], %gather3A_62 {strides = array<i32>} : memref<128xi32, #tpu.memory_space<vmem>>, vector<16xi32>,
    %dma_start3A = arith.constant 0 : i32
    %dma_start3A_78 = arith.constant 0 : i32
    %dma_start3A_79 = tpu.memref_slice %arg3[%dma_start3A, %dma_start3A_78] : memref<1000000x128xf32, #tpu.memory_space<hbm>> -> memref<1000000x128xf32, #tpu.memory_space<hbm>>
    tpu.enqueue_indirect_dma source(%dma_start3A_79 : memref<1000000x128xf32, #tpu.memory_space<hbm>>) target(%arg12 : memref<128x128xf32, #tpu.memory_space<vmem>>) offsets(%arg8 : memref<128xi32, #tpu.memory_space<vmem>>) semaphore(%arg18 : memref<!tpu.dma_semaphore, #tpu.memory_space<semaphore_mem>>)
    %broadcast_in_dim3A_80 = arith.constant 0 : i32
    %broadcast_in_dim3A_81 = vector.broadcast %broadcast_in_dim3A_80 : i32 to vector<16xi32>
    %add3A_82 = arith.constant 1 : i32
    %add3A_83 = vector.broadcast %add3A_82 : i32 to vector<16xi32>
    %add3A_84 = arith.addi %broadcast_in_dim3A_81, %add3A_83 : vector<16xi32>
    %add3A_85 = arith.constant 0 : i32
    %add3A_86 = vector.broadcast %add3A_85 : i32 to vector<16xi32>
    %add3A_87 = arith.addi %iota3A, %add3A_86 : vector<16xi32>
    %gather3A_88 = tpu.vector_load_idx %arg6[%add3A_87, %add3A_84] : memref<128x201xi32, #tpu.memory_space<vmem>>[vector<16xi32>, vector<16xi32>], vector<16xi32>,
    %add3A_89 = arith.constant 16 : i32
    %add3A_90 = vector.broadcast %add3A_89 : i32 to vector<16xi32>
    %add3A_91 = arith.addi %iota3A, %add3A_90 : vector<16xi32>
    %gather3A_92 = tpu.vector_load_idx %arg6[%add3A_91, %add3A_84] : memref<128x201xi32, #tpu.memory_space<vmem>>[vector<16xi32>, vector<16xi32>], vector<16xi32>,
    %add3A_93 = arith.constant 32 : i32
    %add3A_94 = vector.broadcast %add3A_93 : i32 to vector<16xi32>
    %add3A_95 = arith.addi %iota3A, %add3A_94 : vector<16xi32>
    %gather3A_96 = tpu.vector_load_idx %arg6[%add3A_95, %add3A_84] : memref<128x201xi32, #tpu.memory_space<vmem>>[vector<16xi32>, vector<16xi32>], vector<16xi32>,
    %add3A_97 = arith.constant 48 : i32
    %add3A_98 = vector.broadcast %add3A_97 : i32 to vector<16xi32>
    %add3A_99 = arith.addi %iota3A, %add3A_98 : vector<16xi32>
    %gather3A_100 = tpu.vector_load_idx %arg6[%add3A_99, %add3A_84] : memref<128x201xi32, #tpu.memory_space<vmem>>[vector<16xi32>, vector<16xi32>], vector<16xi32>,
    %add3A_101 = arith.constant 64 : i32
    %add3A_102 = vector.broadcast %add3A_101 : i32 to vector<16xi32>
    %add3A_103 = arith.addi %iota3A, %add3A_102 : vector<16xi32>
    %gather3A_104 = tpu.vector_load_idx %arg6[%add3A_103, %add3A_84] : memref<128x201xi32, #tpu.memory_space<vmem>>[vector<16xi32>, vector<16xi32>], vector<16xi32>,
    %add3A_105 = arith.constant 80 : i32
    %add3A_106 = vector.broadcast %add3A_105 : i32 to vector<16xi32>
    %add3A_107 = arith.addi %iota3A, %add3A_106 : vector<16xi32>
    %gather3A_108 = tpu.vector_load_idx %arg6[%add3A_107, %add3A_84] : memref<128x201xi32, #tpu.memory_space<vmem>>[vector<16xi32>, vector<16xi32>], vector<16xi32>,
    %add3A_109 = arith.constant 96 : i32
    %add3A_110 = vector.broadcast %add3A_109 : i32 to vector<16xi32>
    %add3A_111 = arith.addi %iota3A, %add3A_110 : vector<16xi32>
    %gather3A_112 = tpu.vector_load_idx %arg6[%add3A_111, %add3A_84] : memref<128x201xi32, #tpu.memory_space<vmem>>[vector<16xi32>, vector<16xi32>], vector<16xi32>,
    %add3A_113 = arith.constant 112 : i32
    %add3A_114 = vector.broadcast %add3A_113 : i32 to vector<16xi32>
    %add3A_115 = arith.addi %iota3A, %add3A_114 : vector<16xi32>
    %gather3A_116 = tpu.vector_load_idx %arg6[%add3A_115, %add3A_84] : memref<128x201xi32, #tpu.memory_space<vmem>>[vector<16xi32>, vector<16xi32>], vector<16xi32>,
    %swap3A_117 = arith.constant 0 : index
    %swap3A_118 = tpu.vector_load %arg9[%swap3A_117] {strides = array<i32>} : memref<128xi32, #tpu.memory_space<vmem>>, vector<16xi32>,
    tpu.vector_store %arg9[%swap3A_117], %gather3A_88 {strides = array<i32>} : memref<128xi32, #tpu.memory_space<vmem>>, vector<16xi32>,
    %swap3A_119 = arith.constant 16 : index
    %swap3A_120 = tpu.vector_load %arg9[%swap3A_119] {strides = array<i32>} : memref<128xi32, #tpu.memory_space<vmem>>, vector<16xi32>,
    tpu.vector_store %arg9[%swap3A_119], %gather3A_92 {strides = array<i32>} : memref<128xi32, #tpu.memory_space<vmem>>, vector<16xi32>,
    %swap3A_121 = arith.constant 32 : index
    %swap3A_122 = tpu.vector_load %arg9[%swap3A_121] {strides = array<i32>} : memref<128xi32, #tpu.memory_space<vmem>>, vector<16xi32>,
    tpu.vector_store %arg9[%swap3A_121], %gather3A_96 {strides = array<i32>} : memref<128xi32, #tpu.memory_space<vmem>>, vector<16xi32>,
    %swap3A_123 = arith.constant 48 : index
    %swap3A_124 = tpu.vector_load %arg9[%swap3A_123] {strides = array<i32>} : memref<128xi32, #tpu.memory_space<vmem>>, vector<16xi32>,
    tpu.vector_store %arg9[%swap3A_123], %gather3A_100 {strides = array<i32>} : memref<128xi32, #tpu.memory_space<vmem>>, vector<16xi32>,
    %swap3A_125 = arith.constant 64 : index
    %swap3A_126 = tpu.vector_load %arg9[%swap3A_125] {strides = array<i32>} : memref<128xi32, #tpu.memory_space<vmem>>, vector<16xi32>,
    tpu.vector_store %arg9[%swap3A_125], %gather3A_104 {strides = array<i32>} : memref<128xi32, #tpu.memory_space<vmem>>, vector<16xi32>,
    %swap3A_127 = arith.constant 80 : index
    %swap3A_128 = tpu.vector_load %arg9[%swap3A_127] {strides = array<i32>} : memref<128xi32, #tpu.memory_space<vmem>>, vector<16xi32>,
    tpu.vector_store %arg9[%swap3A_127], %gather3A_108 {strides = array<i32>} : memref<128xi32, #tpu.memory_space<vmem>>, vector<16xi32>,
    %swap3A_129 = arith.constant 96 : index
    %swap3A_130 = tpu.vector_load %arg9[%swap3A_129] {strides = array<i32>} : memref<128xi32, #tpu.memory_space<vmem>>, vector<16xi32>,
    tpu.vector_store %arg9[%swap3A_129], %gather3A_112 {strides = array<i32>} : memref<128xi32, #tpu.memory_space<vmem>>, vector<16xi32>,
    %swap3A_131 = arith.constant 112 : index
    %swap3A_132 = tpu.vector_load %arg9[%swap3A_131] {strides = array<i32>} : memref<128xi32, #tpu.memory_space<vmem>>, vector<16xi32>,
    tpu.vector_store %arg9[%swap3A_131], %gather3A_116 {strides = array<i32>} : memref<128xi32, #tpu.memory_space<vmem>>, vector<16xi32>,
    %dma_start3A_133 = arith.constant 0 : i32
    %dma_start3A_134 = arith.constant 0 : i32
    %dma_start3A_135 = tpu.memref_slice %arg3[%dma_start3A_133, %dma_start3A_134] : memref<1000000x128xf32, #tpu.memory_space<hbm>> -> memref<1000000x128xf32, #tpu.memory_space<hbm>>
    tpu.enqueue_indirect_dma source(%dma_start3A_135 : memref<1000000x128xf32, #tpu.memory_space<hbm>>) target(%arg13 : memref<128x128xf32, #tpu.memory_space<vmem>>) offsets(%arg9 : memref<128xi32, #tpu.memory_space<vmem>>) semaphore(%arg19 : memref<!tpu.dma_semaphore, #tpu.memory_space<semaphore_mem>>)
    %broadcast_in_dim3A_136 = arith.constant 0 : i32
    %broadcast_in_dim3A_137 = vector.broadcast %broadcast_in_dim3A_136 : i32 to vector<16xi32>
    %add3A_138 = arith.constant 2 : i32
    %add3A_139 = vector.broadcast %add3A_138 : i32 to vector<16xi32>
    %add3A_140 = arith.addi %broadcast_in_dim3A_137, %add3A_139 : vector<16xi32>
    %add3A_141 = arith.constant 0 : i32
    %add3A_142 = vector.broadcast %add3A_141 : i32 to vector<16xi32>
    %add3A_143 = arith.addi %iota3A, %add3A_142 : vector<16xi32>
    %gather3A_144 = tpu.vector_load_idx %arg6[%add3A_143, %add3A_140] : memref<128x201xi32, #tpu.memory_space<vmem>>[vector<16xi32>, vector<16xi32>], vector<16xi32>,
    %add3A_145 = arith.constant 16 : i32
    %add3A_146 = vector.broadcast %add3A_145 : i32 to vector<16xi32>
    %add3A_147 = arith.addi %iota3A, %add3A_146 : vector<16xi32>
    %gather3A_148 = tpu.vector_load_idx %arg6[%add3A_147, %add3A_140] : memref<128x201xi32, #tpu.memory_space<vmem>>[vector<16xi32>, vector<16xi32>], vector<16xi32>,
    %add3A_149 = arith.constant 32 : i32
    %add3A_150 = vector.broadcast %add3A_149 : i32 to vector<16xi32>
    %add3A_151 = arith.addi %iota3A, %add3A_150 : vector<16xi32>
    %gather3A_152 = tpu.vector_load_idx %arg6[%add3A_151, %add3A_140] : memref<128x201xi32, #tpu.memory_space<vmem>>[vector<16xi32>, vector<16xi32>], vector<16xi32>,
    %add3A_153 = arith.constant 48 : i32
    %add3A_154 = vector.broadcast %add3A_153 : i32 to vector<16xi32>
    %add3A_155 = arith.addi %iota3A, %add3A_154 : vector<16xi32>
    %gather3A_156 = tpu.vector_load_idx %arg6[%add3A_155, %add3A_140] : memref<128x201xi32, #tpu.memory_space<vmem>>[vector<16xi32>, vector<16xi32>], vector<16xi32>,
    %add3A_157 = arith.constant 64 : i32
    %add3A_158 = vector.broadcast %add3A_157 : i32 to vector<16xi32>
    %add3A_159 = arith.addi %iota3A, %add3A_158 : vector<16xi32>
    %gather3A_160 = tpu.vector_load_idx %arg6[%add3A_159, %add3A_140] : memref<128x201xi32, #tpu.memory_space<vmem>>[vector<16xi32>, vector<16xi32>], vector<16xi32>,
    %add3A_161 = arith.constant 80 : i32
    %add3A_162 = vector.broadcast %add3A_161 : i32 to vector<16xi32>
    %add3A_163 = arith.addi %iota3A, %add3A_162 : vector<16xi32>
    %gather3A_164 = tpu.vector_load_idx %arg6[%add3A_163, %add3A_140] : memref<128x201xi32, #tpu.memory_space<vmem>>[vector<16xi32>, vector<16xi32>], vector<16xi32>,
    %add3A_165 = arith.constant 96 : i32
    %add3A_166 = vector.broadcast %add3A_165 : i32 to vector<16xi32>
    %add3A_167 = arith.addi %iota3A, %add3A_166 : vector<16xi32>
    %gather3A_168 = tpu.vector_load_idx %arg6[%add3A_167, %add3A_140] : memref<128x201xi32, #tpu.memory_space<vmem>>[vector<16xi32>, vector<16xi32>], vector<16xi32>,
    %add3A_169 = arith.constant 112 : i32
    %add3A_170 = vector.broadcast %add3A_169 : i32 to vector<16xi32>
    %add3A_171 = arith.addi %iota3A, %add3A_170 : vector<16xi32>
    %gather3A_172 = tpu.vector_load_idx %arg6[%add3A_171, %add3A_140] : memref<128x201xi32, #tpu.memory_space<vmem>>[vector<16xi32>, vector<16xi32>], vector<16xi32>,
    %swap3A_173 = arith.constant 0 : index
    %swap3A_174 = tpu.vector_load %arg10[%swap3A_173] {strides = array<i32>} : memref<128xi32, #tpu.memory_space<vmem>>, vector<16xi32>,
    tpu.vector_store %arg10[%swap3A_173], %gather3A_144 {strides = array<i32>} : memref<128xi32, #tpu.memory_space<vmem>>, vector<16xi32>,
    %swap3A_175 = arith.constant 16 : index
    %swap3A_176 = tpu.vector_load %arg10[%swap3A_175] {strides = array<i32>} : memref<128xi32, #tpu.memory_space<vmem>>, vector<16xi32>,
    tpu.vector_store %arg10[%swap3A_175], %gather3A_148 {strides = array<i32>} : memref<128xi32, #tpu.memory_space<vmem>>, vector<16xi32>,
    %swap3A_177 = arith.constant 32 : index
    %swap3A_178 = tpu.vector_load %arg10[%swap3A_177] {strides = array<i32>} : memref<128xi32, #tpu.memory_space<vmem>>, vector<16xi32>,
    tpu.vector_store %arg10[%swap3A_177], %gather3A_152 {strides = array<i32>} : memref<128xi32, #tpu.memory_space<vmem>>, vector<16xi32>,
    %swap3A_179 = arith.constant 48 : index
    %swap3A_180 = tpu.vector_load %arg10[%swap3A_179] {strides = array<i32>} : memref<128xi32, #tpu.memory_space<vmem>>, vector<16xi32>,
    tpu.vector_store %arg10[%swap3A_179], %gather3A_156 {strides = array<i32>} : memref<128xi32, #tpu.memory_space<vmem>>, vector<16xi32>,
    %swap3A_181 = arith.constant 64 : index
    %swap3A_182 = tpu.vector_load %arg10[%swap3A_181] {strides = array<i32>} : memref<128xi32, #tpu.memory_space<vmem>>, vector<16xi32>,
    tpu.vector_store %arg10[%swap3A_181], %gather3A_160 {strides = array<i32>} : memref<128xi32, #tpu.memory_space<vmem>>, vector<16xi32>,
    %swap3A_183 = arith.constant 80 : index
    %swap3A_184 = tpu.vector_load %arg10[%swap3A_183] {strides = array<i32>} : memref<128xi32, #tpu.memory_space<vmem>>, vector<16xi32>,
    tpu.vector_store %arg10[%swap3A_183], %gather3A_164 {strides = array<i32>} : memref<128xi32, #tpu.memory_space<vmem>>, vector<16xi32>,
    %swap3A_185 = arith.constant 96 : index
    %swap3A_186 = tpu.vector_load %arg10[%swap3A_185] {strides = array<i32>} : memref<128xi32, #tpu.memory_space<vmem>>, vector<16xi32>,
    tpu.vector_store %arg10[%swap3A_185], %gather3A_168 {strides = array<i32>} : memref<128xi32, #tpu.memory_space<vmem>>, vector<16xi32>,
    %swap3A_187 = arith.constant 112 : index
    %swap3A_188 = tpu.vector_load %arg10[%swap3A_187] {strides = array<i32>} : memref<128xi32, #tpu.memory_space<vmem>>, vector<16xi32>,
    tpu.vector_store %arg10[%swap3A_187], %gather3A_172 {strides = array<i32>} : memref<128xi32, #tpu.memory_space<vmem>>, vector<16xi32>,
    %dma_start3A_189 = arith.constant 0 : i32
    %dma_start3A_190 = arith.constant 0 : i32
    %dma_start3A_191 = tpu.memref_slice %arg3[%dma_start3A_189, %dma_start3A_190] : memref<1000000x128xf32, #tpu.memory_space<hbm>> -> memref<1000000x128xf32, #tpu.memory_space<hbm>>
    tpu.enqueue_indirect_dma source(%dma_start3A_191 : memref<1000000x128xf32, #tpu.memory_space<hbm>>) target(%arg14 : memref<128x128xf32, #tpu.memory_space<vmem>>) offsets(%arg10 : memref<128xi32, #tpu.memory_space<vmem>>) semaphore(%arg20 : memref<!tpu.dma_semaphore, #tpu.memory_space<semaphore_mem>>)
    %scan3A = arith.constant 0 : i32
    %scan3A_192 = arith.constant 0 : i32
    %scan3A_193 = arith.constant 50 : i32
    %scan3A_194 = arith.addi %scan3A_192, %scan3A_193 : i32
    %scan3A_195 = arith.constant 1 : i32
    scf.for %scan3A_234 = %scan3A_192 to %scan3A_194 step %scan3A_195  : i32 {
      %mul3A_235 = arith.constant 4 : i32
      %mul3A_236 = arith.muli %scan3A_234, %mul3A_235 : i32
      %add3A_237 = arith.constant 0 : i32
      %add3A_238 = arith.addi %mul3A_236, %add3A_237 : i32
      %add3A_239 = arith.constant 3 : i32
      %add3A_240 = arith.addi %add3A_238, %add3A_239 : i32
      %lt3A = arith.constant 200 : i32
      %lt3A_241 = arith.cmpi slt, %add3A_240, %lt3A : i32
      %convert_element_type3A = arith.extui %lt3A_241 : i1 to i32
      %cond3A = arith.constant 0 : i32
      %cond3A_242 = arith.cmpi ne, %convert_element_type3A, %cond3A : i32
      scf.if %cond3A_242 {
        %add3A_462 = arith.constant 3 : i32
        %add3A_463 = arith.addi %add3A_238, %add3A_462 : i32
        %broadcast_in_dim3A_464 = arith.constant 0 : i32
        %broadcast_in_dim3A_465 = vector.broadcast %broadcast_in_dim3A_464 : i32 to vector<16xi32>
        %add3A_466 = vector.broadcast %add3A_463 : i32 to vector<16xi32>
        %add3A_467 = arith.addi %broadcast_in_dim3A_465, %add3A_466 : vector<16xi32>
        %add3A_468 = arith.constant 0 : i32
        %add3A_469 = vector.broadcast %add3A_468 : i32 to vector<16xi32>
        %add3A_470 = arith.addi %iota3A, %add3A_469 : vector<16xi32>
        %gather3A_471 = tpu.vector_load_idx %arg6[%add3A_470, %add3A_467] : memref<128x201xi32, #tpu.memory_space<vmem>>[vector<16xi32>, vector<16xi32>], vector<16xi32>,
        %add3A_472 = arith.constant 16 : i32
        %add3A_473 = vector.broadcast %add3A_472 : i32 to vector<16xi32>
        %add3A_474 = arith.addi %iota3A, %add3A_473 : vector<16xi32>
        %gather3A_475 = tpu.vector_load_idx %arg6[%add3A_474, %add3A_467] : memref<128x201xi32, #tpu.memory_space<vmem>>[vector<16xi32>, vector<16xi32>], vector<16xi32>,
        %add3A_476 = arith.constant 32 : i32
        %add3A_477 = vector.broadcast %add3A_476 : i32 to vector<16xi32>
        %add3A_478 = arith.addi %iota3A, %add3A_477 : vector<16xi32>
        %gather3A_479 = tpu.vector_load_idx %arg6[%add3A_478, %add3A_467] : memref<128x201xi32, #tpu.memory_space<vmem>>[vector<16xi32>, vector<16xi32>], vector<16xi32>,
        %add3A_480 = arith.constant 48 : i32
        %add3A_481 = vector.broadcast %add3A_480 : i32 to vector<16xi32>
        %add3A_482 = arith.addi %iota3A, %add3A_481 : vector<16xi32>
        %gather3A_483 = tpu.vector_load_idx %arg6[%add3A_482, %add3A_467] : memref<128x201xi32, #tpu.memory_space<vmem>>[vector<16xi32>, vector<16xi32>], vector<16xi32>,
        %add3A_484 = arith.constant 64 : i32
        %add3A_485 = vector.broadcast %add3A_484 : i32 to vector<16xi32>
        %add3A_486 = arith.addi %iota3A, %add3A_485 : vector<16xi32>
        %gather3A_487 = tpu.vector_load_idx %arg6[%add3A_486, %add3A_467] : memref<128x201xi32, #tpu.memory_space<vmem>>[vector<16xi32>, vector<16xi32>], vector<16xi32>,
        %add3A_488 = arith.constant 80 : i32
        %add3A_489 = vector.broadcast %add3A_488 : i32 to vector<16xi32>
        %add3A_490 = arith.addi %iota3A, %add3A_489 : vector<16xi32>
        %gather3A_491 = tpu.vector_load_idx %arg6[%add3A_490, %add3A_467] : memref<128x201xi32, #tpu.memory_space<vmem>>[vector<16xi32>, vector<16xi32>], vector<16xi32>,
        %add3A_492 = arith.constant 96 : i32
        %add3A_493 = vector.broadcast %add3A_492 : i32 to vector<16xi32>
        %add3A_494 = arith.addi %iota3A, %add3A_493 : vector<16xi32>
        %gather3A_495 = tpu.vector_load_idx %arg6[%add3A_494, %add3A_467] : memref<128x201xi32, #tpu.memory_space<vmem>>[vector<16xi32>, vector<16xi32>], vector<16xi32>,
        %add3A_496 = arith.constant 112 : i32
        %add3A_497 = vector.broadcast %add3A_496 : i32 to vector<16xi32>
        %add3A_498 = arith.addi %iota3A, %add3A_497 : vector<16xi32>
        %gather3A_499 = tpu.vector_load_idx %arg6[%add3A_498, %add3A_467] : memref<128x201xi32, #tpu.memory_space<vmem>>[vector<16xi32>, vector<16xi32>], vector<16xi32>,
        %swap3A_500 = arith.constant 0 : index
        %swap3A_501 = tpu.vector_load %arg11[%swap3A_500] {strides = array<i32>} : memref<128xi32, #tpu.memory_space<vmem>>, vector<16xi32>,
        tpu.vector_store %arg11[%swap3A_500], %gather3A_471 {strides = array<i32>} : memref<128xi32, #tpu.memory_space<vmem>>, vector<16xi32>,
        %swap3A_502 = arith.constant 16 : index
        %swap3A_503 = tpu.vector_load %arg11[%swap3A_502] {strides = array<i32>} : memref<128xi32, #tpu.memory_space<vmem>>, vector<16xi32>,
        tpu.vector_store %arg11[%swap3A_502], %gather3A_475 {strides = array<i32>} : memref<128xi32, #tpu.memory_space<vmem>>, vector<16xi32>,
        %swap3A_504 = arith.constant 32 : index
        %swap3A_505 = tpu.vector_load %arg11[%swap3A_504] {strides = array<i32>} : memref<128xi32, #tpu.memory_space<vmem>>, vector<16xi32>,
        tpu.vector_store %arg11[%swap3A_504], %gather3A_479 {strides = array<i32>} : memref<128xi32, #tpu.memory_space<vmem>>, vector<16xi32>,
        %swap3A_506 = arith.constant 48 : index
        %swap3A_507 = tpu.vector_load %arg11[%swap3A_506] {strides = array<i32>} : memref<128xi32, #tpu.memory_space<vmem>>, vector<16xi32>,
        tpu.vector_store %arg11[%swap3A_506], %gather3A_483 {strides = array<i32>} : memref<128xi32, #tpu.memory_space<vmem>>, vector<16xi32>,
        %swap3A_508 = arith.constant 64 : index
        %swap3A_509 = tpu.vector_load %arg11[%swap3A_508] {strides = array<i32>} : memref<128xi32, #tpu.memory_space<vmem>>, vector<16xi32>,
        tpu.vector_store %arg11[%swap3A_508], %gather3A_487 {strides = array<i32>} : memref<128xi32, #tpu.memory_space<vmem>>, vector<16xi32>,
        %swap3A_510 = arith.constant 80 : index
        %swap3A_511 = tpu.vector_load %arg11[%swap3A_510] {strides = array<i32>} : memref<128xi32, #tpu.memory_space<vmem>>, vector<16xi32>,
        tpu.vector_store %arg11[%swap3A_510], %gather3A_491 {strides = array<i32>} : memref<128xi32, #tpu.memory_space<vmem>>, vector<16xi32>,
        %swap3A_512 = arith.constant 96 : index
        %swap3A_513 = tpu.vector_load %arg11[%swap3A_512] {strides = array<i32>} : memref<128xi32, #tpu.memory_space<vmem>>, vector<16xi32>,
        tpu.vector_store %arg11[%swap3A_512], %gather3A_495 {strides = array<i32>} : memref<128xi32, #tpu.memory_space<vmem>>, vector<16xi32>,
        %swap3A_514 = arith.constant 112 : index
        %swap3A_515 = tpu.vector_load %arg11[%swap3A_514] {strides = array<i32>} : memref<128xi32, #tpu.memory_space<vmem>>, vector<16xi32>,
        tpu.vector_store %arg11[%swap3A_514], %gather3A_499 {strides = array<i32>} : memref<128xi32, #tpu.memory_space<vmem>>, vector<16xi32>,
        %dma_start3A_516 = arith.constant 0 : i32
        %dma_start3A_517 = arith.constant 0 : i32
        %dma_start3A_518 = tpu.memref_slice %arg3[%dma_start3A_516, %dma_start3A_517] : memref<1000000x128xf32, #tpu.memory_space<hbm>> -> memref<1000000x128xf32, #tpu.memory_space<hbm>>
        tpu.enqueue_indirect_dma source(%dma_start3A_518 : memref<1000000x128xf32, #tpu.memory_space<hbm>>) target(%arg15 : memref<128x128xf32, #tpu.memory_space<vmem>>) offsets(%arg11 : memref<128xi32, #tpu.memory_space<vmem>>) semaphore(%arg21 : memref<!tpu.dma_semaphore, #tpu.memory_space<semaphore_mem>>)
      } else {
      }
      %dma_wait3A_243 = arith.constant 0 : i32
      %dma_wait3A_244 = arith.constant 0 : i32
      %dma_wait3A_245 = tpu.memref_slice %arg3[%dma_wait3A_243, %dma_wait3A_244] : memref<1000000x128xf32, #tpu.memory_space<hbm>> -> memref<128x128xf32, #tpu.memory_space<hbm>>
      %dma_wait3A_246 = arith.constant 0 : i32
      %dma_wait3A_247 = arith.constant 0 : i32
      %dma_wait3A_248 = tpu.memref_slice %arg3[%dma_wait3A_246, %dma_wait3A_247] : memref<1000000x128xf32, #tpu.memory_space<hbm>> -> memref<128x128xf32, #tpu.memory_space<hbm>>
      tpu.wait_dma2 semaphore(%arg18 : memref<!tpu.dma_semaphore, #tpu.memory_space<semaphore_mem>>) src(%dma_wait3A_248 : memref<128x128xf32, #tpu.memory_space<hbm>>) dst(%arg12 : memref<128x128xf32, #tpu.memory_space<vmem>>)
      %ge3A = arith.constant 2 : i32
      %ge3A_249 = arith.cmpi sge, %add3A_238, %ge3A : i32
      %convert_element_type3A_250 = arith.extui %ge3A_249 : i1 to i32
      %cond3A_251 = arith.constant 0 : i32
      %cond3A_252 = arith.cmpi ne, %convert_element_type3A_250, %cond3A_251 : i32
      scf.if %cond3A_252 {
        %dma_wait3A_462 = arith.constant 0 : i32
        %dma_wait3A_463 = arith.constant 0 : i32
        %dma_wait3A_464 = arith.constant 0 : i32
        %dma_wait3A_465 = arith.constant 0 : i32
        %dma_wait3A_466 = tpu.memref_slice %arg16[%dma_wait3A_463, %dma_wait3A_464, %dma_wait3A_465] : memref<8x8x129xf32, #tpu.memory_space<vmem>> -> memref<8x8x128xf32, #tpu.memory_space<vmem>>
        %dma_wait3A_467 = arith.constant 0 : i32
        %dma_wait3A_468 = arith.constant 0 : i32
        %dma_wait3A_469 = arith.constant 0 : i32
        %dma_wait3A_470 = tpu.memref_slice %arg5[%dma_wait3A_462, %dma_wait3A_467, %add3A, %dma_wait3A_468, %dma_wait3A_469] : memref<200x8x32x8x128xf32, #tpu.memory_space<hbm>> -> memref<1x8x1x8x128xf32, #tpu.memory_space<hbm>>
        %dma_wait3A_471 = tpu.memref_squeeze %dma_wait3A_470 : memref<1x8x1x8x128xf32, #tpu.memory_space<hbm>> -> memref<8x8x128xf32, #tpu.memory_space<hbm>>
        %dma_wait3A_472 = arith.constant 0 : i32
        %dma_wait3A_473 = arith.constant 0 : i32
        %dma_wait3A_474 = arith.constant 0 : i32
        %dma_wait3A_475 = tpu.memref_slice %arg5[%dma_wait3A_462, %dma_wait3A_472, %add3A, %dma_wait3A_473, %dma_wait3A_474] : memref<200x8x32x8x128xf32, #tpu.memory_space<hbm>> -> memref<1x8x1x8x128xf32, #tpu.memory_space<hbm>>
        %dma_wait3A_476 = tpu.memref_squeeze %dma_wait3A_475 : memref<1x8x1x8x128xf32, #tpu.memory_space<hbm>> -> memref<8x8x128xf32, #tpu.memory_space<hbm>>
        %dma_wait3A_477 = arith.constant 0 : i32
        %dma_wait3A_478 = arith.constant 0 : i32
        %dma_wait3A_479 = arith.constant 0 : i32
        %dma_wait3A_480 = tpu.memref_slice %arg16[%dma_wait3A_477, %dma_wait3A_478, %dma_wait3A_479] : memref<8x8x129xf32, #tpu.memory_space<vmem>> -> memref<8x8x128xf32, #tpu.memory_space<vmem>>
        tpu.wait_dma2 semaphore(%arg22 : memref<!tpu.dma_semaphore, #tpu.memory_space<semaphore_mem>>) src(%dma_wait3A_480 : memref<8x8x128xf32, #tpu.memory_space<vmem>>) dst(%dma_wait3A_476 : memref<8x8x128xf32, #tpu.memory_space<hbm>>)
      } else {
      }
      %get3A = arith.index_cast %add3A_238 : i32 to index
      %get3A_253 = arith.constant 0 : index
      %get3A_254 = tpu.vector_load %arg7[%get3A, %get3A_253] {strides = array<i32>} : memref<200x64xf32, #tpu.memory_space<vmem>>, vector<16xf32>,
      %get3A_255 = arith.index_cast %add3A_238 : i32 to index
      %get3A_256 = arith.constant 16 : index
      %get3A_257 = tpu.vector_load %arg7[%get3A_255, %get3A_256] {strides = array<i32>} : memref<200x64xf32, #tpu.memory_space<vmem>>, vector<16xf32>,
      %get3A_258 = arith.index_cast %add3A_238 : i32 to index
      %get3A_259 = arith.constant 32 : index
      %get3A_260 = tpu.vector_load %arg7[%get3A_258, %get3A_259] {strides = array<i32>} : memref<200x64xf32, #tpu.memory_space<vmem>>, vector<16xf32>,
      %get3A_261 = arith.index_cast %add3A_238 : i32 to index
      %get3A_262 = arith.constant 48 : index
      %get3A_263 = tpu.vector_load %arg7[%get3A_261, %get3A_262] {strides = array<i32>} : memref<200x64xf32, #tpu.memory_space<vmem>>, vector<16xf32>,
      %scan3A_264 = arith.constant 0 : i32
      %scan3A_265 = arith.constant 0 : i32
      %scan3A_266 = arith.constant 16 : i32
      %scan3A_267 = arith.addi %scan3A_265, %scan3A_266 : i32
      %scan3A_268 = arith.constant 1 : i32
      scf.for %scan3A_462 = %scan3A_265 to %scan3A_267 step %scan3A_268  : i32 {
        %mul3A_463 = arith.constant 8 : i32
        %mul3A_464 = arith.muli %scan3A_462, %mul3A_463 : i32
        %add3A_465 = arith.constant 0 : i32
        %add3A_466 = arith.addi %mul3A_464, %add3A_465 : i32
        %get3A_467 = arith.index_cast %add3A_466 : i32 to index
        %get3A_468 = arith.constant 0 : index
        %get3A_469 = tpu.vector_load %arg12[%get3A_467, %get3A_468] {strides = array<i32>} : memref<128x128xf32, #tpu.memory_space<vmem>>, vector<16xf32>,
        %add3A_470 = arith.constant 0 : i32
        %add3A_471 = arith.addi %mul3A_464, %add3A_470 : i32
        %get3A_472 = arith.index_cast %add3A_471 : i32 to index
        %get3A_473 = arith.constant 16 : index
        %get3A_474 = tpu.vector_load %arg12[%get3A_472, %get3A_473] {strides = array<i32>} : memref<128x128xf32, #tpu.memory_space<vmem>>, vector<16xf32>,
        %add3A_475 = arith.constant 0 : i32
        %add3A_476 = arith.addi %mul3A_464, %add3A_475 : i32
        %get3A_477 = arith.index_cast %add3A_476 : i32 to index
        %get3A_478 = arith.constant 32 : index
        %get3A_479 = tpu.vector_load %arg12[%get3A_477, %get3A_478] {strides = array<i32>} : memref<128x128xf32, #tpu.memory_space<vmem>>, vector<16xf32>,
        %add3A_480 = arith.constant 0 : i32
        %add3A_481 = arith.addi %mul3A_464, %add3A_480 : i32
        %get3A_482 = arith.index_cast %add3A_481 : i32 to index
        %get3A_483 = arith.constant 48 : index
        %get3A_484 = tpu.vector_load %arg12[%get3A_482, %get3A_483] {strides = array<i32>} : memref<128x128xf32, #tpu.memory_space<vmem>>, vector<16xf32>,
        %add3A_485 = arith.constant 1 : i32
        %add3A_486 = arith.addi %mul3A_464, %add3A_485 : i32
        %get3A_487 = arith.index_cast %add3A_486 : i32 to index
        %get3A_488 = arith.constant 0 : index
        %get3A_489 = tpu.vector_load %arg12[%get3A_487, %get3A_488] {strides = array<i32>} : memref<128x128xf32, #tpu.memory_space<vmem>>, vector<16xf32>,
        %add3A_490 = arith.constant 1 : i32
        %add3A_491 = arith.addi %mul3A_464, %add3A_490 : i32
        %get3A_492 = arith.index_cast %add3A_491 : i32 to index
        %get3A_493 = arith.constant 16 : index
        %get3A_494 = tpu.vector_load %arg12[%get3A_492, %get3A_493] {strides = array<i32>} : memref<128x128xf32, #tpu.memory_space<vmem>>, vector<16xf32>,
        %add3A_495 = arith.constant 1 : i32
        %add3A_496 = arith.addi %mul3A_464, %add3A_495 : i32
        %get3A_497 = arith.index_cast %add3A_496 : i32 to index
        %get3A_498 = arith.constant 32 : index
        %get3A_499 = tpu.vector_load %arg12[%get3A_497, %get3A_498] {strides = array<i32>} : memref<128x128xf32, #tpu.memory_space<vmem>>, vector<16xf32>,
        %add3A_500 = arith.constant 1 : i32
        %add3A_501 = arith.addi %mul3A_464, %add3A_500 : i32
        %get3A_502 = arith.index_cast %add3A_501 : i32 to index
        %get3A_503 = arith.constant 48 : index
        %get3A_504 = tpu.vector_load %arg12[%get3A_502, %get3A_503] {strides = array<i32>} : memref<128x128xf32, #tpu.memory_space<vmem>>, vector<16xf32>,
        %add3A_505 = arith.constant 2 : i32
        %add3A_506 = arith.addi %mul3A_464, %add3A_505 : i32
        %get3A_507 = arith.index_cast %add3A_506 : i32 to index
        %get3A_508 = arith.constant 0 : index
        %get3A_509 = tpu.vector_load %arg12[%get3A_507, %get3A_508] {strides = array<i32>} : memref<128x128xf32, #tpu.memory_space<vmem>>, vector<16xf32>,
        %add3A_510 = arith.constant 2 : i32
        %add3A_511 = arith.addi %mul3A_464, %add3A_510 : i32
        %get3A_512 = arith.index_cast %add3A_511 : i32 to index
        %get3A_513 = arith.constant 16 : index
        %get3A_514 = tpu.vector_load %arg12[%get3A_512, %get3A_513] {strides = array<i32>} : memref<128x128xf32, #tpu.memory_space<vmem>>, vector<16xf32>,
        %add3A_515 = arith.constant 2 : i32
        %add3A_516 = arith.addi %mul3A_464, %add3A_515 : i32
        %get3A_517 = arith.index_cast %add3A_516 : i32 to index
        %get3A_518 = arith.constant 32 : index
        %get3A_519 = tpu.vector_load %arg12[%get3A_517, %get3A_518] {strides = array<i32>} : memref<128x128xf32, #tpu.memory_space<vmem>>, vector<16xf32>,
        %add3A_520 = arith.constant 2 : i32
        %add3A_521 = arith.addi %mul3A_464, %add3A_520 : i32
        %get3A_522 = arith.index_cast %add3A_521 : i32 to index
        %get3A_523 = arith.constant 48 : index
        %get3A_524 = tpu.vector_load %arg12[%get3A_522, %get3A_523] {strides = array<i32>} : memref<128x128xf32, #tpu.memory_space<vmem>>, vector<16xf32>,
        %add3A_525 = arith.constant 3 : i32
        %add3A_526 = arith.addi %mul3A_464, %add3A_525 : i32
        %get3A_527 = arith.index_cast %add3A_526 : i32 to index
        %get3A_528 = arith.constant 0 : index
        %get3A_529 = tpu.vector_load %arg12[%get3A_527, %get3A_528] {strides = array<i32>} : memref<128x128xf32, #tpu.memory_space<vmem>>, vector<16xf32>,
        %add3A_530 = arith.constant 3 : i32
        %add3A_531 = arith.addi %mul3A_464, %add3A_530 : i32
        %get3A_532 = arith.index_cast %add3A_531 : i32 to index
        %get3A_533 = arith.constant 16 : index
        %get3A_534 = tpu.vector_load %arg12[%get3A_532, %get3A_533] {strides = array<i32>} : memref<128x128xf32, #tpu.memory_space<vmem>>, vector<16xf32>,
        %add3A_535 = arith.constant 3 : i32
        %add3A_536 = arith.addi %mul3A_464, %add3A_535 : i32
        %get3A_537 = arith.index_cast %add3A_536 : i32 to index
        %get3A_538 = arith.constant 32 : index
        %get3A_539 = tpu.vector_load %arg12[%get3A_537, %get3A_538] {strides = array<i32>} : memref<128x128xf32, #tpu.memory_space<vmem>>, vector<16xf32>,
        %add3A_540 = arith.constant 3 : i32
        %add3A_541 = arith.addi %mul3A_464, %add3A_540 : i32
        %get3A_542 = arith.index_cast %add3A_541 : i32 to index
        %get3A_543 = arith.constant 48 : index
        %get3A_544 = tpu.vector_load %arg12[%get3A_542, %get3A_543] {strides = array<i32>} : memref<128x128xf32, #tpu.memory_space<vmem>>, vector<16xf32>,
        %add3A_545 = arith.constant 4 : i32
        %add3A_546 = arith.addi %mul3A_464, %add3A_545 : i32
        %get3A_547 = arith.index_cast %add3A_546 : i32 to index
        %get3A_548 = arith.constant 0 : index
        %get3A_549 = tpu.vector_load %arg12[%get3A_547, %get3A_548] {strides = array<i32>} : memref<128x128xf32, #tpu.memory_space<vmem>>, vector<16xf32>,
        %add3A_550 = arith.constant 4 : i32
        %add3A_551 = arith.addi %mul3A_464, %add3A_550 : i32
        %get3A_552 = arith.index_cast %add3A_551 : i32 to index
        %get3A_553 = arith.constant 16 : index
        %get3A_554 = tpu.vector_load %arg12[%get3A_552, %get3A_553] {strides = array<i32>} : memref<128x128xf32, #tpu.memory_space<vmem>>, vector<16xf32>,
        %add3A_555 = arith.constant 4 : i32
        %add3A_556 = arith.addi %mul3A_464, %add3A_555 : i32
        %get3A_557 = arith.index_cast %add3A_556 : i32 to index
        %get3A_558 = arith.constant 32 : index
        %get3A_559 = tpu.vector_load %arg12[%get3A_557, %get3A_558] {strides = array<i32>} : memref<128x128xf32, #tpu.memory_space<vmem>>, vector<16xf32>,
        %add3A_560 = arith.constant 4 : i32
        %add3A_561 = arith.addi %mul3A_464, %add3A_560 : i32
        %get3A_562 = arith.index_cast %add3A_561 : i32 to index
        %get3A_563 = arith.constant 48 : index
        %get3A_564 = tpu.vector_load %arg12[%get3A_562, %get3A_563] {strides = array<i32>} : memref<128x128xf32, #tpu.memory_space<vmem>>, vector<16xf32>,
        %add3A_565 = arith.constant 5 : i32
        %add3A_566 = arith.addi %mul3A_464, %add3A_565 : i32
        %get3A_567 = arith.index_cast %add3A_566 : i32 to index
        %get3A_568 = arith.constant 0 : index
        %get3A_569 = tpu.vector_load %arg12[%get3A_567, %get3A_568] {strides = array<i32>} : memref<128x128xf32, #tpu.memory_space<vmem>>, vector<16xf32>,
        %add3A_570 = arith.constant 5 : i32
        %add3A_571 = arith.addi %mul3A_464, %add3A_570 : i32
        %get3A_572 = arith.index_cast %add3A_571 : i32 to index
        %get3A_573 = arith.constant 16 : index
        %get3A_574 = tpu.vector_load %arg12[%get3A_572, %get3A_573] {strides = array<i32>} : memref<128x128xf32, #tpu.memory_space<vmem>>, vector<16xf32>,
        %add3A_575 = arith.constant 5 : i32
        %add3A_576 = arith.addi %mul3A_464, %add3A_575 : i32
        %get3A_577 = arith.index_cast %add3A_576 : i32 to index
        %get3A_578 = arith.constant 32 : index
        %get3A_579 = tpu.vector_load %arg12[%get3A_577, %get3A_578] {strides = array<i32>} : memref<128x128xf32, #tpu.memory_space<vmem>>, vector<16xf32>,
        %add3A_580 = arith.constant 5 : i32
        %add3A_581 = arith.addi %mul3A_464, %add3A_580 : i32
        %get3A_582 = arith.index_cast %add3A_581 : i32 to index
        %get3A_583 = arith.constant 48 : index
        %get3A_584 = tpu.vector_load %arg12[%get3A_582, %get3A_583] {strides = array<i32>} : memref<128x128xf32, #tpu.memory_space<vmem>>, vector<16xf32>,
        %add3A_585 = arith.constant 6 : i32
        %add3A_586 = arith.addi %mul3A_464, %add3A_585 : i32
        %get3A_587 = arith.index_cast %add3A_586 : i32 to index
        %get3A_588 = arith.constant 0 : index
        %get3A_589 = tpu.vector_load %arg12[%get3A_587, %get3A_588] {strides = array<i32>} : memref<128x128xf32, #tpu.memory_space<vmem>>, vector<16xf32>,
        %add3A_590 = arith.constant 6 : i32
        %add3A_591 = arith.addi %mul3A_464, %add3A_590 : i32
        %get3A_592 = arith.index_cast %add3A_591 : i32 to index
        %get3A_593 = arith.constant 16 : index
        %get3A_594 = tpu.vector_load %arg12[%get3A_592, %get3A_593] {strides = array<i32>} : memref<128x128xf32, #tpu.memory_space<vmem>>, vector<16xf32>,
        %add3A_595 = arith.constant 6 : i32
        %add3A_596 = arith.addi %mul3A_464, %add3A_595 : i32
        %get3A_597 = arith.index_cast %add3A_596 : i32 to index
        %get3A_598 = arith.constant 32 : index
        %get3A_599 = tpu.vector_load %arg12[%get3A_597, %get3A_598] {strides = array<i32>} : memref<128x128xf32, #tpu.memory_space<vmem>>, vector<16xf32>,
        %add3A_600 = arith.constant 6 : i32
        %add3A_601 = arith.addi %mul3A_464, %add3A_600 : i32
        %get3A_602 = arith.index_cast %add3A_601 : i32 to index
        %get3A_603 = arith.constant 48 : index
        %get3A_604 = tpu.vector_load %arg12[%get3A_602, %get3A_603] {strides = array<i32>} : memref<128x128xf32, #tpu.memory_space<vmem>>, vector<16xf32>,
        %add3A_605 = arith.constant 7 : i32
        %add3A_606 = arith.addi %mul3A_464, %add3A_605 : i32
        %get3A_607 = arith.index_cast %add3A_606 : i32 to index
        %get3A_608 = arith.constant 0 : index
        %get3A_609 = tpu.vector_load %arg12[%get3A_607, %get3A_608] {strides = array<i32>} : memref<128x128xf32, #tpu.memory_space<vmem>>, vector<16xf32>,
        %add3A_610 = arith.constant 7 : i32
        %add3A_611 = arith.addi %mul3A_464, %add3A_610 : i32
        %get3A_612 = arith.index_cast %add3A_611 : i32 to index
        %get3A_613 = arith.constant 16 : index
        %get3A_614 = tpu.vector_load %arg12[%get3A_612, %get3A_613] {strides = array<i32>} : memref<128x128xf32, #tpu.memory_space<vmem>>, vector<16xf32>,
        %add3A_615 = arith.constant 7 : i32
        %add3A_616 = arith.addi %mul3A_464, %add3A_615 : i32
        %get3A_617 = arith.index_cast %add3A_616 : i32 to index
        %get3A_618 = arith.constant 32 : index
        %get3A_619 = tpu.vector_load %arg12[%get3A_617, %get3A_618] {strides = array<i32>} : memref<128x128xf32, #tpu.memory_space<vmem>>, vector<16xf32>,
        %add3A_620 = arith.constant 7 : i32
        %add3A_621 = arith.addi %mul3A_464, %add3A_620 : i32
        %get3A_622 = arith.index_cast %add3A_621 : i32 to index
        %get3A_623 = arith.constant 48 : index
        %get3A_624 = tpu.vector_load %arg12[%get3A_622, %get3A_623] {strides = array<i32>} : memref<128x128xf32, #tpu.memory_space<vmem>>, vector<16xf32>,
        %add3A_625 = arith.addf %get3A_469, %get3A_254 : vector<16xf32>
        %add3A_626 = arith.addf %get3A_474, %get3A_257 : vector<16xf32>
        %add3A_627 = arith.addf %get3A_479, %get3A_260 : vector<16xf32>
        %add3A_628 = arith.addf %get3A_484, %get3A_263 : vector<16xf32>
        %add3A_629 = arith.addf %get3A_489, %get3A_254 : vector<16xf32>
        %add3A_630 = arith.addf %get3A_494, %get3A_257 : vector<16xf32>
        %add3A_631 = arith.addf %get3A_499, %get3A_260 : vector<16xf32>
        %add3A_632 = arith.addf %get3A_504, %get3A_263 : vector<16xf32>
        %add3A_633 = arith.addf %get3A_509, %get3A_254 : vector<16xf32>
        %add3A_634 = arith.addf %get3A_514, %get3A_257 : vector<16xf32>
        %add3A_635 = arith.addf %get3A_519, %get3A_260 : vector<16xf32>
        %add3A_636 = arith.addf %get3A_524, %get3A_263 : vector<16xf32>
        %add3A_637 = arith.addf %get3A_529, %get3A_254 : vector<16xf32>
        %add3A_638 = arith.addf %get3A_534, %get3A_257 : vector<16xf32>
        %add3A_639 = arith.addf %get3A_539, %get3A_260 : vector<16xf32>
        %add3A_640 = arith.addf %get3A_544, %get3A_263 : vector<16xf32>
        %add3A_641 = arith.addf %get3A_549, %get3A_254 : vector<16xf32>
        %add3A_642 = arith.addf %get3A_554, %get3A_257 : vector<16xf32>
        %add3A_643 = arith.addf %get3A_559, %get3A_260 : vector<16xf32>
        %add3A_644 = arith.addf %get3A_564, %get3A_263 : vector<16xf32>
        %add3A_645 = arith.addf %get3A_569, %get3A_254 : vector<16xf32>
        %add3A_646 = arith.addf %get3A_574, %get3A_257 : vector<16xf32>
        %add3A_647 = arith.addf %get3A_579, %get3A_260 : vector<16xf32>
        %add3A_648 = arith.addf %get3A_584, %get3A_263 : vector<16xf32>
        %add3A_649 = arith.addf %get3A_589, %get3A_254 : vector<16xf32>
        %add3A_650 = arith.addf %get3A_594, %get3A_257 : vector<16xf32>
        %add3A_651 = arith.addf %get3A_599, %get3A_260 : vector<16xf32>
        %add3A_652 = arith.addf %get3A_604, %get3A_263 : vector<16xf32>
        %add3A_653 = arith.addf %get3A_609, %get3A_254 : vector<16xf32>
        %add3A_654 = arith.addf %get3A_614, %get3A_257 : vector<16xf32>
        %add3A_655 = arith.addf %get3A_619, %get3A_260 : vector<16xf32>
        %add3A_656 = arith.addf %get3A_624, %get3A_263 : vector<16xf32>
        %broadcast_in_dim3A_657 = arith.constant 0 : i32
        %broadcast_in_dim3A_658 = vector.broadcast %broadcast_in_dim3A_657 : i32 to vector<16xi32>
        %add3A_659 = arith.constant 0 : i32
        %add3A_660 = arith.addi %mul3A_464, %add3A_659 : i32
        %add3A_661 = vector.broadcast %add3A_660 : i32 to vector<16xi32>
        %add3A_662 = arith.addi %broadcast_in_dim3A_658, %add3A_661 : vector<16xi32>
        tpu.vector_store_idx %arg16[%add3A_9, %and3A_4, %add3A_662], %add3A_625 : memref<8x8x129xf32, #tpu.memory_space<vmem>>[vector<16xi32>, vector<16xi32>, vector<16xi32>], vector<16xf32>,
        tpu.vector_store_idx %arg16[%add3A_15, %and3A_4, %add3A_662], %add3A_626 : memref<8x8x129xf32, #tpu.memory_space<vmem>>[vector<16xi32>, vector<16xi32>, vector<16xi32>], vector<16xf32>,
        tpu.vector_store_idx %arg16[%add3A_21, %and3A_4, %add3A_662], %add3A_627 : memref<8x8x129xf32, #tpu.memory_space<vmem>>[vector<16xi32>, vector<16xi32>, vector<16xi32>], vector<16xf32>,
        tpu.vector_store_idx %arg16[%add3A_27, %and3A_4, %add3A_662], %add3A_628 : memref<8x8x129xf32, #tpu.memory_space<vmem>>[vector<16xi32>, vector<16xi32>, vector<16xi32>], vector<16xf32>,
        %broadcast_in_dim3A_663 = arith.constant 0 : i32
        %broadcast_in_dim3A_664 = vector.broadcast %broadcast_in_dim3A_663 : i32 to vector<16xi32>
        %add3A_665 = arith.constant 1 : i32
        %add3A_666 = arith.addi %mul3A_464, %add3A_665 : i32
        %add3A_667 = vector.broadcast %add3A_666 : i32 to vector<16xi32>
        %add3A_668 = arith.addi %broadcast_in_dim3A_664, %add3A_667 : vector<16xi32>
        tpu.vector_store_idx %arg16[%add3A_9, %and3A_4, %add3A_668], %add3A_629 : memref<8x8x129xf32, #tpu.memory_space<vmem>>[vector<16xi32>, vector<16xi32>, vector<16xi32>], vector<16xf32>,
        tpu.vector_store_idx %arg16[%add3A_15, %and3A_4, %add3A_668], %add3A_630 : memref<8x8x129xf32, #tpu.memory_space<vmem>>[vector<16xi32>, vector<16xi32>, vector<16xi32>], vector<16xf32>,
        tpu.vector_store_idx %arg16[%add3A_21, %and3A_4, %add3A_668], %add3A_631 : memref<8x8x129xf32, #tpu.memory_space<vmem>>[vector<16xi32>, vector<16xi32>, vector<16xi32>], vector<16xf32>,
        tpu.vector_store_idx %arg16[%add3A_27, %and3A_4, %add3A_668], %add3A_632 : memref<8x8x129xf32, #tpu.memory_space<vmem>>[vector<16xi32>, vector<16xi32>, vector<16xi32>], vector<16xf32>,
        %broadcast_in_dim3A_669 = arith.constant 0 : i32
        %broadcast_in_dim3A_670 = vector.broadcast %broadcast_in_dim3A_669 : i32 to vector<16xi32>
        %add3A_671 = arith.constant 2 : i32
        %add3A_672 = arith.addi %mul3A_464, %add3A_671 : i32
        %add3A_673 = vector.broadcast %add3A_672 : i32 to vector<16xi32>
        %add3A_674 = arith.addi %broadcast_in_dim3A_670, %add3A_673 : vector<16xi32>
        tpu.vector_store_idx %arg16[%add3A_9, %and3A_4, %add3A_674], %add3A_633 : memref<8x8x129xf32, #tpu.memory_space<vmem>>[vector<16xi32>, vector<16xi32>, vector<16xi32>], vector<16xf32>,
        tpu.vector_store_idx %arg16[%add3A_15, %and3A_4, %add3A_674], %add3A_634 : memref<8x8x129xf32, #tpu.memory_space<vmem>>[vector<16xi32>, vector<16xi32>, vector<16xi32>], vector<16xf32>,
        tpu.vector_store_idx %arg16[%add3A_21, %and3A_4, %add3A_674], %add3A_635 : memref<8x8x129xf32, #tpu.memory_space<vmem>>[vector<16xi32>, vector<16xi32>, vector<16xi32>], vector<16xf32>,
        tpu.vector_store_idx %arg16[%add3A_27, %and3A_4, %add3A_674], %add3A_636 : memref<8x8x129xf32, #tpu.memory_space<vmem>>[vector<16xi32>, vector<16xi32>, vector<16xi32>], vector<16xf32>,
        %broadcast_in_dim3A_675 = arith.constant 0 : i32
        %broadcast_in_dim3A_676 = vector.broadcast %broadcast_in_dim3A_675 : i32 to vector<16xi32>
        %add3A_677 = arith.constant 3 : i32
        %add3A_678 = arith.addi %mul3A_464, %add3A_677 : i32
        %add3A_679 = vector.broadcast %add3A_678 : i32 to vector<16xi32>
        %add3A_680 = arith.addi %broadcast_in_dim3A_676, %add3A_679 : vector<16xi32>
        tpu.vector_store_idx %arg16[%add3A_9, %and3A_4, %add3A_680], %add3A_637 : memref<8x8x129xf32, #tpu.memory_space<vmem>>[vector<16xi32>, vector<16xi32>, vector<16xi32>], vector<16xf32>,
        tpu.vector_store_idx %arg16[%add3A_15, %and3A_4, %add3A_680], %add3A_638 : memref<8x8x129xf32, #tpu.memory_space<vmem>>[vector<16xi32>, vector<16xi32>, vector<16xi32>], vector<16xf32>,
        tpu.vector_store_idx %arg16[%add3A_21, %and3A_4, %add3A_680], %add3A_639 : memref<8x8x129xf32, #tpu.memory_space<vmem>>[vector<16xi32>, vector<16xi32>, vector<16xi32>], vector<16xf32>,
        tpu.vector_store_idx %arg16[%add3A_27, %and3A_4, %add3A_680], %add3A_640 : memref<8x8x129xf32, #tpu.memory_space<vmem>>[vector<16xi32>, vector<16xi32>, vector<16xi32>], vector<16xf32>,
        %broadcast_in_dim3A_681 = arith.constant 0 : i32
        %broadcast_in_dim3A_682 = vector.broadcast %broadcast_in_dim3A_681 : i32 to vector<16xi32>
        %add3A_683 = arith.constant 4 : i32
        %add3A_684 = arith.addi %mul3A_464, %add3A_683 : i32
        %add3A_685 = vector.broadcast %add3A_684 : i32 to vector<16xi32>
        %add3A_686 = arith.addi %broadcast_in_dim3A_682, %add3A_685 : vector<16xi32>
        tpu.vector_store_idx %arg16[%add3A_9, %and3A_4, %add3A_686], %add3A_641 : memref<8x8x129xf32, #tpu.memory_space<vmem>>[vector<16xi32>, vector<16xi32>, vector<16xi32>], vector<16xf32>,
        tpu.vector_store_idx %arg16[%add3A_15, %and3A_4, %add3A_686], %add3A_642 : memref<8x8x129xf32, #tpu.memory_space<vmem>>[vector<16xi32>, vector<16xi32>, vector<16xi32>], vector<16xf32>,
        tpu.vector_store_idx %arg16[%add3A_21, %and3A_4, %add3A_686], %add3A_643 : memref<8x8x129xf32, #tpu.memory_space<vmem>>[vector<16xi32>, vector<16xi32>, vector<16xi32>], vector<16xf32>,
        tpu.vector_store_idx %arg16[%add3A_27, %and3A_4, %add3A_686], %add3A_644 : memref<8x8x129xf32, #tpu.memory_space<vmem>>[vector<16xi32>, vector<16xi32>, vector<16xi32>], vector<16xf32>,
        %broadcast_in_dim3A_687 = arith.constant 0 : i32
        %broadcast_in_dim3A_688 = vector.broadcast %broadcast_in_dim3A_687 : i32 to vector<16xi32>
        %add3A_689 = arith.constant 5 : i32
        %add3A_690 = arith.addi %mul3A_464, %add3A_689 : i32
        %add3A_691 = vector.broadcast %add3A_690 : i32 to vector<16xi32>
        %add3A_692 = arith.addi %broadcast_in_dim3A_688, %add3A_691 : vector<16xi32>
        tpu.vector_store_idx %arg16[%add3A_9, %and3A_4, %add3A_692], %add3A_645 : memref<8x8x129xf32, #tpu.memory_space<vmem>>[vector<16xi32>, vector<16xi32>, vector<16xi32>], vector<16xf32>,
        tpu.vector_store_idx %arg16[%add3A_15, %and3A_4, %add3A_692], %add3A_646 : memref<8x8x129xf32, #tpu.memory_space<vmem>>[vector<16xi32>, vector<16xi32>, vector<16xi32>], vector<16xf32>,
        tpu.vector_store_idx %arg16[%add3A_21, %and3A_4, %add3A_692], %add3A_647 : memref<8x8x129xf32, #tpu.memory_space<vmem>>[vector<16xi32>, vector<16xi32>, vector<16xi32>], vector<16xf32>,
        tpu.vector_store_idx %arg16[%add3A_27, %and3A_4, %add3A_692], %add3A_648 : memref<8x8x129xf32, #tpu.memory_space<vmem>>[vector<16xi32>, vector<16xi32>, vector<16xi32>], vector<16xf32>,
        %broadcast_in_dim3A_693 = arith.constant 0 : i32
        %broadcast_in_dim3A_694 = vector.broadcast %broadcast_in_dim3A_693 : i32 to vector<16xi32>
        %add3A_695 = arith.constant 6 : i32
        %add3A_696 = arith.addi %mul3A_464, %add3A_695 : i32
        %add3A_697 = vector.broadcast %add3A_696 : i32 to vector<16xi32>
        %add3A_698 = arith.addi %broadcast_in_dim3A_694, %add3A_697 : vector<16xi32>
        tpu.vector_store_idx %arg16[%add3A_9, %and3A_4, %add3A_698], %add3A_649 : memref<8x8x129xf32, #tpu.memory_space<vmem>>[vector<16xi32>, vector<16xi32>, vector<16xi32>], vector<16xf32>,
        tpu.vector_store_idx %arg16[%add3A_15, %and3A_4, %add3A_698], %add3A_650 : memref<8x8x129xf32, #tpu.memory_space<vmem>>[vector<16xi32>, vector<16xi32>, vector<16xi32>], vector<16xf32>,
        tpu.vector_store_idx %arg16[%add3A_21, %and3A_4, %add3A_698], %add3A_651 : memref<8x8x129xf32, #tpu.memory_space<vmem>>[vector<16xi32>, vector<16xi32>, vector<16xi32>], vector<16xf32>,
        tpu.vector_store_idx %arg16[%add3A_27, %and3A_4, %add3A_698], %add3A_652 : memref<8x8x129xf32, #tpu.memory_space<vmem>>[vector<16xi32>, vector<16xi32>, vector<16xi32>], vector<16xf32>,
        %broadcast_in_dim3A_699 = arith.constant 0 : i32
        %broadcast_in_dim3A_700 = vector.broadcast %broadcast_in_dim3A_699 : i32 to vector<16xi32>
        %add3A_701 = arith.constant 7 : i32
        %add3A_702 = arith.addi %mul3A_464, %add3A_701 : i32
        %add3A_703 = vector.broadcast %add3A_702 : i32 to vector<16xi32>
        %add3A_704 = arith.addi %broadcast_in_dim3A_700, %add3A_703 : vector<16xi32>
        tpu.vector_store_idx %arg16[%add3A_9, %and3A_4, %add3A_704], %add3A_653 : memref<8x8x129xf32, #tpu.memory_space<vmem>>[vector<16xi32>, vector<16xi32>, vector<16xi32>], vector<16xf32>,
        tpu.vector_store_idx %arg16[%add3A_15, %and3A_4, %add3A_704], %add3A_654 : memref<8x8x129xf32, #tpu.memory_space<vmem>>[vector<16xi32>, vector<16xi32>, vector<16xi32>], vector<16xf32>,
        tpu.vector_store_idx %arg16[%add3A_21, %and3A_4, %add3A_704], %add3A_655 : memref<8x8x129xf32, #tpu.memory_space<vmem>>[vector<16xi32>, vector<16xi32>, vector<16xi32>], vector<16xf32>,
        tpu.vector_store_idx %arg16[%add3A_27, %and3A_4, %add3A_704], %add3A_656 : memref<8x8x129xf32, #tpu.memory_space<vmem>>[vector<16xi32>, vector<16xi32>, vector<16xi32>], vector<16xf32>,
      }
      %scan3A_269 = arith.constant 16 : i32
      %dma_start3A_270 = arith.constant 0 : i32
      %dma_start3A_271 = arith.constant 0 : i32
      %dma_start3A_272 = arith.constant 0 : i32
      %dma_start3A_273 = tpu.memref_slice %arg16[%dma_start3A_270, %dma_start3A_271, %dma_start3A_272] : memref<8x8x129xf32, #tpu.memory_space<vmem>> -> memref<8x8x128xf32, #tpu.memory_space<vmem>>
      %dma_start3A_274 = arith.constant 0 : i32
      %dma_start3A_275 = arith.constant 0 : i32
      %dma_start3A_276 = arith.constant 0 : i32
      %dma_start3A_277 = tpu.memref_slice %arg5[%add3A_238, %dma_start3A_274, %add3A, %dma_start3A_275, %dma_start3A_276] : memref<200x8x32x8x128xf32, #tpu.memory_space<hbm>> -> memref<1x8x1x8x128xf32, #tpu.memory_space<hbm>>
      %dma_start3A_278 = tpu.memref_squeeze %dma_start3A_277 : memref<1x8x1x8x128xf32, #tpu.memory_space<hbm>> -> memref<8x8x128xf32, #tpu.memory_space<hbm>>
      %dma_start3A_279 = arith.constant 0 : i32
      %dma_start3A_280 = arith.constant 0 : i32
      %dma_start3A_281 = arith.constant 0 : i32
      %dma_start3A_282 = tpu.memref_slice %arg5[%add3A_238, %dma_start3A_279, %add3A, %dma_start3A_280, %dma_start3A_281] : memref<200x8x32x8x128xf32, #tpu.memory_space<hbm>> -> memref<1x8x1x8x128xf32, #tpu.memory_space<hbm>>
      %dma_start3A_283 = tpu.memref_squeeze %dma_start3A_282 : memref<1x8x1x8x128xf32, #tpu.memory_space<hbm>> -> memref<8x8x128xf32, #tpu.memory_space<hbm>>
      %dma_start3A_284 = arith.constant 0 : i32
      %dma_start3A_285 = arith.constant 0 : i32
      %dma_start3A_286 = arith.constant 0 : i32
      %dma_start3A_287 = tpu.memref_slice %arg16[%dma_start3A_284, %dma_start3A_285, %dma_start3A_286] : memref<8x8x129xf32, #tpu.memory_space<vmem>> -> memref<8x8x128xf32, #tpu.memory_space<vmem>>
      tpu.enqueue_dma source(%dma_start3A_287 : memref<8x8x128xf32, #tpu.memory_space<vmem>>) target(%dma_start3A_283 : memref<8x8x128xf32, #tpu.memory_space<hbm>>) target_semaphore(%arg22 : memref<!tpu.dma_semaphore, #tpu.memory_space<semaphore_mem>>)
      %mul3A_288 = arith.constant 4 : i32
      %mul3A_289 = arith.muli %scan3A_234, %mul3A_288 : i32
      %add3A_290 = arith.constant 1 : i32
      %add3A_291 = arith.addi %mul3A_289, %add3A_290 : i32
      %add3A_292 = arith.constant 3 : i32
      %add3A_293 = arith.addi %add3A_291, %add3A_292 : i32
      %lt3A_294 = arith.constant 200 : i32
      %lt3A_295 = arith.cmpi slt, %add3A_293, %lt3A_294 : i32
      %convert_element_type3A_296 = arith.extui %lt3A_295 : i1 to i32
      %cond3A_297 = arith.constant 0 : i32
      %cond3A_298 = arith.cmpi ne, %convert_element_type3A_296, %cond3A_297 : i32
      scf.if %cond3A_298 {
        %add3A_462 = arith.constant 3 : i32
        %add3A_463 = arith.addi %add3A_291, %add3A_462 : i32
        %broadcast_in_dim3A_464 = arith.constant 0 : i32
        %broadcast_in_dim3A_465 = vector.broadcast %broadcast_in_dim3A_464 : i32 to vector<16xi32>
        %add3A_466 = vector.broadcast %add3A_463 : i32 to vector<16xi32>
        %add3A_467 = arith.addi %broadcast_in_dim3A_465, %add3A_466 : vector<16xi32>
        %add3A_468 = arith.constant 0 : i32
        %add3A_469 = vector.broadcast %add3A_468 : i32 to vector<16xi32>
        %add3A_470 = arith.addi %iota3A, %add3A_469 : vector<16xi32>
        %gather3A_471 = tpu.vector_load_idx %arg6[%add3A_470, %add3A_467] : memref<128x201xi32, #tpu.memory_space<vmem>>[vector<16xi32>, vector<16xi32>], vector<16xi32>,
        %add3A_472 = arith.constant 16 : i32
        %add3A_473 = vector.broadcast %add3A_472 : i32 to vector<16xi32>
        %add3A_474 = arith.addi %iota3A, %add3A_473 : vector<16xi32>
        %gather3A_475 = tpu.vector_load_idx %arg6[%add3A_474, %add3A_467] : memref<128x201xi32, #tpu.memory_space<vmem>>[vector<16xi32>, vector<16xi32>], vector<16xi32>,
        %add3A_476 = arith.constant 32 : i32
        %add3A_477 = vector.broadcast %add3A_476 : i32 to vector<16xi32>
        %add3A_478 = arith.addi %iota3A, %add3A_477 : vector<16xi32>
        %gather3A_479 = tpu.vector_load_idx %arg6[%add3A_478, %add3A_467] : memref<128x201xi32, #tpu.memory_space<vmem>>[vector<16xi32>, vector<16xi32>], vector<16xi32>,
        %add3A_480 = arith.constant 48 : i32
        %add3A_481 = vector.broadcast %add3A_480 : i32 to vector<16xi32>
        %add3A_482 = arith.addi %iota3A, %add3A_481 : vector<16xi32>
        %gather3A_483 = tpu.vector_load_idx %arg6[%add3A_482, %add3A_467] : memref<128x201xi32, #tpu.memory_space<vmem>>[vector<16xi32>, vector<16xi32>], vector<16xi32>,
        %add3A_484 = arith.constant 64 : i32
        %add3A_485 = vector.broadcast %add3A_484 : i32 to vector<16xi32>
        %add3A_486 = arith.addi %iota3A, %add3A_485 : vector<16xi32>
        %gather3A_487 = tpu.vector_load_idx %arg6[%add3A_486, %add3A_467] : memref<128x201xi32, #tpu.memory_space<vmem>>[vector<16xi32>, vector<16xi32>], vector<16xi32>,
        %add3A_488 = arith.constant 80 : i32
        %add3A_489 = vector.broadcast %add3A_488 : i32 to vector<16xi32>
        %add3A_490 = arith.addi %iota3A, %add3A_489 : vector<16xi32>
        %gather3A_491 = tpu.vector_load_idx %arg6[%add3A_490, %add3A_467] : memref<128x201xi32, #tpu.memory_space<vmem>>[vector<16xi32>, vector<16xi32>], vector<16xi32>,
        %add3A_492 = arith.constant 96 : i32
        %add3A_493 = vector.broadcast %add3A_492 : i32 to vector<16xi32>
        %add3A_494 = arith.addi %iota3A, %add3A_493 : vector<16xi32>
        %gather3A_495 = tpu.vector_load_idx %arg6[%add3A_494, %add3A_467] : memref<128x201xi32, #tpu.memory_space<vmem>>[vector<16xi32>, vector<16xi32>], vector<16xi32>,
        %add3A_496 = arith.constant 112 : i32
        %add3A_497 = vector.broadcast %add3A_496 : i32 to vector<16xi32>
        %add3A_498 = arith.addi %iota3A, %add3A_497 : vector<16xi32>
        %gather3A_499 = tpu.vector_load_idx %arg6[%add3A_498, %add3A_467] : memref<128x201xi32, #tpu.memory_space<vmem>>[vector<16xi32>, vector<16xi32>], vector<16xi32>,
        %swap3A_500 = arith.constant 0 : index
        %swap3A_501 = tpu.vector_load %arg8[%swap3A_500] {strides = array<i32>} : memref<128xi32, #tpu.memory_space<vmem>>, vector<16xi32>,
        tpu.vector_store %arg8[%swap3A_500], %gather3A_471 {strides = array<i32>} : memref<128xi32, #tpu.memory_space<vmem>>, vector<16xi32>,
        %swap3A_502 = arith.constant 16 : index
        %swap3A_503 = tpu.vector_load %arg8[%swap3A_502] {strides = array<i32>} : memref<128xi32, #tpu.memory_space<vmem>>, vector<16xi32>,
        tpu.vector_store %arg8[%swap3A_502], %gather3A_475 {strides = array<i32>} : memref<128xi32, #tpu.memory_space<vmem>>, vector<16xi32>,
        %swap3A_504 = arith.constant 32 : index
        %swap3A_505 = tpu.vector_load %arg8[%swap3A_504] {strides = array<i32>} : memref<128xi32, #tpu.memory_space<vmem>>, vector<16xi32>,
        tpu.vector_store %arg8[%swap3A_504], %gather3A_479 {strides = array<i32>} : memref<128xi32, #tpu.memory_space<vmem>>, vector<16xi32>,
        %swap3A_506 = arith.constant 48 : index
        %swap3A_507 = tpu.vector_load %arg8[%swap3A_506] {strides = array<i32>} : memref<128xi32, #tpu.memory_space<vmem>>, vector<16xi32>,
        tpu.vector_store %arg8[%swap3A_506], %gather3A_483 {strides = array<i32>} : memref<128xi32, #tpu.memory_space<vmem>>, vector<16xi32>,
        %swap3A_508 = arith.constant 64 : index
        %swap3A_509 = tpu.vector_load %arg8[%swap3A_508] {strides = array<i32>} : memref<128xi32, #tpu.memory_space<vmem>>, vector<16xi32>,
        tpu.vector_store %arg8[%swap3A_508], %gather3A_487 {strides = array<i32>} : memref<128xi32, #tpu.memory_space<vmem>>, vector<16xi32>,
        %swap3A_510 = arith.constant 80 : index
        %swap3A_511 = tpu.vector_load %arg8[%swap3A_510] {strides = array<i32>} : memref<128xi32, #tpu.memory_space<vmem>>, vector<16xi32>,
        tpu.vector_store %arg8[%swap3A_510], %gather3A_491 {strides = array<i32>} : memref<128xi32, #tpu.memory_space<vmem>>, vector<16xi32>,
        %swap3A_512 = arith.constant 96 : index
        %swap3A_513 = tpu.vector_load %arg8[%swap3A_512] {strides = array<i32>} : memref<128xi32, #tpu.memory_space<vmem>>, vector<16xi32>,
        tpu.vector_store %arg8[%swap3A_512], %gather3A_495 {strides = array<i32>} : memref<128xi32, #tpu.memory_space<vmem>>, vector<16xi32>,
        %swap3A_514 = arith.constant 112 : index
        %swap3A_515 = tpu.vector_load %arg8[%swap3A_514] {strides = array<i32>} : memref<128xi32, #tpu.memory_space<vmem>>, vector<16xi32>,
        tpu.vector_store %arg8[%swap3A_514], %gather3A_499 {strides = array<i32>} : memref<128xi32, #tpu.memory_space<vmem>>, vector<16xi32>,
        %dma_start3A_516 = arith.constant 0 : i32
        %dma_start3A_517 = arith.constant 0 : i32
        %dma_start3A_518 = tpu.memref_slice %arg3[%dma_start3A_516, %dma_start3A_517] : memref<1000000x128xf32, #tpu.memory_space<hbm>> -> memref<1000000x128xf32, #tpu.memory_space<hbm>>
        tpu.enqueue_indirect_dma source(%dma_start3A_518 : memref<1000000x128xf32, #tpu.memory_space<hbm>>) target(%arg12 : memref<128x128xf32, #tpu.memory_space<vmem>>) offsets(%arg8 : memref<128xi32, #tpu.memory_space<vmem>>) semaphore(%arg18 : memref<!tpu.dma_semaphore, #tpu.memory_space<semaphore_mem>>)
      } else {
      }
      %dma_wait3A_299 = arith.constant 0 : i32
      %dma_wait3A_300 = arith.constant 0 : i32
      %dma_wait3A_301 = tpu.memref_slice %arg3[%dma_wait3A_299, %dma_wait3A_300] : memref<1000000x128xf32, #tpu.memory_space<hbm>> -> memref<128x128xf32, #tpu.memory_space<hbm>>
      %dma_wait3A_302 = arith.constant 0 : i32
      %dma_wait3A_303 = arith.constant 0 : i32
      %dma_wait3A_304 = tpu.memref_slice %arg3[%dma_wait3A_302, %dma_wait3A_303] : memref<1000000x128xf32, #tpu.memory_space<hbm>> -> memref<128x128xf32, #tpu.memory_space<hbm>>
      tpu.wait_dma2 semaphore(%arg19 : memref<!tpu.dma_semaphore, #tpu.memory_space<semaphore_mem>>) src(%dma_wait3A_304 : memref<128x128xf32, #tpu.memory_space<hbm>>) dst(%arg13 : memref<128x128xf32, #tpu.memory_space<vmem>>)
      %ge3A_305 = arith.constant 2 : i32
      %ge3A_306 = arith.cmpi sge, %add3A_291, %ge3A_305 : i32
      %convert_element_type3A_307 = arith.extui %ge3A_306 : i1 to i32
      %cond3A_308 = arith.constant 0 : i32
      %cond3A_309 = arith.cmpi ne, %convert_element_type3A_307, %cond3A_308 : i32
      scf.if %cond3A_309 {
        %dma_wait3A_462 = arith.constant 0 : i32
        %dma_wait3A_463 = arith.constant 0 : i32
        %dma_wait3A_464 = arith.constant 0 : i32
        %dma_wait3A_465 = arith.constant 0 : i32
        %dma_wait3A_466 = tpu.memref_slice %arg17[%dma_wait3A_463, %dma_wait3A_464, %dma_wait3A_465] : memref<8x8x129xf32, #tpu.memory_space<vmem>> -> memref<8x8x128xf32, #tpu.memory_space<vmem>>
        %dma_wait3A_467 = arith.constant 0 : i32
        %dma_wait3A_468 = arith.constant 0 : i32
        %dma_wait3A_469 = arith.constant 0 : i32
        %dma_wait3A_470 = tpu.memref_slice %arg5[%dma_wait3A_462, %dma_wait3A_467, %add3A, %dma_wait3A_468, %dma_wait3A_469] : memref<200x8x32x8x128xf32, #tpu.memory_space<hbm>> -> memref<1x8x1x8x128xf32, #tpu.memory_space<hbm>>
        %dma_wait3A_471 = tpu.memref_squeeze %dma_wait3A_470 : memref<1x8x1x8x128xf32, #tpu.memory_space<hbm>> -> memref<8x8x128xf32, #tpu.memory_space<hbm>>
        %dma_wait3A_472 = arith.constant 0 : i32
        %dma_wait3A_473 = arith.constant 0 : i32
        %dma_wait3A_474 = arith.constant 0 : i32
        %dma_wait3A_475 = tpu.memref_slice %arg5[%dma_wait3A_462, %dma_wait3A_472, %add3A, %dma_wait3A_473, %dma_wait3A_474] : memref<200x8x32x8x128xf32, #tpu.memory_space<hbm>> -> memref<1x8x1x8x128xf32, #tpu.memory_space<hbm>>
        %dma_wait3A_476 = tpu.memref_squeeze %dma_wait3A_475 : memref<1x8x1x8x128xf32, #tpu.memory_space<hbm>> -> memref<8x8x128xf32, #tpu.memory_space<hbm>>
        %dma_wait3A_477 = arith.constant 0 : i32
        %dma_wait3A_478 = arith.constant 0 : i32
        %dma_wait3A_479 = arith.constant 0 : i32
        %dma_wait3A_480 = tpu.memref_slice %arg17[%dma_wait3A_477, %dma_wait3A_478, %dma_wait3A_479] : memref<8x8x129xf32, #tpu.memory_space<vmem>> -> memref<8x8x128xf32, #tpu.memory_space<vmem>>
        tpu.wait_dma2 semaphore(%arg23 : memref<!tpu.dma_semaphore, #tpu.memory_space<semaphore_mem>>) src(%dma_wait3A_480 : memref<8x8x128xf32, #tpu.memory_space<vmem>>) dst(%dma_wait3A_476 : memref<8x8x128xf32, #tpu.memory_space<hbm>>)
      } else {
      }
      %get3A_310 = arith.index_cast %add3A_291 : i32 to index
      %get3A_311 = arith.constant 0 : index
      %get3A_312 = tpu.vector_load %arg7[%get3A_310, %get3A_311] {strides = array<i32>} : memref<200x64xf32, #tpu.memory_space<vmem>>, vector<16xf32>,
      %get3A_313 = arith.index_cast %add3A_291 : i32 to index
      %get3A_314 = arith.constant 16 : index
      %get3A_315 = tpu.vector_load %arg7[%get3A_313, %get3A_314] {strides = array<i32>} : memref<200x64xf32, #tpu.memory_space<vmem>>, vector<16xf32>,
      %get3A_316 = arith.index_cast %add3A_291 : i32 to index
      %get3A_317 = arith.constant 32 : index
      %get3A_318 = tpu.vector_load %arg7[%get3A_316, %get3A_317] {strides = array<i32>} : memref<200x64xf32, #tpu.memory_space<vmem>>, vector<16xf32>,
      %get3A_319 = arith.index_cast %add3A_291 : i32 to index
      %get3A_320 = arith.constant 48 : index
      %get3A_321 = tpu.vector_load %arg7[%get3A_319, %get3A_320] {strides = array<i32>} : memref<200x64xf32, #tpu.memory_space<vmem>>, vector<16xf32>,
      %scan3A_322 = arith.constant 0 : i32
      %scan3A_323 = arith.constant 0 : i32
      %scan3A_324 = arith.constant 16 : i32
      %scan3A_325 = arith.addi %scan3A_323, %scan3A_324 : i32
      %scan3A_326 = arith.constant 1 : i32
      scf.for %scan3A_462 = %scan3A_323 to %scan3A_325 step %scan3A_326  : i32 {
        %mul3A_463 = arith.constant 8 : i32
        %mul3A_464 = arith.muli %scan3A_462, %mul3A_463 : i32
        %add3A_465 = arith.constant 0 : i32
        %add3A_466 = arith.addi %mul3A_464, %add3A_465 : i32
        %get3A_467 = arith.index_cast %add3A_466 : i32 to index
        %get3A_468 = arith.constant 0 : index
        %get3A_469 = tpu.vector_load %arg13[%get3A_467, %get3A_468] {strides = array<i32>} : memref<128x128xf32, #tpu.memory_space<vmem>>, vector<16xf32>,
        %add3A_470 = arith.constant 0 : i32
        %add3A_471 = arith.addi %mul3A_464, %add3A_470 : i32
        %get3A_472 = arith.index_cast %add3A_471 : i32 to index
        %get3A_473 = arith.constant 16 : index
        %get3A_474 = tpu.vector_load %arg13[%get3A_472, %get3A_473] {strides = array<i32>} : memref<128x128xf32, #tpu.memory_space<vmem>>, vector<16xf32>,
        %add3A_475 = arith.constant 0 : i32
        %add3A_476 = arith.addi %mul3A_464, %add3A_475 : i32
        %get3A_477 = arith.index_cast %add3A_476 : i32 to index
        %get3A_478 = arith.constant 32 : index
        %get3A_479 = tpu.vector_load %arg13[%get3A_477, %get3A_478] {strides = array<i32>} : memref<128x128xf32, #tpu.memory_space<vmem>>, vector<16xf32>,
        %add3A_480 = arith.constant 0 : i32
        %add3A_481 = arith.addi %mul3A_464, %add3A_480 : i32
        %get3A_482 = arith.index_cast %add3A_481 : i32 to index
        %get3A_483 = arith.constant 48 : index
        %get3A_484 = tpu.vector_load %arg13[%get3A_482, %get3A_483] {strides = array<i32>} : memref<128x128xf32, #tpu.memory_space<vmem>>, vector<16xf32>,
        %add3A_485 = arith.constant 1 : i32
        %add3A_486 = arith.addi %mul3A_464, %add3A_485 : i32
        %get3A_487 = arith.index_cast %add3A_486 : i32 to index
        %get3A_488 = arith.constant 0 : index
        %get3A_489 = tpu.vector_load %arg13[%get3A_487, %get3A_488] {strides = array<i32>} : memref<128x128xf32, #tpu.memory_space<vmem>>, vector<16xf32>,
        %add3A_490 = arith.constant 1 : i32
        %add3A_491 = arith.addi %mul3A_464, %add3A_490 : i32
        %get3A_492 = arith.index_cast %add3A_491 : i32 to index
        %get3A_493 = arith.constant 16 : index
        %get3A_494 = tpu.vector_load %arg13[%get3A_492, %get3A_493] {strides = array<i32>} : memref<128x128xf32, #tpu.memory_space<vmem>>, vector<16xf32>,
        %add3A_495 = arith.constant 1 : i32
        %add3A_496 = arith.addi %mul3A_464, %add3A_495 : i32
        %get3A_497 = arith.index_cast %add3A_496 : i32 to index
        %get3A_498 = arith.constant 32 : index
        %get3A_499 = tpu.vector_load %arg13[%get3A_497, %get3A_498] {strides = array<i32>} : memref<128x128xf32, #tpu.memory_space<vmem>>, vector<16xf32>,
        %add3A_500 = arith.constant 1 : i32
        %add3A_501 = arith.addi %mul3A_464, %add3A_500 : i32
        %get3A_502 = arith.index_cast %add3A_501 : i32 to index
        %get3A_503 = arith.constant 48 : index
        %get3A_504 = tpu.vector_load %arg13[%get3A_502, %get3A_503] {strides = array<i32>} : memref<128x128xf32, #tpu.memory_space<vmem>>, vector<16xf32>,
        %add3A_505 = arith.constant 2 : i32
        %add3A_506 = arith.addi %mul3A_464, %add3A_505 : i32
        %get3A_507 = arith.index_cast %add3A_506 : i32 to index
        %get3A_508 = arith.constant 0 : index
        %get3A_509 = tpu.vector_load %arg13[%get3A_507, %get3A_508] {strides = array<i32>} : memref<128x128xf32, #tpu.memory_space<vmem>>, vector<16xf32>,
        %add3A_510 = arith.constant 2 : i32
        %add3A_511 = arith.addi %mul3A_464, %add3A_510 : i32
        %get3A_512 = arith.index_cast %add3A_511 : i32 to index
        %get3A_513 = arith.constant 16 : index
        %get3A_514 = tpu.vector_load %arg13[%get3A_512, %get3A_513] {strides = array<i32>} : memref<128x128xf32, #tpu.memory_space<vmem>>, vector<16xf32>,
        %add3A_515 = arith.constant 2 : i32
        %add3A_516 = arith.addi %mul3A_464, %add3A_515 : i32
        %get3A_517 = arith.index_cast %add3A_516 : i32 to index
        %get3A_518 = arith.constant 32 : index
        %get3A_519 = tpu.vector_load %arg13[%get3A_517, %get3A_518] {strides = array<i32>} : memref<128x128xf32, #tpu.memory_space<vmem>>, vector<16xf32>,
        %add3A_520 = arith.constant 2 : i32
        %add3A_521 = arith.addi %mul3A_464, %add3A_520 : i32
        %get3A_522 = arith.index_cast %add3A_521 : i32 to index
        %get3A_523 = arith.constant 48 : index
        %get3A_524 = tpu.vector_load %arg13[%get3A_522, %get3A_523] {strides = array<i32>} : memref<128x128xf32, #tpu.memory_space<vmem>>, vector<16xf32>,
        %add3A_525 = arith.constant 3 : i32
        %add3A_526 = arith.addi %mul3A_464, %add3A_525 : i32
        %get3A_527 = arith.index_cast %add3A_526 : i32 to index
        %get3A_528 = arith.constant 0 : index
        %get3A_529 = tpu.vector_load %arg13[%get3A_527, %get3A_528] {strides = array<i32>} : memref<128x128xf32, #tpu.memory_space<vmem>>, vector<16xf32>,
        %add3A_530 = arith.constant 3 : i32
        %add3A_531 = arith.addi %mul3A_464, %add3A_530 : i32
        %get3A_532 = arith.index_cast %add3A_531 : i32 to index
        %get3A_533 = arith.constant 16 : index
        %get3A_534 = tpu.vector_load %arg13[%get3A_532, %get3A_533] {strides = array<i32>} : memref<128x128xf32, #tpu.memory_space<vmem>>, vector<16xf32>,
        %add3A_535 = arith.constant 3 : i32
        %add3A_536 = arith.addi %mul3A_464, %add3A_535 : i32
        %get3A_537 = arith.index_cast %add3A_536 : i32 to index
        %get3A_538 = arith.constant 32 : index
        %get3A_539 = tpu.vector_load %arg13[%get3A_537, %get3A_538] {strides = array<i32>} : memref<128x128xf32, #tpu.memory_space<vmem>>, vector<16xf32>,
        %add3A_540 = arith.constant 3 : i32
        %add3A_541 = arith.addi %mul3A_464, %add3A_540 : i32
        %get3A_542 = arith.index_cast %add3A_541 : i32 to index
        %get3A_543 = arith.constant 48 : index
        %get3A_544 = tpu.vector_load %arg13[%get3A_542, %get3A_543] {strides = array<i32>} : memref<128x128xf32, #tpu.memory_space<vmem>>, vector<16xf32>,
        %add3A_545 = arith.constant 4 : i32
        %add3A_546 = arith.addi %mul3A_464, %add3A_545 : i32
        %get3A_547 = arith.index_cast %add3A_546 : i32 to index
        %get3A_548 = arith.constant 0 : index
        %get3A_549 = tpu.vector_load %arg13[%get3A_547, %get3A_548] {strides = array<i32>} : memref<128x128xf32, #tpu.memory_space<vmem>>, vector<16xf32>,
        %add3A_550 = arith.constant 4 : i32
        %add3A_551 = arith.addi %mul3A_464, %add3A_550 : i32
        %get3A_552 = arith.index_cast %add3A_551 : i32 to index
        %get3A_553 = arith.constant 16 : index
        %get3A_554 = tpu.vector_load %arg13[%get3A_552, %get3A_553] {strides = array<i32>} : memref<128x128xf32, #tpu.memory_space<vmem>>, vector<16xf32>,
        %add3A_555 = arith.constant 4 : i32
        %add3A_556 = arith.addi %mul3A_464, %add3A_555 : i32
        %get3A_557 = arith.index_cast %add3A_556 : i32 to index
        %get3A_558 = arith.constant 32 : index
        %get3A_559 = tpu.vector_load %arg13[%get3A_557, %get3A_558] {strides = array<i32>} : memref<128x128xf32, #tpu.memory_space<vmem>>, vector<16xf32>,
        %add3A_560 = arith.constant 4 : i32
        %add3A_561 = arith.addi %mul3A_464, %add3A_560 : i32
        %get3A_562 = arith.index_cast %add3A_561 : i32 to index
        %get3A_563 = arith.constant 48 : index
        %get3A_564 = tpu.vector_load %arg13[%get3A_562, %get3A_563] {strides = array<i32>} : memref<128x128xf32, #tpu.memory_space<vmem>>, vector<16xf32>,
        %add3A_565 = arith.constant 5 : i32
        %add3A_566 = arith.addi %mul3A_464, %add3A_565 : i32
        %get3A_567 = arith.index_cast %add3A_566 : i32 to index
        %get3A_568 = arith.constant 0 : index
        %get3A_569 = tpu.vector_load %arg13[%get3A_567, %get3A_568] {strides = array<i32>} : memref<128x128xf32, #tpu.memory_space<vmem>>, vector<16xf32>,
        %add3A_570 = arith.constant 5 : i32
        %add3A_571 = arith.addi %mul3A_464, %add3A_570 : i32
        %get3A_572 = arith.index_cast %add3A_571 : i32 to index
        %get3A_573 = arith.constant 16 : index
        %get3A_574 = tpu.vector_load %arg13[%get3A_572, %get3A_573] {strides = array<i32>} : memref<128x128xf32, #tpu.memory_space<vmem>>, vector<16xf32>,
        %add3A_575 = arith.constant 5 : i32
        %add3A_576 = arith.addi %mul3A_464, %add3A_575 : i32
        %get3A_577 = arith.index_cast %add3A_576 : i32 to index
        %get3A_578 = arith.constant 32 : index
        %get3A_579 = tpu.vector_load %arg13[%get3A_577, %get3A_578] {strides = array<i32>} : memref<128x128xf32, #tpu.memory_space<vmem>>, vector<16xf32>,
        %add3A_580 = arith.constant 5 : i32
        %add3A_581 = arith.addi %mul3A_464, %add3A_580 : i32
        %get3A_582 = arith.index_cast %add3A_581 : i32 to index
        %get3A_583 = arith.constant 48 : index
        %get3A_584 = tpu.vector_load %arg13[%get3A_582, %get3A_583] {strides = array<i32>} : memref<128x128xf32, #tpu.memory_space<vmem>>, vector<16xf32>,
        %add3A_585 = arith.constant 6 : i32
        %add3A_586 = arith.addi %mul3A_464, %add3A_585 : i32
        %get3A_587 = arith.index_cast %add3A_586 : i32 to index
        %get3A_588 = arith.constant 0 : index
        %get3A_589 = tpu.vector_load %arg13[%get3A_587, %get3A_588] {strides = array<i32>} : memref<128x128xf32, #tpu.memory_space<vmem>>, vector<16xf32>,
        %add3A_590 = arith.constant 6 : i32
        %add3A_591 = arith.addi %mul3A_464, %add3A_590 : i32
        %get3A_592 = arith.index_cast %add3A_591 : i32 to index
        %get3A_593 = arith.constant 16 : index
        %get3A_594 = tpu.vector_load %arg13[%get3A_592, %get3A_593] {strides = array<i32>} : memref<128x128xf32, #tpu.memory_space<vmem>>, vector<16xf32>,
        %add3A_595 = arith.constant 6 : i32
        %add3A_596 = arith.addi %mul3A_464, %add3A_595 : i32
        %get3A_597 = arith.index_cast %add3A_596 : i32 to index
        %get3A_598 = arith.constant 32 : index
        %get3A_599 = tpu.vector_load %arg13[%get3A_597, %get3A_598] {strides = array<i32>} : memref<128x128xf32, #tpu.memory_space<vmem>>, vector<16xf32>,
        %add3A_600 = arith.constant 6 : i32
        %add3A_601 = arith.addi %mul3A_464, %add3A_600 : i32
        %get3A_602 = arith.index_cast %add3A_601 : i32 to index
        %get3A_603 = arith.constant 48 : index
        %get3A_604 = tpu.vector_load %arg13[%get3A_602, %get3A_603] {strides = array<i32>} : memref<128x128xf32, #tpu.memory_space<vmem>>, vector<16xf32>,
        %add3A_605 = arith.constant 7 : i32
        %add3A_606 = arith.addi %mul3A_464, %add3A_605 : i32
        %get3A_607 = arith.index_cast %add3A_606 : i32 to index
        %get3A_608 = arith.constant 0 : index
        %get3A_609 = tpu.vector_load %arg13[%get3A_607, %get3A_608] {strides = array<i32>} : memref<128x128xf32, #tpu.memory_space<vmem>>, vector<16xf32>,
        %add3A_610 = arith.constant 7 : i32
        %add3A_611 = arith.addi %mul3A_464, %add3A_610 : i32
        %get3A_612 = arith.index_cast %add3A_611 : i32 to index
        %get3A_613 = arith.constant 16 : index
        %get3A_614 = tpu.vector_load %arg13[%get3A_612, %get3A_613] {strides = array<i32>} : memref<128x128xf32, #tpu.memory_space<vmem>>, vector<16xf32>,
        %add3A_615 = arith.constant 7 : i32
        %add3A_616 = arith.addi %mul3A_464, %add3A_615 : i32
        %get3A_617 = arith.index_cast %add3A_616 : i32 to index
        %get3A_618 = arith.constant 32 : index
        %get3A_619 = tpu.vector_load %arg13[%get3A_617, %get3A_618] {strides = array<i32>} : memref<128x128xf32, #tpu.memory_space<vmem>>, vector<16xf32>,
        %add3A_620 = arith.constant 7 : i32
        %add3A_621 = arith.addi %mul3A_464, %add3A_620 : i32
        %get3A_622 = arith.index_cast %add3A_621 : i32 to index
        %get3A_623 = arith.constant 48 : index
        %get3A_624 = tpu.vector_load %arg13[%get3A_622, %get3A_623] {strides = array<i32>} : memref<128x128xf32, #tpu.memory_space<vmem>>, vector<16xf32>,
        %add3A_625 = arith.addf %get3A_469, %get3A_312 : vector<16xf32>
        %add3A_626 = arith.addf %get3A_474, %get3A_315 : vector<16xf32>
        %add3A_627 = arith.addf %get3A_479, %get3A_318 : vector<16xf32>
        %add3A_628 = arith.addf %get3A_484, %get3A_321 : vector<16xf32>
        %add3A_629 = arith.addf %get3A_489, %get3A_312 : vector<16xf32>
        %add3A_630 = arith.addf %get3A_494, %get3A_315 : vector<16xf32>
        %add3A_631 = arith.addf %get3A_499, %get3A_318 : vector<16xf32>
        %add3A_632 = arith.addf %get3A_504, %get3A_321 : vector<16xf32>
        %add3A_633 = arith.addf %get3A_509, %get3A_312 : vector<16xf32>
        %add3A_634 = arith.addf %get3A_514, %get3A_315 : vector<16xf32>
        %add3A_635 = arith.addf %get3A_519, %get3A_318 : vector<16xf32>
        %add3A_636 = arith.addf %get3A_524, %get3A_321 : vector<16xf32>
        %add3A_637 = arith.addf %get3A_529, %get3A_312 : vector<16xf32>
        %add3A_638 = arith.addf %get3A_534, %get3A_315 : vector<16xf32>
        %add3A_639 = arith.addf %get3A_539, %get3A_318 : vector<16xf32>
        %add3A_640 = arith.addf %get3A_544, %get3A_321 : vector<16xf32>
        %add3A_641 = arith.addf %get3A_549, %get3A_312 : vector<16xf32>
        %add3A_642 = arith.addf %get3A_554, %get3A_315 : vector<16xf32>
        %add3A_643 = arith.addf %get3A_559, %get3A_318 : vector<16xf32>
        %add3A_644 = arith.addf %get3A_564, %get3A_321 : vector<16xf32>
        %add3A_645 = arith.addf %get3A_569, %get3A_312 : vector<16xf32>
        %add3A_646 = arith.addf %get3A_574, %get3A_315 : vector<16xf32>
        %add3A_647 = arith.addf %get3A_579, %get3A_318 : vector<16xf32>
        %add3A_648 = arith.addf %get3A_584, %get3A_321 : vector<16xf32>
        %add3A_649 = arith.addf %get3A_589, %get3A_312 : vector<16xf32>
        %add3A_650 = arith.addf %get3A_594, %get3A_315 : vector<16xf32>
        %add3A_651 = arith.addf %get3A_599, %get3A_318 : vector<16xf32>
        %add3A_652 = arith.addf %get3A_604, %get3A_321 : vector<16xf32>
        %add3A_653 = arith.addf %get3A_609, %get3A_312 : vector<16xf32>
        %add3A_654 = arith.addf %get3A_614, %get3A_315 : vector<16xf32>
        %add3A_655 = arith.addf %get3A_619, %get3A_318 : vector<16xf32>
        %add3A_656 = arith.addf %get3A_624, %get3A_321 : vector<16xf32>
        %broadcast_in_dim3A_657 = arith.constant 0 : i32
        %broadcast_in_dim3A_658 = vector.broadcast %broadcast_in_dim3A_657 : i32 to vector<16xi32>
        %add3A_659 = arith.constant 0 : i32
        %add3A_660 = arith.addi %mul3A_464, %add3A_659 : i32
        %add3A_661 = vector.broadcast %add3A_660 : i32 to vector<16xi32>
        %add3A_662 = arith.addi %broadcast_in_dim3A_658, %add3A_661 : vector<16xi32>
        tpu.vector_store_idx %arg17[%add3A_9, %and3A_4, %add3A_662], %add3A_625 : memref<8x8x129xf32, #tpu.memory_space<vmem>>[vector<16xi32>, vector<16xi32>, vector<16xi32>], vector<16xf32>,
        tpu.vector_store_idx %arg17[%add3A_15, %and3A_4, %add3A_662], %add3A_626 : memref<8x8x129xf32, #tpu.memory_space<vmem>>[vector<16xi32>, vector<16xi32>, vector<16xi32>], vector<16xf32>,
        tpu.vector_store_idx %arg17[%add3A_21, %and3A_4, %add3A_662], %add3A_627 : memref<8x8x129xf32, #tpu.memory_space<vmem>>[vector<16xi32>, vector<16xi32>, vector<16xi32>], vector<16xf32>,
        tpu.vector_store_idx %arg17[%add3A_27, %and3A_4, %add3A_662], %add3A_628 : memref<8x8x129xf32, #tpu.memory_space<vmem>>[vector<16xi32>, vector<16xi32>, vector<16xi32>], vector<16xf32>,
        %broadcast_in_dim3A_663 = arith.constant 0 : i32
        %broadcast_in_dim3A_664 = vector.broadcast %broadcast_in_dim3A_663 : i32 to vector<16xi32>
        %add3A_665 = arith.constant 1 : i32
        %add3A_666 = arith.addi %mul3A_464, %add3A_665 : i32
        %add3A_667 = vector.broadcast %add3A_666 : i32 to vector<16xi32>
        %add3A_668 = arith.addi %broadcast_in_dim3A_664, %add3A_667 : vector<16xi32>
        tpu.vector_store_idx %arg17[%add3A_9, %and3A_4, %add3A_668], %add3A_629 : memref<8x8x129xf32, #tpu.memory_space<vmem>>[vector<16xi32>, vector<16xi32>, vector<16xi32>], vector<16xf32>,
        tpu.vector_store_idx %arg17[%add3A_15, %and3A_4, %add3A_668], %add3A_630 : memref<8x8x129xf32, #tpu.memory_space<vmem>>[vector<16xi32>, vector<16xi32>, vector<16xi32>], vector<16xf32>,
        tpu.vector_store_idx %arg17[%add3A_21, %and3A_4, %add3A_668], %add3A_631 : memref<8x8x129xf32, #tpu.memory_space<vmem>>[vector<16xi32>, vector<16xi32>, vector<16xi32>], vector<16xf32>,
        tpu.vector_store_idx %arg17[%add3A_27, %and3A_4, %add3A_668], %add3A_632 : memref<8x8x129xf32, #tpu.memory_space<vmem>>[vector<16xi32>, vector<16xi32>, vector<16xi32>], vector<16xf32>,
        %broadcast_in_dim3A_669 = arith.constant 0 : i32
        %broadcast_in_dim3A_670 = vector.broadcast %broadcast_in_dim3A_669 : i32 to vector<16xi32>
        %add3A_671 = arith.constant 2 : i32
        %add3A_672 = arith.addi %mul3A_464, %add3A_671 : i32
        %add3A_673 = vector.broadcast %add3A_672 : i32 to vector<16xi32>
        %add3A_674 = arith.addi %broadcast_in_dim3A_670, %add3A_673 : vector<16xi32>
        tpu.vector_store_idx %arg17[%add3A_9, %and3A_4, %add3A_674], %add3A_633 : memref<8x8x129xf32, #tpu.memory_space<vmem>>[vector<16xi32>, vector<16xi32>, vector<16xi32>], vector<16xf32>,
        tpu.vector_store_idx %arg17[%add3A_15, %and3A_4, %add3A_674], %add3A_634 : memref<8x8x129xf32, #tpu.memory_space<vmem>>[vector<16xi32>, vector<16xi32>, vector<16xi32>], vector<16xf32>,
        tpu.vector_store_idx %arg17[%add3A_21, %and3A_4, %add3A_674], %add3A_635 : memref<8x8x129xf32, #tpu.memory_space<vmem>>[vector<16xi32>, vector<16xi32>, vector<16xi32>], vector<16xf32>,
        tpu.vector_store_idx %arg17[%add3A_27, %and3A_4, %add3A_674], %add3A_636 : memref<8x8x129xf32, #tpu.memory_space<vmem>>[vector<16xi32>, vector<16xi32>, vector<16xi32>], vector<16xf32>,
        %broadcast_in_dim3A_675 = arith.constant 0 : i32
        %broadcast_in_dim3A_676 = vector.broadcast %broadcast_in_dim3A_675 : i32 to vector<16xi32>
        %add3A_677 = arith.constant 3 : i32
        %add3A_678 = arith.addi %mul3A_464, %add3A_677 : i32
        %add3A_679 = vector.broadcast %add3A_678 : i32 to vector<16xi32>
        %add3A_680 = arith.addi %broadcast_in_dim3A_676, %add3A_679 : vector<16xi32>
        tpu.vector_store_idx %arg17[%add3A_9, %and3A_4, %add3A_680], %add3A_637 : memref<8x8x129xf32, #tpu.memory_space<vmem>>[vector<16xi32>, vector<16xi32>, vector<16xi32>], vector<16xf32>,
        tpu.vector_store_idx %arg17[%add3A_15, %and3A_4, %add3A_680], %add3A_638 : memref<8x8x129xf32, #tpu.memory_space<vmem>>[vector<16xi32>, vector<16xi32>, vector<16xi32>], vector<16xf32>,
        tpu.vector_store_idx %arg17[%add3A_21, %and3A_4, %add3A_680], %add3A_639 : memref<8x8x129xf32, #tpu.memory_space<vmem>>[vector<16xi32>, vector<16xi32>, vector<16xi32>], vector<16xf32>,
        tpu.vector_store_idx %arg17[%add3A_27, %and3A_4, %add3A_680], %add3A_640 : memref<8x8x129xf32, #tpu.memory_space<vmem>>[vector<16xi32>, vector<16xi32>, vector<16xi32>], vector<16xf32>,
        %broadcast_in_dim3A_681 = arith.constant 0 : i32
        %broadcast_in_dim3A_682 = vector.broadcast %broadcast_in_dim3A_681 : i32 to vector<16xi32>
        %add3A_683 = arith.constant 4 : i32
        %add3A_684 = arith.addi %mul3A_464, %add3A_683 : i32
        %add3A_685 = vector.broadcast %add3A_684 : i32 to vector<16xi32>
        %add3A_686 = arith.addi %broadcast_in_dim3A_682, %add3A_685 : vector<16xi32>
        tpu.vector_store_idx %arg17[%add3A_9, %and3A_4, %add3A_686], %add3A_641 : memref<8x8x129xf32, #tpu.memory_space<vmem>>[vector<16xi32>, vector<16xi32>, vector<16xi32>], vector<16xf32>,
        tpu.vector_store_idx %arg17[%add3A_15, %and3A_4, %add3A_686], %add3A_642 : memref<8x8x129xf32, #tpu.memory_space<vmem>>[vector<16xi32>, vector<16xi32>, vector<16xi32>], vector<16xf32>,
        tpu.vector_store_idx %arg17[%add3A_21, %and3A_4, %add3A_686], %add3A_643 : memref<8x8x129xf32, #tpu.memory_space<vmem>>[vector<16xi32>, vector<16xi32>, vector<16xi32>], vector<16xf32>,
        tpu.vector_store_idx %arg17[%add3A_27, %and3A_4, %add3A_686], %add3A_644 : memref<8x8x129xf32, #tpu.memory_space<vmem>>[vector<16xi32>, vector<16xi32>, vector<16xi32>], vector<16xf32>,
        %broadcast_in_dim3A_687 = arith.constant 0 : i32
        %broadcast_in_dim3A_688 = vector.broadcast %broadcast_in_dim3A_687 : i32 to vector<16xi32>
        %add3A_689 = arith.constant 5 : i32
        %add3A_690 = arith.addi %mul3A_464, %add3A_689 : i32
        %add3A_691 = vector.broadcast %add3A_690 : i32 to vector<16xi32>
        %add3A_692 = arith.addi %broadcast_in_dim3A_688, %add3A_691 : vector<16xi32>
        tpu.vector_store_idx %arg17[%add3A_9, %and3A_4, %add3A_692], %add3A_645 : memref<8x8x129xf32, #tpu.memory_space<vmem>>[vector<16xi32>, vector<16xi32>, vector<16xi32>], vector<16xf32>,
        tpu.vector_store_idx %arg17[%add3A_15, %and3A_4, %add3A_692], %add3A_646 : memref<8x8x129xf32, #tpu.memory_space<vmem>>[vector<16xi32>, vector<16xi32>, vector<16xi32>], vector<16xf32>,
        tpu.vector_store_idx %arg17[%add3A_21, %and3A_4, %add3A_692], %add3A_647 : memref<8x8x129xf32, #tpu.memory_space<vmem>>[vector<16xi32>, vector<16xi32>, vector<16xi32>], vector<16xf32>,
        tpu.vector_store_idx %arg17[%add3A_27, %and3A_4, %add3A_692], %add3A_648 : memref<8x8x129xf32, #tpu.memory_space<vmem>>[vector<16xi32>, vector<16xi32>, vector<16xi32>], vector<16xf32>,
        %broadcast_in_dim3A_693 = arith.constant 0 : i32
        %broadcast_in_dim3A_694 = vector.broadcast %broadcast_in_dim3A_693 : i32 to vector<16xi32>
        %add3A_695 = arith.constant 6 : i32
        %add3A_696 = arith.addi %mul3A_464, %add3A_695 : i32
        %add3A_697 = vector.broadcast %add3A_696 : i32 to vector<16xi32>
        %add3A_698 = arith.addi %broadcast_in_dim3A_694, %add3A_697 : vector<16xi32>
        tpu.vector_store_idx %arg17[%add3A_9, %and3A_4, %add3A_698], %add3A_649 : memref<8x8x129xf32, #tpu.memory_space<vmem>>[vector<16xi32>, vector<16xi32>, vector<16xi32>], vector<16xf32>,
        tpu.vector_store_idx %arg17[%add3A_15, %and3A_4, %add3A_698], %add3A_650 : memref<8x8x129xf32, #tpu.memory_space<vmem>>[vector<16xi32>, vector<16xi32>, vector<16xi32>], vector<16xf32>,
        tpu.vector_store_idx %arg17[%add3A_21, %and3A_4, %add3A_698], %add3A_651 : memref<8x8x129xf32, #tpu.memory_space<vmem>>[vector<16xi32>, vector<16xi32>, vector<16xi32>], vector<16xf32>,
        tpu.vector_store_idx %arg17[%add3A_27, %and3A_4, %add3A_698], %add3A_652 : memref<8x8x129xf32, #tpu.memory_space<vmem>>[vector<16xi32>, vector<16xi32>, vector<16xi32>], vector<16xf32>,
        %broadcast_in_dim3A_699 = arith.constant 0 : i32
        %broadcast_in_dim3A_700 = vector.broadcast %broadcast_in_dim3A_699 : i32 to vector<16xi32>
        %add3A_701 = arith.constant 7 : i32
        %add3A_702 = arith.addi %mul3A_464, %add3A_701 : i32
        %add3A_703 = vector.broadcast %add3A_702 : i32 to vector<16xi32>
        %add3A_704 = arith.addi %broadcast_in_dim3A_700, %add3A_703 : vector<16xi32>
        tpu.vector_store_idx %arg17[%add3A_9, %and3A_4, %add3A_704], %add3A_653 : memref<8x8x129xf32, #tpu.memory_space<vmem>>[vector<16xi32>, vector<16xi32>, vector<16xi32>], vector<16xf32>,
        tpu.vector_store_idx %arg17[%add3A_15, %and3A_4, %add3A_704], %add3A_654 : memref<8x8x129xf32, #tpu.memory_space<vmem>>[vector<16xi32>, vector<16xi32>, vector<16xi32>], vector<16xf32>,
        tpu.vector_store_idx %arg17[%add3A_21, %and3A_4, %add3A_704], %add3A_655 : memref<8x8x129xf32, #tpu.memory_space<vmem>>[vector<16xi32>, vector<16xi32>, vector<16xi32>], vector<16xf32>,
        tpu.vector_store_idx %arg17[%add3A_27, %and3A_4, %add3A_704], %add3A_656 : memref<8x8x129xf32, #tpu.memory_space<vmem>>[vector<16xi32>, vector<16xi32>, vector<16xi32>], vector<16xf32>,
      }
      %scan3A_327 = arith.constant 16 : i32
      %dma_start3A_328 = arith.constant 0 : i32
      %dma_start3A_329 = arith.constant 0 : i32
      %dma_start3A_330 = arith.constant 0 : i32
      %dma_start3A_331 = tpu.memref_slice %arg17[%dma_start3A_328, %dma_start3A_329, %dma_start3A_330] : memref<8x8x129xf32, #tpu.memory_space<vmem>> -> memref<8x8x128xf32, #tpu.memory_space<vmem>>
      %dma_start3A_332 = arith.constant 0 : i32
      %dma_start3A_333 = arith.constant 0 : i32
      %dma_start3A_334 = arith.constant 0 : i32
      %dma_start3A_335 = tpu.memref_slice %arg5[%add3A_291, %dma_start3A_332, %add3A, %dma_start3A_333, %dma_start3A_334] : memref<200x8x32x8x128xf32, #tpu.memory_space<hbm>> -> memref<1x8x1x8x128xf32, #tpu.memory_space<hbm>>
      %dma_start3A_336 = tpu.memref_squeeze %dma_start3A_335 : memref<1x8x1x8x128xf32, #tpu.memory_space<hbm>> -> memref<8x8x128xf32, #tpu.memory_space<hbm>>
      %dma_start3A_337 = arith.constant 0 : i32
      %dma_start3A_338 = arith.constant 0 : i32
      %dma_start3A_339 = arith.constant 0 : i32
      %dma_start3A_340 = tpu.memref_slice %arg5[%add3A_291, %dma_start3A_337, %add3A, %dma_start3A_338, %dma_start3A_339] : memref<200x8x32x8x128xf32, #tpu.memory_space<hbm>> -> memref<1x8x1x8x128xf32, #tpu.memory_space<hbm>>
      %dma_start3A_341 = tpu.memref_squeeze %dma_start3A_340 : memref<1x8x1x8x128xf32, #tpu.memory_space<hbm>> -> memref<8x8x128xf32, #tpu.memory_space<hbm>>
      %dma_start3A_342 = arith.constant 0 : i32
      %dma_start3A_343 = arith.constant 0 : i32
      %dma_start3A_344 = arith.constant 0 : i32
      %dma_start3A_345 = tpu.memref_slice %arg17[%dma_start3A_342, %dma_start3A_343, %dma_start3A_344] : memref<8x8x129xf32, #tpu.memory_space<vmem>> -> memref<8x8x128xf32, #tpu.memory_space<vmem>>
      tpu.enqueue_dma source(%dma_start3A_345 : memref<8x8x128xf32, #tpu.memory_space<vmem>>) target(%dma_start3A_341 : memref<8x8x128xf32, #tpu.memory_space<hbm>>) target_semaphore(%arg23 : memref<!tpu.dma_semaphore, #tpu.memory_space<semaphore_mem>>)
      %mul3A_346 = arith.constant 4 : i32
      %mul3A_347 = arith.muli %scan3A_234, %mul3A_346 : i32
      %add3A_348 = arith.constant 2 : i32
      %add3A_349 = arith.addi %mul3A_347, %add3A_348 : i32
      %add3A_350 = arith.constant 3 : i32
      %add3A_351 = arith.addi %add3A_349, %add3A_350 : i32
      %lt3A_352 = arith.constant 200 : i32
      %lt3A_353 = arith.cmpi slt, %add3A_351, %lt3A_352 : i32
      %convert_element_type3A_354 = arith.extui %lt3A_353 : i1 to i32
      %cond3A_355 = arith.constant 0 : i32
      %cond3A_356 = arith.cmpi ne, %convert_element_type3A_354, %cond3A_355 : i32
      scf.if %cond3A_356 {
        %add3A_462 = arith.constant 3 : i32
        %add3A_463 = arith.addi %add3A_349, %add3A_462 : i32
        %broadcast_in_dim3A_464 = arith.constant 0 : i32
        %broadcast_in_dim3A_465 = vector.broadcast %broadcast_in_dim3A_464 : i32 to vector<16xi32>
        %add3A_466 = vector.broadcast %add3A_463 : i32 to vector<16xi32>
        %add3A_467 = arith.addi %broadcast_in_dim3A_465, %add3A_466 : vector<16xi32>
        %add3A_468 = arith.constant 0 : i32
        %add3A_469 = vector.broadcast %add3A_468 : i32 to vector<16xi32>
        %add3A_470 = arith.addi %iota3A, %add3A_469 : vector<16xi32>
        %gather3A_471 = tpu.vector_load_idx %arg6[%add3A_470, %add3A_467] : memref<128x201xi32, #tpu.memory_space<vmem>>[vector<16xi32>, vector<16xi32>], vector<16xi32>,
        %add3A_472 = arith.constant 16 : i32
        %add3A_473 = vector.broadcast %add3A_472 : i32 to vector<16xi32>
        %add3A_474 = arith.addi %iota3A, %add3A_473 : vector<16xi32>
        %gather3A_475 = tpu.vector_load_idx %arg6[%add3A_474, %add3A_467] : memref<128x201xi32, #tpu.memory_space<vmem>>[vector<16xi32>, vector<16xi32>], vector<16xi32>,
        %add3A_476 = arith.constant 32 : i32
        %add3A_477 = vector.broadcast %add3A_476 : i32 to vector<16xi32>
        %add3A_478 = arith.addi %iota3A, %add3A_477 : vector<16xi32>
        %gather3A_479 = tpu.vector_load_idx %arg6[%add3A_478, %add3A_467] : memref<128x201xi32, #tpu.memory_space<vmem>>[vector<16xi32>, vector<16xi32>], vector<16xi32>,
        %add3A_480 = arith.constant 48 : i32
        %add3A_481 = vector.broadcast %add3A_480 : i32 to vector<16xi32>
        %add3A_482 = arith.addi %iota3A, %add3A_481 : vector<16xi32>
        %gather3A_483 = tpu.vector_load_idx %arg6[%add3A_482, %add3A_467] : memref<128x201xi32, #tpu.memory_space<vmem>>[vector<16xi32>, vector<16xi32>], vector<16xi32>,
        %add3A_484 = arith.constant 64 : i32
        %add3A_485 = vector.broadcast %add3A_484 : i32 to vector<16xi32>
        %add3A_486 = arith.addi %iota3A, %add3A_485 : vector<16xi32>
        %gather3A_487 = tpu.vector_load_idx %arg6[%add3A_486, %add3A_467] : memref<128x201xi32, #tpu.memory_space<vmem>>[vector<16xi32>, vector<16xi32>], vector<16xi32>,
        %add3A_488 = arith.constant 80 : i32
        %add3A_489 = vector.broadcast %add3A_488 : i32 to vector<16xi32>
        %add3A_490 = arith.addi %iota3A, %add3A_489 : vector<16xi32>
        %gather3A_491 = tpu.vector_load_idx %arg6[%add3A_490, %add3A_467] : memref<128x201xi32, #tpu.memory_space<vmem>>[vector<16xi32>, vector<16xi32>], vector<16xi32>,
        %add3A_492 = arith.constant 96 : i32
        %add3A_493 = vector.broadcast %add3A_492 : i32 to vector<16xi32>
        %add3A_494 = arith.addi %iota3A, %add3A_493 : vector<16xi32>
        %gather3A_495 = tpu.vector_load_idx %arg6[%add3A_494, %add3A_467] : memref<128x201xi32, #tpu.memory_space<vmem>>[vector<16xi32>, vector<16xi32>], vector<16xi32>,
        %add3A_496 = arith.constant 112 : i32
        %add3A_497 = vector.broadcast %add3A_496 : i32 to vector<16xi32>
        %add3A_498 = arith.addi %iota3A, %add3A_497 : vector<16xi32>
        %gather3A_499 = tpu.vector_load_idx %arg6[%add3A_498, %add3A_467] : memref<128x201xi32, #tpu.memory_space<vmem>>[vector<16xi32>, vector<16xi32>], vector<16xi32>,
        %swap3A_500 = arith.constant 0 : index
        %swap3A_501 = tpu.vector_load %arg9[%swap3A_500] {strides = array<i32>} : memref<128xi32, #tpu.memory_space<vmem>>, vector<16xi32>,
        tpu.vector_store %arg9[%swap3A_500], %gather3A_471 {strides = array<i32>} : memref<128xi32, #tpu.memory_space<vmem>>, vector<16xi32>,
        %swap3A_502 = arith.constant 16 : index
        %swap3A_503 = tpu.vector_load %arg9[%swap3A_502] {strides = array<i32>} : memref<128xi32, #tpu.memory_space<vmem>>, vector<16xi32>,
        tpu.vector_store %arg9[%swap3A_502], %gather3A_475 {strides = array<i32>} : memref<128xi32, #tpu.memory_space<vmem>>, vector<16xi32>,
        %swap3A_504 = arith.constant 32 : index
        %swap3A_505 = tpu.vector_load %arg9[%swap3A_504] {strides = array<i32>} : memref<128xi32, #tpu.memory_space<vmem>>, vector<16xi32>,
        tpu.vector_store %arg9[%swap3A_504], %gather3A_479 {strides = array<i32>} : memref<128xi32, #tpu.memory_space<vmem>>, vector<16xi32>,
        %swap3A_506 = arith.constant 48 : index
        %swap3A_507 = tpu.vector_load %arg9[%swap3A_506] {strides = array<i32>} : memref<128xi32, #tpu.memory_space<vmem>>, vector<16xi32>,
        tpu.vector_store %arg9[%swap3A_506], %gather3A_483 {strides = array<i32>} : memref<128xi32, #tpu.memory_space<vmem>>, vector<16xi32>,
        %swap3A_508 = arith.constant 64 : index
        %swap3A_509 = tpu.vector_load %arg9[%swap3A_508] {strides = array<i32>} : memref<128xi32, #tpu.memory_space<vmem>>, vector<16xi32>,
        tpu.vector_store %arg9[%swap3A_508], %gather3A_487 {strides = array<i32>} : memref<128xi32, #tpu.memory_space<vmem>>, vector<16xi32>,
        %swap3A_510 = arith.constant 80 : index
        %swap3A_511 = tpu.vector_load %arg9[%swap3A_510] {strides = array<i32>} : memref<128xi32, #tpu.memory_space<vmem>>, vector<16xi32>,
        tpu.vector_store %arg9[%swap3A_510], %gather3A_491 {strides = array<i32>} : memref<128xi32, #tpu.memory_space<vmem>>, vector<16xi32>,
        %swap3A_512 = arith.constant 96 : index
        %swap3A_513 = tpu.vector_load %arg9[%swap3A_512] {strides = array<i32>} : memref<128xi32, #tpu.memory_space<vmem>>, vector<16xi32>,
        tpu.vector_store %arg9[%swap3A_512], %gather3A_495 {strides = array<i32>} : memref<128xi32, #tpu.memory_space<vmem>>, vector<16xi32>,
        %swap3A_514 = arith.constant 112 : index
        %swap3A_515 = tpu.vector_load %arg9[%swap3A_514] {strides = array<i32>} : memref<128xi32, #tpu.memory_space<vmem>>, vector<16xi32>,
        tpu.vector_store %arg9[%swap3A_514], %gather3A_499 {strides = array<i32>} : memref<128xi32, #tpu.memory_space<vmem>>, vector<16xi32>,
        %dma_start3A_516 = arith.constant 0 : i32
        %dma_start3A_517 = arith.constant 0 : i32
        %dma_start3A_518 = tpu.memref_slice %arg3[%dma_start3A_516, %dma_start3A_517] : memref<1000000x128xf32, #tpu.memory_space<hbm>> -> memref<1000000x128xf32, #tpu.memory_space<hbm>>
        tpu.enqueue_indirect_dma source(%dma_start3A_518 : memref<1000000x128xf32, #tpu.memory_space<hbm>>) target(%arg13 : memref<128x128xf32, #tpu.memory_space<vmem>>) offsets(%arg9 : memref<128xi32, #tpu.memory_space<vmem>>) semaphore(%arg19 : memref<!tpu.dma_semaphore, #tpu.memory_space<semaphore_mem>>)
      } else {
      }
      %dma_wait3A_357 = arith.constant 0 : i32
      %dma_wait3A_358 = arith.constant 0 : i32
      %dma_wait3A_359 = tpu.memref_slice %arg3[%dma_wait3A_357, %dma_wait3A_358] : memref<1000000x128xf32, #tpu.memory_space<hbm>> -> memref<128x128xf32, #tpu.memory_space<hbm>>
      %dma_wait3A_360 = arith.constant 0 : i32
      %dma_wait3A_361 = arith.constant 0 : i32
      %dma_wait3A_362 = tpu.memref_slice %arg3[%dma_wait3A_360, %dma_wait3A_361] : memref<1000000x128xf32, #tpu.memory_space<hbm>> -> memref<128x128xf32, #tpu.memory_space<hbm>>
      tpu.wait_dma2 semaphore(%arg20 : memref<!tpu.dma_semaphore, #tpu.memory_space<semaphore_mem>>) src(%dma_wait3A_362 : memref<128x128xf32, #tpu.memory_space<hbm>>) dst(%arg14 : memref<128x128xf32, #tpu.memory_space<vmem>>)
      %ge3A_363 = arith.constant 2 : i32
      %ge3A_364 = arith.cmpi sge, %add3A_349, %ge3A_363 : i32
      %convert_element_type3A_365 = arith.extui %ge3A_364 : i1 to i32
      %cond3A_366 = arith.constant 0 : i32
      %cond3A_367 = arith.cmpi ne, %convert_element_type3A_365, %cond3A_366 : i32
      scf.if %cond3A_367 {
        %dma_wait3A_462 = arith.constant 0 : i32
        %dma_wait3A_463 = arith.constant 0 : i32
        %dma_wait3A_464 = arith.constant 0 : i32
        %dma_wait3A_465 = arith.constant 0 : i32
        %dma_wait3A_466 = tpu.memref_slice %arg16[%dma_wait3A_463, %dma_wait3A_464, %dma_wait3A_465] : memref<8x8x129xf32, #tpu.memory_space<vmem>> -> memref<8x8x128xf32, #tpu.memory_space<vmem>>
        %dma_wait3A_467 = arith.constant 0 : i32
        %dma_wait3A_468 = arith.constant 0 : i32
        %dma_wait3A_469 = arith.constant 0 : i32
        %dma_wait3A_470 = tpu.memref_slice %arg5[%dma_wait3A_462, %dma_wait3A_467, %add3A, %dma_wait3A_468, %dma_wait3A_469] : memref<200x8x32x8x128xf32, #tpu.memory_space<hbm>> -> memref<1x8x1x8x128xf32, #tpu.memory_space<hbm>>
        %dma_wait3A_471 = tpu.memref_squeeze %dma_wait3A_470 : memref<1x8x1x8x128xf32, #tpu.memory_space<hbm>> -> memref<8x8x128xf32, #tpu.memory_space<hbm>>
        %dma_wait3A_472 = arith.constant 0 : i32
        %dma_wait3A_473 = arith.constant 0 : i32
        %dma_wait3A_474 = arith.constant 0 : i32
        %dma_wait3A_475 = tpu.memref_slice %arg5[%dma_wait3A_462, %dma_wait3A_472, %add3A, %dma_wait3A_473, %dma_wait3A_474] : memref<200x8x32x8x128xf32, #tpu.memory_space<hbm>> -> memref<1x8x1x8x128xf32, #tpu.memory_space<hbm>>
        %dma_wait3A_476 = tpu.memref_squeeze %dma_wait3A_475 : memref<1x8x1x8x128xf32, #tpu.memory_space<hbm>> -> memref<8x8x128xf32, #tpu.memory_space<hbm>>
        %dma_wait3A_477 = arith.constant 0 : i32
        %dma_wait3A_478 = arith.constant 0 : i32
        %dma_wait3A_479 = arith.constant 0 : i32
        %dma_wait3A_480 = tpu.memref_slice %arg16[%dma_wait3A_477, %dma_wait3A_478, %dma_wait3A_479] : memref<8x8x129xf32, #tpu.memory_space<vmem>> -> memref<8x8x128xf32, #tpu.memory_space<vmem>>
        tpu.wait_dma2 semaphore(%arg22 : memref<!tpu.dma_semaphore, #tpu.memory_space<semaphore_mem>>) src(%dma_wait3A_480 : memref<8x8x128xf32, #tpu.memory_space<vmem>>) dst(%dma_wait3A_476 : memref<8x8x128xf32, #tpu.memory_space<hbm>>)
      } else {
      }
      %get3A_368 = arith.index_cast %add3A_349 : i32 to index
      %get3A_369 = arith.constant 0 : index
      %get3A_370 = tpu.vector_load %arg7[%get3A_368, %get3A_369] {strides = array<i32>} : memref<200x64xf32, #tpu.memory_space<vmem>>, vector<16xf32>,
      %get3A_371 = arith.index_cast %add3A_349 : i32 to index
      %get3A_372 = arith.constant 16 : index
      %get3A_373 = tpu.vector_load %arg7[%get3A_371, %get3A_372] {strides = array<i32>} : memref<200x64xf32, #tpu.memory_space<vmem>>, vector<16xf32>,
      %get3A_374 = arith.index_cast %add3A_349 : i32 to index
      %get3A_375 = arith.constant 32 : index
      %get3A_376 = tpu.vector_load %arg7[%get3A_374, %get3A_375] {strides = array<i32>} : memref<200x64xf32, #tpu.memory_space<vmem>>, vector<16xf32>,
      %get3A_377 = arith.index_cast %add3A_349 : i32 to index
      %get3A_378 = arith.constant 48 : index
      %get3A_379 = tpu.vector_load %arg7[%get3A_377, %get3A_378] {strides = array<i32>} : memref<200x64xf32, #tpu.memory_space<vmem>>, vector<16xf32>,
      %scan3A_380 = arith.constant 0 : i32
      %scan3A_381 = arith.constant 0 : i32
      %scan3A_382 = arith.constant 16 : i32
      %scan3A_383 = arith.addi %scan3A_381, %scan3A_382 : i32
      %scan3A_384 = arith.constant 1 : i32
      scf.for %scan3A_462 = %scan3A_381 to %scan3A_383 step %scan3A_384  : i32 {
        %mul3A_463 = arith.constant 8 : i32
        %mul3A_464 = arith.muli %scan3A_462, %mul3A_463 : i32
        %add3A_465 = arith.constant 0 : i32
        %add3A_466 = arith.addi %mul3A_464, %add3A_465 : i32
        %get3A_467 = arith.index_cast %add3A_466 : i32 to index
        %get3A_468 = arith.constant 0 : index
        %get3A_469 = tpu.vector_load %arg14[%get3A_467, %get3A_468] {strides = array<i32>} : memref<128x128xf32, #tpu.memory_space<vmem>>, vector<16xf32>,
        %add3A_470 = arith.constant 0 : i32
        %add3A_471 = arith.addi %mul3A_464, %add3A_470 : i32
        %get3A_472 = arith.index_cast %add3A_471 : i32 to index
        %get3A_473 = arith.constant 16 : index
        %get3A_474 = tpu.vector_load %arg14[%get3A_472, %get3A_473] {strides = array<i32>} : memref<128x128xf32, #tpu.memory_space<vmem>>, vector<16xf32>,
        %add3A_475 = arith.constant 0 : i32
        %add3A_476 = arith.addi %mul3A_464, %add3A_475 : i32
        %get3A_477 = arith.index_cast %add3A_476 : i32 to index
        %get3A_478 = arith.constant 32 : index
        %get3A_479 = tpu.vector_load %arg14[%get3A_477, %get3A_478] {strides = array<i32>} : memref<128x128xf32, #tpu.memory_space<vmem>>, vector<16xf32>,
        %add3A_480 = arith.constant 0 : i32
        %add3A_481 = arith.addi %mul3A_464, %add3A_480 : i32
        %get3A_482 = arith.index_cast %add3A_481 : i32 to index
        %get3A_483 = arith.constant 48 : index
        %get3A_484 = tpu.vector_load %arg14[%get3A_482, %get3A_483] {strides = array<i32>} : memref<128x128xf32, #tpu.memory_space<vmem>>, vector<16xf32>,
        %add3A_485 = arith.constant 1 : i32
        %add3A_486 = arith.addi %mul3A_464, %add3A_485 : i32
        %get3A_487 = arith.index_cast %add3A_486 : i32 to index
        %get3A_488 = arith.constant 0 : index
        %get3A_489 = tpu.vector_load %arg14[%get3A_487, %get3A_488] {strides = array<i32>} : memref<128x128xf32, #tpu.memory_space<vmem>>, vector<16xf32>,
        %add3A_490 = arith.constant 1 : i32
        %add3A_491 = arith.addi %mul3A_464, %add3A_490 : i32
        %get3A_492 = arith.index_cast %add3A_491 : i32 to index
        %get3A_493 = arith.constant 16 : index
        %get3A_494 = tpu.vector_load %arg14[%get3A_492, %get3A_493] {strides = array<i32>} : memref<128x128xf32, #tpu.memory_space<vmem>>, vector<16xf32>,
        %add3A_495 = arith.constant 1 : i32
        %add3A_496 = arith.addi %mul3A_464, %add3A_495 : i32
        %get3A_497 = arith.index_cast %add3A_496 : i32 to index
        %get3A_498 = arith.constant 32 : index
        %get3A_499 = tpu.vector_load %arg14[%get3A_497, %get3A_498] {strides = array<i32>} : memref<128x128xf32, #tpu.memory_space<vmem>>, vector<16xf32>,
        %add3A_500 = arith.constant 1 : i32
        %add3A_501 = arith.addi %mul3A_464, %add3A_500 : i32
        %get3A_502 = arith.index_cast %add3A_501 : i32 to index
        %get3A_503 = arith.constant 48 : index
        %get3A_504 = tpu.vector_load %arg14[%get3A_502, %get3A_503] {strides = array<i32>} : memref<128x128xf32, #tpu.memory_space<vmem>>, vector<16xf32>,
        %add3A_505 = arith.constant 2 : i32
        %add3A_506 = arith.addi %mul3A_464, %add3A_505 : i32
        %get3A_507 = arith.index_cast %add3A_506 : i32 to index
        %get3A_508 = arith.constant 0 : index
        %get3A_509 = tpu.vector_load %arg14[%get3A_507, %get3A_508] {strides = array<i32>} : memref<128x128xf32, #tpu.memory_space<vmem>>, vector<16xf32>,
        %add3A_510 = arith.constant 2 : i32
        %add3A_511 = arith.addi %mul3A_464, %add3A_510 : i32
        %get3A_512 = arith.index_cast %add3A_511 : i32 to index
        %get3A_513 = arith.constant 16 : index
        %get3A_514 = tpu.vector_load %arg14[%get3A_512, %get3A_513] {strides = array<i32>} : memref<128x128xf32, #tpu.memory_space<vmem>>, vector<16xf32>,
        %add3A_515 = arith.constant 2 : i32
        %add3A_516 = arith.addi %mul3A_464, %add3A_515 : i32
        %get3A_517 = arith.index_cast %add3A_516 : i32 to index
        %get3A_518 = arith.constant 32 : index
        %get3A_519 = tpu.vector_load %arg14[%get3A_517, %get3A_518] {strides = array<i32>} : memref<128x128xf32, #tpu.memory_space<vmem>>, vector<16xf32>,
        %add3A_520 = arith.constant 2 : i32
        %add3A_521 = arith.addi %mul3A_464, %add3A_520 : i32
        %get3A_522 = arith.index_cast %add3A_521 : i32 to index
        %get3A_523 = arith.constant 48 : index
        %get3A_524 = tpu.vector_load %arg14[%get3A_522, %get3A_523] {strides = array<i32>} : memref<128x128xf32, #tpu.memory_space<vmem>>, vector<16xf32>,
        %add3A_525 = arith.constant 3 : i32
        %add3A_526 = arith.addi %mul3A_464, %add3A_525 : i32
        %get3A_527 = arith.index_cast %add3A_526 : i32 to index
        %get3A_528 = arith.constant 0 : index
        %get3A_529 = tpu.vector_load %arg14[%get3A_527, %get3A_528] {strides = array<i32>} : memref<128x128xf32, #tpu.memory_space<vmem>>, vector<16xf32>,
        %add3A_530 = arith.constant 3 : i32
        %add3A_531 = arith.addi %mul3A_464, %add3A_530 : i32
        %get3A_532 = arith.index_cast %add3A_531 : i32 to index
        %get3A_533 = arith.constant 16 : index
        %get3A_534 = tpu.vector_load %arg14[%get3A_532, %get3A_533] {strides = array<i32>} : memref<128x128xf32, #tpu.memory_space<vmem>>, vector<16xf32>,
        %add3A_535 = arith.constant 3 : i32
        %add3A_536 = arith.addi %mul3A_464, %add3A_535 : i32
        %get3A_537 = arith.index_cast %add3A_536 : i32 to index
        %get3A_538 = arith.constant 32 : index
        %get3A_539 = tpu.vector_load %arg14[%get3A_537, %get3A_538] {strides = array<i32>} : memref<128x128xf32, #tpu.memory_space<vmem>>, vector<16xf32>,
        %add3A_540 = arith.constant 3 : i32
        %add3A_541 = arith.addi %mul3A_464, %add3A_540 : i32
        %get3A_542 = arith.index_cast %add3A_541 : i32 to index
        %get3A_543 = arith.constant 48 : index
        %get3A_544 = tpu.vector_load %arg14[%get3A_542, %get3A_543] {strides = array<i32>} : memref<128x128xf32, #tpu.memory_space<vmem>>, vector<16xf32>,
        %add3A_545 = arith.constant 4 : i32
        %add3A_546 = arith.addi %mul3A_464, %add3A_545 : i32
        %get3A_547 = arith.index_cast %add3A_546 : i32 to index
        %get3A_548 = arith.constant 0 : index
        %get3A_549 = tpu.vector_load %arg14[%get3A_547, %get3A_548] {strides = array<i32>} : memref<128x128xf32, #tpu.memory_space<vmem>>, vector<16xf32>,
        %add3A_550 = arith.constant 4 : i32
        %add3A_551 = arith.addi %mul3A_464, %add3A_550 : i32
        %get3A_552 = arith.index_cast %add3A_551 : i32 to index
        %get3A_553 = arith.constant 16 : index
        %get3A_554 = tpu.vector_load %arg14[%get3A_552, %get3A_553] {strides = array<i32>} : memref<128x128xf32, #tpu.memory_space<vmem>>, vector<16xf32>,
        %add3A_555 = arith.constant 4 : i32
        %add3A_556 = arith.addi %mul3A_464, %add3A_555 : i32
        %get3A_557 = arith.index_cast %add3A_556 : i32 to index
        %get3A_558 = arith.constant 32 : index
        %get3A_559 = tpu.vector_load %arg14[%get3A_557, %get3A_558] {strides = array<i32>} : memref<128x128xf32, #tpu.memory_space<vmem>>, vector<16xf32>,
        %add3A_560 = arith.constant 4 : i32
        %add3A_561 = arith.addi %mul3A_464, %add3A_560 : i32
        %get3A_562 = arith.index_cast %add3A_561 : i32 to index
        %get3A_563 = arith.constant 48 : index
        %get3A_564 = tpu.vector_load %arg14[%get3A_562, %get3A_563] {strides = array<i32>} : memref<128x128xf32, #tpu.memory_space<vmem>>, vector<16xf32>,
        %add3A_565 = arith.constant 5 : i32
        %add3A_566 = arith.addi %mul3A_464, %add3A_565 : i32
        %get3A_567 = arith.index_cast %add3A_566 : i32 to index
        %get3A_568 = arith.constant 0 : index
        %get3A_569 = tpu.vector_load %arg14[%get3A_567, %get3A_568] {strides = array<i32>} : memref<128x128xf32, #tpu.memory_space<vmem>>, vector<16xf32>,
        %add3A_570 = arith.constant 5 : i32
        %add3A_571 = arith.addi %mul3A_464, %add3A_570 : i32
        %get3A_572 = arith.index_cast %add3A_571 : i32 to index
        %get3A_573 = arith.constant 16 : index
        %get3A_574 = tpu.vector_load %arg14[%get3A_572, %get3A_573] {strides = array<i32>} : memref<128x128xf32, #tpu.memory_space<vmem>>, vector<16xf32>,
        %add3A_575 = arith.constant 5 : i32
        %add3A_576 = arith.addi %mul3A_464, %add3A_575 : i32
        %get3A_577 = arith.index_cast %add3A_576 : i32 to index
        %get3A_578 = arith.constant 32 : index
        %get3A_579 = tpu.vector_load %arg14[%get3A_577, %get3A_578] {strides = array<i32>} : memref<128x128xf32, #tpu.memory_space<vmem>>, vector<16xf32>,
        %add3A_580 = arith.constant 5 : i32
        %add3A_581 = arith.addi %mul3A_464, %add3A_580 : i32
        %get3A_582 = arith.index_cast %add3A_581 : i32 to index
        %get3A_583 = arith.constant 48 : index
        %get3A_584 = tpu.vector_load %arg14[%get3A_582, %get3A_583] {strides = array<i32>} : memref<128x128xf32, #tpu.memory_space<vmem>>, vector<16xf32>,
        %add3A_585 = arith.constant 6 : i32
        %add3A_586 = arith.addi %mul3A_464, %add3A_585 : i32
        %get3A_587 = arith.index_cast %add3A_586 : i32 to index
        %get3A_588 = arith.constant 0 : index
        %get3A_589 = tpu.vector_load %arg14[%get3A_587, %get3A_588] {strides = array<i32>} : memref<128x128xf32, #tpu.memory_space<vmem>>, vector<16xf32>,
        %add3A_590 = arith.constant 6 : i32
        %add3A_591 = arith.addi %mul3A_464, %add3A_590 : i32
        %get3A_592 = arith.index_cast %add3A_591 : i32 to index
        %get3A_593 = arith.constant 16 : index
        %get3A_594 = tpu.vector_load %arg14[%get3A_592, %get3A_593] {strides = array<i32>} : memref<128x128xf32, #tpu.memory_space<vmem>>, vector<16xf32>,
        %add3A_595 = arith.constant 6 : i32
        %add3A_596 = arith.addi %mul3A_464, %add3A_595 : i32
        %get3A_597 = arith.index_cast %add3A_596 : i32 to index
        %get3A_598 = arith.constant 32 : index
        %get3A_599 = tpu.vector_load %arg14[%get3A_597, %get3A_598] {strides = array<i32>} : memref<128x128xf32, #tpu.memory_space<vmem>>, vector<16xf32>,
        %add3A_600 = arith.constant 6 : i32
        %add3A_601 = arith.addi %mul3A_464, %add3A_600 : i32
        %get3A_602 = arith.index_cast %add3A_601 : i32 to index
        %get3A_603 = arith.constant 48 : index
        %get3A_604 = tpu.vector_load %arg14[%get3A_602, %get3A_603] {strides = array<i32>} : memref<128x128xf32, #tpu.memory_space<vmem>>, vector<16xf32>,
        %add3A_605 = arith.constant 7 : i32
        %add3A_606 = arith.addi %mul3A_464, %add3A_605 : i32
        %get3A_607 = arith.index_cast %add3A_606 : i32 to index
        %get3A_608 = arith.constant 0 : index
        %get3A_609 = tpu.vector_load %arg14[%get3A_607, %get3A_608] {strides = array<i32>} : memref<128x128xf32, #tpu.memory_space<vmem>>, vector<16xf32>,
        %add3A_610 = arith.constant 7 : i32
        %add3A_611 = arith.addi %mul3A_464, %add3A_610 : i32
        %get3A_612 = arith.index_cast %add3A_611 : i32 to index
        %get3A_613 = arith.constant 16 : index
        %get3A_614 = tpu.vector_load %arg14[%get3A_612, %get3A_613] {strides = array<i32>} : memref<128x128xf32, #tpu.memory_space<vmem>>, vector<16xf32>,
        %add3A_615 = arith.constant 7 : i32
        %add3A_616 = arith.addi %mul3A_464, %add3A_615 : i32
        %get3A_617 = arith.index_cast %add3A_616 : i32 to index
        %get3A_618 = arith.constant 32 : index
        %get3A_619 = tpu.vector_load %arg14[%get3A_617, %get3A_618] {strides = array<i32>} : memref<128x128xf32, #tpu.memory_space<vmem>>, vector<16xf32>,
        %add3A_620 = arith.constant 7 : i32
        %add3A_621 = arith.addi %mul3A_464, %add3A_620 : i32
        %get3A_622 = arith.index_cast %add3A_621 : i32 to index
        %get3A_623 = arith.constant 48 : index
        %get3A_624 = tpu.vector_load %arg14[%get3A_622, %get3A_623] {strides = array<i32>} : memref<128x128xf32, #tpu.memory_space<vmem>>, vector<16xf32>,
        %add3A_625 = arith.addf %get3A_469, %get3A_370 : vector<16xf32>
        %add3A_626 = arith.addf %get3A_474, %get3A_373 : vector<16xf32>
        %add3A_627 = arith.addf %get3A_479, %get3A_376 : vector<16xf32>
        %add3A_628 = arith.addf %get3A_484, %get3A_379 : vector<16xf32>
        %add3A_629 = arith.addf %get3A_489, %get3A_370 : vector<16xf32>
        %add3A_630 = arith.addf %get3A_494, %get3A_373 : vector<16xf32>
        %add3A_631 = arith.addf %get3A_499, %get3A_376 : vector<16xf32>
        %add3A_632 = arith.addf %get3A_504, %get3A_379 : vector<16xf32>
        %add3A_633 = arith.addf %get3A_509, %get3A_370 : vector<16xf32>
        %add3A_634 = arith.addf %get3A_514, %get3A_373 : vector<16xf32>
        %add3A_635 = arith.addf %get3A_519, %get3A_376 : vector<16xf32>
        %add3A_636 = arith.addf %get3A_524, %get3A_379 : vector<16xf32>
        %add3A_637 = arith.addf %get3A_529, %get3A_370 : vector<16xf32>
        %add3A_638 = arith.addf %get3A_534, %get3A_373 : vector<16xf32>
        %add3A_639 = arith.addf %get3A_539, %get3A_376 : vector<16xf32>
        %add3A_640 = arith.addf %get3A_544, %get3A_379 : vector<16xf32>
        %add3A_641 = arith.addf %get3A_549, %get3A_370 : vector<16xf32>
        %add3A_642 = arith.addf %get3A_554, %get3A_373 : vector<16xf32>
        %add3A_643 = arith.addf %get3A_559, %get3A_376 : vector<16xf32>
        %add3A_644 = arith.addf %get3A_564, %get3A_379 : vector<16xf32>
        %add3A_645 = arith.addf %get3A_569, %get3A_370 : vector<16xf32>
        %add3A_646 = arith.addf %get3A_574, %get3A_373 : vector<16xf32>
        %add3A_647 = arith.addf %get3A_579, %get3A_376 : vector<16xf32>
        %add3A_648 = arith.addf %get3A_584, %get3A_379 : vector<16xf32>
        %add3A_649 = arith.addf %get3A_589, %get3A_370 : vector<16xf32>
        %add3A_650 = arith.addf %get3A_594, %get3A_373 : vector<16xf32>
        %add3A_651 = arith.addf %get3A_599, %get3A_376 : vector<16xf32>
        %add3A_652 = arith.addf %get3A_604, %get3A_379 : vector<16xf32>
        %add3A_653 = arith.addf %get3A_609, %get3A_370 : vector<16xf32>
        %add3A_654 = arith.addf %get3A_614, %get3A_373 : vector<16xf32>
        %add3A_655 = arith.addf %get3A_619, %get3A_376 : vector<16xf32>
        %add3A_656 = arith.addf %get3A_624, %get3A_379 : vector<16xf32>
        %broadcast_in_dim3A_657 = arith.constant 0 : i32
        %broadcast_in_dim3A_658 = vector.broadcast %broadcast_in_dim3A_657 : i32 to vector<16xi32>
        %add3A_659 = arith.constant 0 : i32
        %add3A_660 = arith.addi %mul3A_464, %add3A_659 : i32
        %add3A_661 = vector.broadcast %add3A_660 : i32 to vector<16xi32>
        %add3A_662 = arith.addi %broadcast_in_dim3A_658, %add3A_661 : vector<16xi32>
        tpu.vector_store_idx %arg16[%add3A_9, %and3A_4, %add3A_662], %add3A_625 : memref<8x8x129xf32, #tpu.memory_space<vmem>>[vector<16xi32>, vector<16xi32>, vector<16xi32>], vector<16xf32>,
        tpu.vector_store_idx %arg16[%add3A_15, %and3A_4, %add3A_662], %add3A_626 : memref<8x8x129xf32, #tpu.memory_space<vmem>>[vector<16xi32>, vector<16xi32>, vector<16xi32>], vector<16xf32>,
        tpu.vector_store_idx %arg16[%add3A_21, %and3A_4, %add3A_662], %add3A_627 : memref<8x8x129xf32, #tpu.memory_space<vmem>>[vector<16xi32>, vector<16xi32>, vector<16xi32>], vector<16xf32>,
        tpu.vector_store_idx %arg16[%add3A_27, %and3A_4, %add3A_662], %add3A_628 : memref<8x8x129xf32, #tpu.memory_space<vmem>>[vector<16xi32>, vector<16xi32>, vector<16xi32>], vector<16xf32>,
        %broadcast_in_dim3A_663 = arith.constant 0 : i32
        %broadcast_in_dim3A_664 = vector.broadcast %broadcast_in_dim3A_663 : i32 to vector<16xi32>
        %add3A_665 = arith.constant 1 : i32
        %add3A_666 = arith.addi %mul3A_464, %add3A_665 : i32
        %add3A_667 = vector.broadcast %add3A_666 : i32 to vector<16xi32>
        %add3A_668 = arith.addi %broadcast_in_dim3A_664, %add3A_667 : vector<16xi32>
        tpu.vector_store_idx %arg16[%add3A_9, %and3A_4, %add3A_668], %add3A_629 : memref<8x8x129xf32, #tpu.memory_space<vmem>>[vector<16xi32>, vector<16xi32>, vector<16xi32>], vector<16xf32>,
        tpu.vector_store_idx %arg16[%add3A_15, %and3A_4, %add3A_668], %add3A_630 : memref<8x8x129xf32, #tpu.memory_space<vmem>>[vector<16xi32>, vector<16xi32>, vector<16xi32>], vector<16xf32>,
        tpu.vector_store_idx %arg16[%add3A_21, %and3A_4, %add3A_668], %add3A_631 : memref<8x8x129xf32, #tpu.memory_space<vmem>>[vector<16xi32>, vector<16xi32>, vector<16xi32>], vector<16xf32>,
        tpu.vector_store_idx %arg16[%add3A_27, %and3A_4, %add3A_668], %add3A_632 : memref<8x8x129xf32, #tpu.memory_space<vmem>>[vector<16xi32>, vector<16xi32>, vector<16xi32>], vector<16xf32>,
        %broadcast_in_dim3A_669 = arith.constant 0 : i32
        %broadcast_in_dim3A_670 = vector.broadcast %broadcast_in_dim3A_669 : i32 to vector<16xi32>
        %add3A_671 = arith.constant 2 : i32
        %add3A_672 = arith.addi %mul3A_464, %add3A_671 : i32
        %add3A_673 = vector.broadcast %add3A_672 : i32 to vector<16xi32>
        %add3A_674 = arith.addi %broadcast_in_dim3A_670, %add3A_673 : vector<16xi32>
        tpu.vector_store_idx %arg16[%add3A_9, %and3A_4, %add3A_674], %add3A_633 : memref<8x8x129xf32, #tpu.memory_space<vmem>>[vector<16xi32>, vector<16xi32>, vector<16xi32>], vector<16xf32>,
        tpu.vector_store_idx %arg16[%add3A_15, %and3A_4, %add3A_674], %add3A_634 : memref<8x8x129xf32, #tpu.memory_space<vmem>>[vector<16xi32>, vector<16xi32>, vector<16xi32>], vector<16xf32>,
        tpu.vector_store_idx %arg16[%add3A_21, %and3A_4, %add3A_674], %add3A_635 : memref<8x8x129xf32, #tpu.memory_space<vmem>>[vector<16xi32>, vector<16xi32>, vector<16xi32>], vector<16xf32>,
        tpu.vector_store_idx %arg16[%add3A_27, %and3A_4, %add3A_674], %add3A_636 : memref<8x8x129xf32, #tpu.memory_space<vmem>>[vector<16xi32>, vector<16xi32>, vector<16xi32>], vector<16xf32>,
        %broadcast_in_dim3A_675 = arith.constant 0 : i32
        %broadcast_in_dim3A_676 = vector.broadcast %broadcast_in_dim3A_675 : i32 to vector<16xi32>
        %add3A_677 = arith.constant 3 : i32
        %add3A_678 = arith.addi %mul3A_464, %add3A_677 : i32
        %add3A_679 = vector.broadcast %add3A_678 : i32 to vector<16xi32>
        %add3A_680 = arith.addi %broadcast_in_dim3A_676, %add3A_679 : vector<16xi32>
        tpu.vector_store_idx %arg16[%add3A_9, %and3A_4, %add3A_680], %add3A_637 : memref<8x8x129xf32, #tpu.memory_space<vmem>>[vector<16xi32>, vector<16xi32>, vector<16xi32>], vector<16xf32>,
        tpu.vector_store_idx %arg16[%add3A_15, %and3A_4, %add3A_680], %add3A_638 : memref<8x8x129xf32, #tpu.memory_space<vmem>>[vector<16xi32>, vector<16xi32>, vector<16xi32>], vector<16xf32>,
        tpu.vector_store_idx %arg16[%add3A_21, %and3A_4, %add3A_680], %add3A_639 : memref<8x8x129xf32, #tpu.memory_space<vmem>>[vector<16xi32>, vector<16xi32>, vector<16xi32>], vector<16xf32>,
        tpu.vector_store_idx %arg16[%add3A_27, %and3A_4, %add3A_680], %add3A_640 : memref<8x8x129xf32, #tpu.memory_space<vmem>>[vector<16xi32>, vector<16xi32>, vector<16xi32>], vector<16xf32>,
        %broadcast_in_dim3A_681 = arith.constant 0 : i32
        %broadcast_in_dim3A_682 = vector.broadcast %broadcast_in_dim3A_681 : i32 to vector<16xi32>
        %add3A_683 = arith.constant 4 : i32
        %add3A_684 = arith.addi %mul3A_464, %add3A_683 : i32
        %add3A_685 = vector.broadcast %add3A_684 : i32 to vector<16xi32>
        %add3A_686 = arith.addi %broadcast_in_dim3A_682, %add3A_685 : vector<16xi32>
        tpu.vector_store_idx %arg16[%add3A_9, %and3A_4, %add3A_686], %add3A_641 : memref<8x8x129xf32, #tpu.memory_space<vmem>>[vector<16xi32>, vector<16xi32>, vector<16xi32>], vector<16xf32>,
        tpu.vector_store_idx %arg16[%add3A_15, %and3A_4, %add3A_686], %add3A_642 : memref<8x8x129xf32, #tpu.memory_space<vmem>>[vector<16xi32>, vector<16xi32>, vector<16xi32>], vector<16xf32>,
        tpu.vector_store_idx %arg16[%add3A_21, %and3A_4, %add3A_686], %add3A_643 : memref<8x8x129xf32, #tpu.memory_space<vmem>>[vector<16xi32>, vector<16xi32>, vector<16xi32>], vector<16xf32>,
        tpu.vector_store_idx %arg16[%add3A_27, %and3A_4, %add3A_686], %add3A_644 : memref<8x8x129xf32, #tpu.memory_space<vmem>>[vector<16xi32>, vector<16xi32>, vector<16xi32>], vector<16xf32>,
        %broadcast_in_dim3A_687 = arith.constant 0 : i32
        %broadcast_in_dim3A_688 = vector.broadcast %broadcast_in_dim3A_687 : i32 to vector<16xi32>
        %add3A_689 = arith.constant 5 : i32
        %add3A_690 = arith.addi %mul3A_464, %add3A_689 : i32
        %add3A_691 = vector.broadcast %add3A_690 : i32 to vector<16xi32>
        %add3A_692 = arith.addi %broadcast_in_dim3A_688, %add3A_691 : vector<16xi32>
        tpu.vector_store_idx %arg16[%add3A_9, %and3A_4, %add3A_692], %add3A_645 : memref<8x8x129xf32, #tpu.memory_space<vmem>>[vector<16xi32>, vector<16xi32>, vector<16xi32>], vector<16xf32>,
        tpu.vector_store_idx %arg16[%add3A_15, %and3A_4, %add3A_692], %add3A_646 : memref<8x8x129xf32, #tpu.memory_space<vmem>>[vector<16xi32>, vector<16xi32>, vector<16xi32>], vector<16xf32>,
        tpu.vector_store_idx %arg16[%add3A_21, %and3A_4, %add3A_692], %add3A_647 : memref<8x8x129xf32, #tpu.memory_space<vmem>>[vector<16xi32>, vector<16xi32>, vector<16xi32>], vector<16xf32>,
        tpu.vector_store_idx %arg16[%add3A_27, %and3A_4, %add3A_692], %add3A_648 : memref<8x8x129xf32, #tpu.memory_space<vmem>>[vector<16xi32>, vector<16xi32>, vector<16xi32>], vector<16xf32>,
        %broadcast_in_dim3A_693 = arith.constant 0 : i32
        %broadcast_in_dim3A_694 = vector.broadcast %broadcast_in_dim3A_693 : i32 to vector<16xi32>
        %add3A_695 = arith.constant 6 : i32
        %add3A_696 = arith.addi %mul3A_464, %add3A_695 : i32
        %add3A_697 = vector.broadcast %add3A_696 : i32 to vector<16xi32>
        %add3A_698 = arith.addi %broadcast_in_dim3A_694, %add3A_697 : vector<16xi32>
        tpu.vector_store_idx %arg16[%add3A_9, %and3A_4, %add3A_698], %add3A_649 : memref<8x8x129xf32, #tpu.memory_space<vmem>>[vector<16xi32>, vector<16xi32>, vector<16xi32>], vector<16xf32>,
        tpu.vector_store_idx %arg16[%add3A_15, %and3A_4, %add3A_698], %add3A_650 : memref<8x8x129xf32, #tpu.memory_space<vmem>>[vector<16xi32>, vector<16xi32>, vector<16xi32>], vector<16xf32>,
        tpu.vector_store_idx %arg16[%add3A_21, %and3A_4, %add3A_698], %add3A_651 : memref<8x8x129xf32, #tpu.memory_space<vmem>>[vector<16xi32>, vector<16xi32>, vector<16xi32>], vector<16xf32>,
        tpu.vector_store_idx %arg16[%add3A_27, %and3A_4, %add3A_698], %add3A_652 : memref<8x8x129xf32, #tpu.memory_space<vmem>>[vector<16xi32>, vector<16xi32>, vector<16xi32>], vector<16xf32>,
        %broadcast_in_dim3A_699 = arith.constant 0 : i32
        %broadcast_in_dim3A_700 = vector.broadcast %broadcast_in_dim3A_699 : i32 to vector<16xi32>
        %add3A_701 = arith.constant 7 : i32
        %add3A_702 = arith.addi %mul3A_464, %add3A_701 : i32
        %add3A_703 = vector.broadcast %add3A_702 : i32 to vector<16xi32>
        %add3A_704 = arith.addi %broadcast_in_dim3A_700, %add3A_703 : vector<16xi32>
        tpu.vector_store_idx %arg16[%add3A_9, %and3A_4, %add3A_704], %add3A_653 : memref<8x8x129xf32, #tpu.memory_space<vmem>>[vector<16xi32>, vector<16xi32>, vector<16xi32>], vector<16xf32>,
        tpu.vector_store_idx %arg16[%add3A_15, %and3A_4, %add3A_704], %add3A_654 : memref<8x8x129xf32, #tpu.memory_space<vmem>>[vector<16xi32>, vector<16xi32>, vector<16xi32>], vector<16xf32>,
        tpu.vector_store_idx %arg16[%add3A_21, %and3A_4, %add3A_704], %add3A_655 : memref<8x8x129xf32, #tpu.memory_space<vmem>>[vector<16xi32>, vector<16xi32>, vector<16xi32>], vector<16xf32>,
        tpu.vector_store_idx %arg16[%add3A_27, %and3A_4, %add3A_704], %add3A_656 : memref<8x8x129xf32, #tpu.memory_space<vmem>>[vector<16xi32>, vector<16xi32>, vector<16xi32>], vector<16xf32>,
      }
      %scan3A_385 = arith.constant 16 : i32
      %dma_start3A_386 = arith.constant 0 : i32
      %dma_start3A_387 = arith.constant 0 : i32
      %dma_start3A_388 = arith.constant 0 : i32
      %dma_start3A_389 = tpu.memref_slice %arg16[%dma_start3A_386, %dma_start3A_387, %dma_start3A_388] : memref<8x8x129xf32, #tpu.memory_space<vmem>> -> memref<8x8x128xf32, #tpu.memory_space<vmem>>
      %dma_start3A_390 = arith.constant 0 : i32
      %dma_start3A_391 = arith.constant 0 : i32
      %dma_start3A_392 = arith.constant 0 : i32
      %dma_start3A_393 = tpu.memref_slice %arg5[%add3A_349, %dma_start3A_390, %add3A, %dma_start3A_391, %dma_start3A_392] : memref<200x8x32x8x128xf32, #tpu.memory_space<hbm>> -> memref<1x8x1x8x128xf32, #tpu.memory_space<hbm>>
      %dma_start3A_394 = tpu.memref_squeeze %dma_start3A_393 : memref<1x8x1x8x128xf32, #tpu.memory_space<hbm>> -> memref<8x8x128xf32, #tpu.memory_space<hbm>>
      %dma_start3A_395 = arith.constant 0 : i32
      %dma_start3A_396 = arith.constant 0 : i32
      %dma_start3A_397 = arith.constant 0 : i32
      %dma_start3A_398 = tpu.memref_slice %arg5[%add3A_349, %dma_start3A_395, %add3A, %dma_start3A_396, %dma_start3A_397] : memref<200x8x32x8x128xf32, #tpu.memory_space<hbm>> -> memref<1x8x1x8x128xf32, #tpu.memory_space<hbm>>
      %dma_start3A_399 = tpu.memref_squeeze %dma_start3A_398 : memref<1x8x1x8x128xf32, #tpu.memory_space<hbm>> -> memref<8x8x128xf32, #tpu.memory_space<hbm>>
      %dma_start3A_400 = arith.constant 0 : i32
      %dma_start3A_401 = arith.constant 0 : i32
      %dma_start3A_402 = arith.constant 0 : i32
      %dma_start3A_403 = tpu.memref_slice %arg16[%dma_start3A_400, %dma_start3A_401, %dma_start3A_402] : memref<8x8x129xf32, #tpu.memory_space<vmem>> -> memref<8x8x128xf32, #tpu.memory_space<vmem>>
      tpu.enqueue_dma source(%dma_start3A_403 : memref<8x8x128xf32, #tpu.memory_space<vmem>>) target(%dma_start3A_399 : memref<8x8x128xf32, #tpu.memory_space<hbm>>) target_semaphore(%arg22 : memref<!tpu.dma_semaphore, #tpu.memory_space<semaphore_mem>>)
      %mul3A_404 = arith.constant 4 : i32
      %mul3A_405 = arith.muli %scan3A_234, %mul3A_404 : i32
      %add3A_406 = arith.constant 3 : i32
      %add3A_407 = arith.addi %mul3A_405, %add3A_406 : i32
      %add3A_408 = arith.constant 3 : i32
      %add3A_409 = arith.addi %add3A_407, %add3A_408 : i32
      %lt3A_410 = arith.constant 200 : i32
      %lt3A_411 = arith.cmpi slt, %add3A_409, %lt3A_410 : i32
      %convert_element_type3A_412 = arith.extui %lt3A_411 : i1 to i32
      %cond3A_413 = arith.constant 0 : i32
      %cond3A_414 = arith.cmpi ne, %convert_element_type3A_412, %cond3A_413 : i32
      scf.if %cond3A_414 {
        %add3A_462 = arith.constant 3 : i32
        %add3A_463 = arith.addi %add3A_407, %add3A_462 : i32
        %broadcast_in_dim3A_464 = arith.constant 0 : i32
        %broadcast_in_dim3A_465 = vector.broadcast %broadcast_in_dim3A_464 : i32 to vector<16xi32>
        %add3A_466 = vector.broadcast %add3A_463 : i32 to vector<16xi32>
        %add3A_467 = arith.addi %broadcast_in_dim3A_465, %add3A_466 : vector<16xi32>
        %add3A_468 = arith.constant 0 : i32
        %add3A_469 = vector.broadcast %add3A_468 : i32 to vector<16xi32>
        %add3A_470 = arith.addi %iota3A, %add3A_469 : vector<16xi32>
        %gather3A_471 = tpu.vector_load_idx %arg6[%add3A_470, %add3A_467] : memref<128x201xi32, #tpu.memory_space<vmem>>[vector<16xi32>, vector<16xi32>], vector<16xi32>,
        %add3A_472 = arith.constant 16 : i32
        %add3A_473 = vector.broadcast %add3A_472 : i32 to vector<16xi32>
        %add3A_474 = arith.addi %iota3A, %add3A_473 : vector<16xi32>
        %gather3A_475 = tpu.vector_load_idx %arg6[%add3A_474, %add3A_467] : memref<128x201xi32, #tpu.memory_space<vmem>>[vector<16xi32>, vector<16xi32>], vector<16xi32>,
        %add3A_476 = arith.constant 32 : i32
        %add3A_477 = vector.broadcast %add3A_476 : i32 to vector<16xi32>
        %add3A_478 = arith.addi %iota3A, %add3A_477 : vector<16xi32>
        %gather3A_479 = tpu.vector_load_idx %arg6[%add3A_478, %add3A_467] : memref<128x201xi32, #tpu.memory_space<vmem>>[vector<16xi32>, vector<16xi32>], vector<16xi32>,
        %add3A_480 = arith.constant 48 : i32
        %add3A_481 = vector.broadcast %add3A_480 : i32 to vector<16xi32>
        %add3A_482 = arith.addi %iota3A, %add3A_481 : vector<16xi32>
        %gather3A_483 = tpu.vector_load_idx %arg6[%add3A_482, %add3A_467] : memref<128x201xi32, #tpu.memory_space<vmem>>[vector<16xi32>, vector<16xi32>], vector<16xi32>,
        %add3A_484 = arith.constant 64 : i32
        %add3A_485 = vector.broadcast %add3A_484 : i32 to vector<16xi32>
        %add3A_486 = arith.addi %iota3A, %add3A_485 : vector<16xi32>
        %gather3A_487 = tpu.vector_load_idx %arg6[%add3A_486, %add3A_467] : memref<128x201xi32, #tpu.memory_space<vmem>>[vector<16xi32>, vector<16xi32>], vector<16xi32>,
        %add3A_488 = arith.constant 80 : i32
        %add3A_489 = vector.broadcast %add3A_488 : i32 to vector<16xi32>
        %add3A_490 = arith.addi %iota3A, %add3A_489 : vector<16xi32>
        %gather3A_491 = tpu.vector_load_idx %arg6[%add3A_490, %add3A_467] : memref<128x201xi32, #tpu.memory_space<vmem>>[vector<16xi32>, vector<16xi32>], vector<16xi32>,
        %add3A_492 = arith.constant 96 : i32
        %add3A_493 = vector.broadcast %add3A_492 : i32 to vector<16xi32>
        %add3A_494 = arith.addi %iota3A, %add3A_493 : vector<16xi32>
        %gather3A_495 = tpu.vector_load_idx %arg6[%add3A_494, %add3A_467] : memref<128x201xi32, #tpu.memory_space<vmem>>[vector<16xi32>, vector<16xi32>], vector<16xi32>,
        %add3A_496 = arith.constant 112 : i32
        %add3A_497 = vector.broadcast %add3A_496 : i32 to vector<16xi32>
        %add3A_498 = arith.addi %iota3A, %add3A_497 : vector<16xi32>
        %gather3A_499 = tpu.vector_load_idx %arg6[%add3A_498, %add3A_467] : memref<128x201xi32, #tpu.memory_space<vmem>>[vector<16xi32>, vector<16xi32>], vector<16xi32>,
        %swap3A_500 = arith.constant 0 : index
        %swap3A_501 = tpu.vector_load %arg10[%swap3A_500] {strides = array<i32>} : memref<128xi32, #tpu.memory_space<vmem>>, vector<16xi32>,
        tpu.vector_store %arg10[%swap3A_500], %gather3A_471 {strides = array<i32>} : memref<128xi32, #tpu.memory_space<vmem>>, vector<16xi32>,
        %swap3A_502 = arith.constant 16 : index
        %swap3A_503 = tpu.vector_load %arg10[%swap3A_502] {strides = array<i32>} : memref<128xi32, #tpu.memory_space<vmem>>, vector<16xi32>,
        tpu.vector_store %arg10[%swap3A_502], %gather3A_475 {strides = array<i32>} : memref<128xi32, #tpu.memory_space<vmem>>, vector<16xi32>,
        %swap3A_504 = arith.constant 32 : index
        %swap3A_505 = tpu.vector_load %arg10[%swap3A_504] {strides = array<i32>} : memref<128xi32, #tpu.memory_space<vmem>>, vector<16xi32>,
        tpu.vector_store %arg10[%swap3A_504], %gather3A_479 {strides = array<i32>} : memref<128xi32, #tpu.memory_space<vmem>>, vector<16xi32>,
        %swap3A_506 = arith.constant 48 : index
        %swap3A_507 = tpu.vector_load %arg10[%swap3A_506] {strides = array<i32>} : memref<128xi32, #tpu.memory_space<vmem>>, vector<16xi32>,
        tpu.vector_store %arg10[%swap3A_506], %gather3A_483 {strides = array<i32>} : memref<128xi32, #tpu.memory_space<vmem>>, vector<16xi32>,
        %swap3A_508 = arith.constant 64 : index
        %swap3A_509 = tpu.vector_load %arg10[%swap3A_508] {strides = array<i32>} : memref<128xi32, #tpu.memory_space<vmem>>, vector<16xi32>,
        tpu.vector_store %arg10[%swap3A_508], %gather3A_487 {strides = array<i32>} : memref<128xi32, #tpu.memory_space<vmem>>, vector<16xi32>,
        %swap3A_510 = arith.constant 80 : index
        %swap3A_511 = tpu.vector_load %arg10[%swap3A_510] {strides = array<i32>} : memref<128xi32, #tpu.memory_space<vmem>>, vector<16xi32>,
        tpu.vector_store %arg10[%swap3A_510], %gather3A_491 {strides = array<i32>} : memref<128xi32, #tpu.memory_space<vmem>>, vector<16xi32>,
        %swap3A_512 = arith.constant 96 : index
        %swap3A_513 = tpu.vector_load %arg10[%swap3A_512] {strides = array<i32>} : memref<128xi32, #tpu.memory_space<vmem>>, vector<16xi32>,
        tpu.vector_store %arg10[%swap3A_512], %gather3A_495 {strides = array<i32>} : memref<128xi32, #tpu.memory_space<vmem>>, vector<16xi32>,
        %swap3A_514 = arith.constant 112 : index
        %swap3A_515 = tpu.vector_load %arg10[%swap3A_514] {strides = array<i32>} : memref<128xi32, #tpu.memory_space<vmem>>, vector<16xi32>,
        tpu.vector_store %arg10[%swap3A_514], %gather3A_499 {strides = array<i32>} : memref<128xi32, #tpu.memory_space<vmem>>, vector<16xi32>,
        %dma_start3A_516 = arith.constant 0 : i32
        %dma_start3A_517 = arith.constant 0 : i32
        %dma_start3A_518 = tpu.memref_slice %arg3[%dma_start3A_516, %dma_start3A_517] : memref<1000000x128xf32, #tpu.memory_space<hbm>> -> memref<1000000x128xf32, #tpu.memory_space<hbm>>
        tpu.enqueue_indirect_dma source(%dma_start3A_518 : memref<1000000x128xf32, #tpu.memory_space<hbm>>) target(%arg14 : memref<128x128xf32, #tpu.memory_space<vmem>>) offsets(%arg10 : memref<128xi32, #tpu.memory_space<vmem>>) semaphore(%arg20 : memref<!tpu.dma_semaphore, #tpu.memory_space<semaphore_mem>>)
      } else {
      }
      %dma_wait3A_415 = arith.constant 0 : i32
      %dma_wait3A_416 = arith.constant 0 : i32
      %dma_wait3A_417 = tpu.memref_slice %arg3[%dma_wait3A_415, %dma_wait3A_416] : memref<1000000x128xf32, #tpu.memory_space<hbm>> -> memref<128x128xf32, #tpu.memory_space<hbm>>
      %dma_wait3A_418 = arith.constant 0 : i32
      %dma_wait3A_419 = arith.constant 0 : i32
      %dma_wait3A_420 = tpu.memref_slice %arg3[%dma_wait3A_418, %dma_wait3A_419] : memref<1000000x128xf32, #tpu.memory_space<hbm>> -> memref<128x128xf32, #tpu.memory_space<hbm>>
      tpu.wait_dma2 semaphore(%arg21 : memref<!tpu.dma_semaphore, #tpu.memory_space<semaphore_mem>>) src(%dma_wait3A_420 : memref<128x128xf32, #tpu.memory_space<hbm>>) dst(%arg15 : memref<128x128xf32, #tpu.memory_space<vmem>>)
      %ge3A_421 = arith.constant 2 : i32
      %ge3A_422 = arith.cmpi sge, %add3A_407, %ge3A_421 : i32
      %convert_element_type3A_423 = arith.extui %ge3A_422 : i1 to i32
      %cond3A_424 = arith.constant 0 : i32
      %cond3A_425 = arith.cmpi ne, %convert_element_type3A_423, %cond3A_424 : i32
      scf.if %cond3A_425 {
        %dma_wait3A_462 = arith.constant 0 : i32
        %dma_wait3A_463 = arith.constant 0 : i32
        %dma_wait3A_464 = arith.constant 0 : i32
        %dma_wait3A_465 = arith.constant 0 : i32
        %dma_wait3A_466 = tpu.memref_slice %arg17[%dma_wait3A_463, %dma_wait3A_464, %dma_wait3A_465] : memref<8x8x129xf32, #tpu.memory_space<vmem>> -> memref<8x8x128xf32, #tpu.memory_space<vmem>>
        %dma_wait3A_467 = arith.constant 0 : i32
        %dma_wait3A_468 = arith.constant 0 : i32
        %dma_wait3A_469 = arith.constant 0 : i32
        %dma_wait3A_470 = tpu.memref_slice %arg5[%dma_wait3A_462, %dma_wait3A_467, %add3A, %dma_wait3A_468, %dma_wait3A_469] : memref<200x8x32x8x128xf32, #tpu.memory_space<hbm>> -> memref<1x8x1x8x128xf32, #tpu.memory_space<hbm>>
        %dma_wait3A_471 = tpu.memref_squeeze %dma_wait3A_470 : memref<1x8x1x8x128xf32, #tpu.memory_space<hbm>> -> memref<8x8x128xf32, #tpu.memory_space<hbm>>
        %dma_wait3A_472 = arith.constant 0 : i32
        %dma_wait3A_473 = arith.constant 0 : i32
        %dma_wait3A_474 = arith.constant 0 : i32
        %dma_wait3A_475 = tpu.memref_slice %arg5[%dma_wait3A_462, %dma_wait3A_472, %add3A, %dma_wait3A_473, %dma_wait3A_474] : memref<200x8x32x8x128xf32, #tpu.memory_space<hbm>> -> memref<1x8x1x8x128xf32, #tpu.memory_space<hbm>>
        %dma_wait3A_476 = tpu.memref_squeeze %dma_wait3A_475 : memref<1x8x1x8x128xf32, #tpu.memory_space<hbm>> -> memref<8x8x128xf32, #tpu.memory_space<hbm>>
        %dma_wait3A_477 = arith.constant 0 : i32
        %dma_wait3A_478 = arith.constant 0 : i32
        %dma_wait3A_479 = arith.constant 0 : i32
        %dma_wait3A_480 = tpu.memref_slice %arg17[%dma_wait3A_477, %dma_wait3A_478, %dma_wait3A_479] : memref<8x8x129xf32, #tpu.memory_space<vmem>> -> memref<8x8x128xf32, #tpu.memory_space<vmem>>
        tpu.wait_dma2 semaphore(%arg23 : memref<!tpu.dma_semaphore, #tpu.memory_space<semaphore_mem>>) src(%dma_wait3A_480 : memref<8x8x128xf32, #tpu.memory_space<vmem>>) dst(%dma_wait3A_476 : memref<8x8x128xf32, #tpu.memory_space<hbm>>)
      } else {
      }
      %get3A_426 = arith.index_cast %add3A_407 : i32 to index
      %get3A_427 = arith.constant 0 : index
      %get3A_428 = tpu.vector_load %arg7[%get3A_426, %get3A_427] {strides = array<i32>} : memref<200x64xf32, #tpu.memory_space<vmem>>, vector<16xf32>,
      %get3A_429 = arith.index_cast %add3A_407 : i32 to index
      %get3A_430 = arith.constant 16 : index
      %get3A_431 = tpu.vector_load %arg7[%get3A_429, %get3A_430] {strides = array<i32>} : memref<200x64xf32, #tpu.memory_space<vmem>>, vector<16xf32>,
      %get3A_432 = arith.index_cast %add3A_407 : i32 to index
      %get3A_433 = arith.constant 32 : index
      %get3A_434 = tpu.vector_load %arg7[%get3A_432, %get3A_433] {strides = array<i32>} : memref<200x64xf32, #tpu.memory_space<vmem>>, vector<16xf32>,
      %get3A_435 = arith.index_cast %add3A_407 : i32 to index
      %get3A_436 = arith.constant 48 : index
      %get3A_437 = tpu.vector_load %arg7[%get3A_435, %get3A_436] {strides = array<i32>} : memref<200x64xf32, #tpu.memory_space<vmem>>, vector<16xf32>,
      %scan3A_438 = arith.constant 0 : i32
      %scan3A_439 = arith.constant 0 : i32
      %scan3A_440 = arith.constant 16 : i32
      %scan3A_441 = arith.addi %scan3A_439, %scan3A_440 : i32
      %scan3A_442 = arith.constant 1 : i32
      scf.for %scan3A_462 = %scan3A_439 to %scan3A_441 step %scan3A_442  : i32 {
        %mul3A_463 = arith.constant 8 : i32
        %mul3A_464 = arith.muli %scan3A_462, %mul3A_463 : i32
        %add3A_465 = arith.constant 0 : i32
        %add3A_466 = arith.addi %mul3A_464, %add3A_465 : i32
        %get3A_467 = arith.index_cast %add3A_466 : i32 to index
        %get3A_468 = arith.constant 0 : index
        %get3A_469 = tpu.vector_load %arg15[%get3A_467, %get3A_468] {strides = array<i32>} : memref<128x128xf32, #tpu.memory_space<vmem>>, vector<16xf32>,
        %add3A_470 = arith.constant 0 : i32
        %add3A_471 = arith.addi %mul3A_464, %add3A_470 : i32
        %get3A_472 = arith.index_cast %add3A_471 : i32 to index
        %get3A_473 = arith.constant 16 : index
        %get3A_474 = tpu.vector_load %arg15[%get3A_472, %get3A_473] {strides = array<i32>} : memref<128x128xf32, #tpu.memory_space<vmem>>, vector<16xf32>,
        %add3A_475 = arith.constant 0 : i32
        %add3A_476 = arith.addi %mul3A_464, %add3A_475 : i32
        %get3A_477 = arith.index_cast %add3A_476 : i32 to index
        %get3A_478 = arith.constant 32 : index
        %get3A_479 = tpu.vector_load %arg15[%get3A_477, %get3A_478] {strides = array<i32>} : memref<128x128xf32, #tpu.memory_space<vmem>>, vector<16xf32>,
        %add3A_480 = arith.constant 0 : i32
        %add3A_481 = arith.addi %mul3A_464, %add3A_480 : i32
        %get3A_482 = arith.index_cast %add3A_481 : i32 to index
        %get3A_483 = arith.constant 48 : index
        %get3A_484 = tpu.vector_load %arg15[%get3A_482, %get3A_483] {strides = array<i32>} : memref<128x128xf32, #tpu.memory_space<vmem>>, vector<16xf32>,
        %add3A_485 = arith.constant 1 : i32
        %add3A_486 = arith.addi %mul3A_464, %add3A_485 : i32
        %get3A_487 = arith.index_cast %add3A_486 : i32 to index
        %get3A_488 = arith.constant 0 : index
        %get3A_489 = tpu.vector_load %arg15[%get3A_487, %get3A_488] {strides = array<i32>} : memref<128x128xf32, #tpu.memory_space<vmem>>, vector<16xf32>,
        %add3A_490 = arith.constant 1 : i32
        %add3A_491 = arith.addi %mul3A_464, %add3A_490 : i32
        %get3A_492 = arith.index_cast %add3A_491 : i32 to index
        %get3A_493 = arith.constant 16 : index
        %get3A_494 = tpu.vector_load %arg15[%get3A_492, %get3A_493] {strides = array<i32>} : memref<128x128xf32, #tpu.memory_space<vmem>>, vector<16xf32>,
        %add3A_495 = arith.constant 1 : i32
        %add3A_496 = arith.addi %mul3A_464, %add3A_495 : i32
        %get3A_497 = arith.index_cast %add3A_496 : i32 to index
        %get3A_498 = arith.constant 32 : index
        %get3A_499 = tpu.vector_load %arg15[%get3A_497, %get3A_498] {strides = array<i32>} : memref<128x128xf32, #tpu.memory_space<vmem>>, vector<16xf32>,
        %add3A_500 = arith.constant 1 : i32
        %add3A_501 = arith.addi %mul3A_464, %add3A_500 : i32
        %get3A_502 = arith.index_cast %add3A_501 : i32 to index
        %get3A_503 = arith.constant 48 : index
        %get3A_504 = tpu.vector_load %arg15[%get3A_502, %get3A_503] {strides = array<i32>} : memref<128x128xf32, #tpu.memory_space<vmem>>, vector<16xf32>,
        %add3A_505 = arith.constant 2 : i32
        %add3A_506 = arith.addi %mul3A_464, %add3A_505 : i32
        %get3A_507 = arith.index_cast %add3A_506 : i32 to index
        %get3A_508 = arith.constant 0 : index
        %get3A_509 = tpu.vector_load %arg15[%get3A_507, %get3A_508] {strides = array<i32>} : memref<128x128xf32, #tpu.memory_space<vmem>>, vector<16xf32>,
        %add3A_510 = arith.constant 2 : i32
        %add3A_511 = arith.addi %mul3A_464, %add3A_510 : i32
        %get3A_512 = arith.index_cast %add3A_511 : i32 to index
        %get3A_513 = arith.constant 16 : index
        %get3A_514 = tpu.vector_load %arg15[%get3A_512, %get3A_513] {strides = array<i32>} : memref<128x128xf32, #tpu.memory_space<vmem>>, vector<16xf32>,
        %add3A_515 = arith.constant 2 : i32
        %add3A_516 = arith.addi %mul3A_464, %add3A_515 : i32
        %get3A_517 = arith.index_cast %add3A_516 : i32 to index
        %get3A_518 = arith.constant 32 : index
        %get3A_519 = tpu.vector_load %arg15[%get3A_517, %get3A_518] {strides = array<i32>} : memref<128x128xf32, #tpu.memory_space<vmem>>, vector<16xf32>,
        %add3A_520 = arith.constant 2 : i32
        %add3A_521 = arith.addi %mul3A_464, %add3A_520 : i32
        %get3A_522 = arith.index_cast %add3A_521 : i32 to index
        %get3A_523 = arith.constant 48 : index
        %get3A_524 = tpu.vector_load %arg15[%get3A_522, %get3A_523] {strides = array<i32>} : memref<128x128xf32, #tpu.memory_space<vmem>>, vector<16xf32>,
        %add3A_525 = arith.constant 3 : i32
        %add3A_526 = arith.addi %mul3A_464, %add3A_525 : i32
        %get3A_527 = arith.index_cast %add3A_526 : i32 to index
        %get3A_528 = arith.constant 0 : index
        %get3A_529 = tpu.vector_load %arg15[%get3A_527, %get3A_528] {strides = array<i32>} : memref<128x128xf32, #tpu.memory_space<vmem>>, vector<16xf32>,
        %add3A_530 = arith.constant 3 : i32
        %add3A_531 = arith.addi %mul3A_464, %add3A_530 : i32
        %get3A_532 = arith.index_cast %add3A_531 : i32 to index
        %get3A_533 = arith.constant 16 : index
        %get3A_534 = tpu.vector_load %arg15[%get3A_532, %get3A_533] {strides = array<i32>} : memref<128x128xf32, #tpu.memory_space<vmem>>, vector<16xf32>,
        %add3A_535 = arith.constant 3 : i32
        %add3A_536 = arith.addi %mul3A_464, %add3A_535 : i32
        %get3A_537 = arith.index_cast %add3A_536 : i32 to index
        %get3A_538 = arith.constant 32 : index
        %get3A_539 = tpu.vector_load %arg15[%get3A_537, %get3A_538] {strides = array<i32>} : memref<128x128xf32, #tpu.memory_space<vmem>>, vector<16xf32>,
        %add3A_540 = arith.constant 3 : i32
        %add3A_541 = arith.addi %mul3A_464, %add3A_540 : i32
        %get3A_542 = arith.index_cast %add3A_541 : i32 to index
        %get3A_543 = arith.constant 48 : index
        %get3A_544 = tpu.vector_load %arg15[%get3A_542, %get3A_543] {strides = array<i32>} : memref<128x128xf32, #tpu.memory_space<vmem>>, vector<16xf32>,
        %add3A_545 = arith.constant 4 : i32
        %add3A_546 = arith.addi %mul3A_464, %add3A_545 : i32
        %get3A_547 = arith.index_cast %add3A_546 : i32 to index
        %get3A_548 = arith.constant 0 : index
        %get3A_549 = tpu.vector_load %arg15[%get3A_547, %get3A_548] {strides = array<i32>} : memref<128x128xf32, #tpu.memory_space<vmem>>, vector<16xf32>,
        %add3A_550 = arith.constant 4 : i32
        %add3A_551 = arith.addi %mul3A_464, %add3A_550 : i32
        %get3A_552 = arith.index_cast %add3A_551 : i32 to index
        %get3A_553 = arith.constant 16 : index
        %get3A_554 = tpu.vector_load %arg15[%get3A_552, %get3A_553] {strides = array<i32>} : memref<128x128xf32, #tpu.memory_space<vmem>>, vector<16xf32>,
        %add3A_555 = arith.constant 4 : i32
        %add3A_556 = arith.addi %mul3A_464, %add3A_555 : i32
        %get3A_557 = arith.index_cast %add3A_556 : i32 to index
        %get3A_558 = arith.constant 32 : index
        %get3A_559 = tpu.vector_load %arg15[%get3A_557, %get3A_558] {strides = array<i32>} : memref<128x128xf32, #tpu.memory_space<vmem>>, vector<16xf32>,
        %add3A_560 = arith.constant 4 : i32
        %add3A_561 = arith.addi %mul3A_464, %add3A_560 : i32
        %get3A_562 = arith.index_cast %add3A_561 : i32 to index
        %get3A_563 = arith.constant 48 : index
        %get3A_564 = tpu.vector_load %arg15[%get3A_562, %get3A_563] {strides = array<i32>} : memref<128x128xf32, #tpu.memory_space<vmem>>, vector<16xf32>,
        %add3A_565 = arith.constant 5 : i32
        %add3A_566 = arith.addi %mul3A_464, %add3A_565 : i32
        %get3A_567 = arith.index_cast %add3A_566 : i32 to index
        %get3A_568 = arith.constant 0 : index
        %get3A_569 = tpu.vector_load %arg15[%get3A_567, %get3A_568] {strides = array<i32>} : memref<128x128xf32, #tpu.memory_space<vmem>>, vector<16xf32>,
        %add3A_570 = arith.constant 5 : i32
        %add3A_571 = arith.addi %mul3A_464, %add3A_570 : i32
        %get3A_572 = arith.index_cast %add3A_571 : i32 to index
        %get3A_573 = arith.constant 16 : index
        %get3A_574 = tpu.vector_load %arg15[%get3A_572, %get3A_573] {strides = array<i32>} : memref<128x128xf32, #tpu.memory_space<vmem>>, vector<16xf32>,
        %add3A_575 = arith.constant 5 : i32
        %add3A_576 = arith.addi %mul3A_464, %add3A_575 : i32
        %get3A_577 = arith.index_cast %add3A_576 : i32 to index
        %get3A_578 = arith.constant 32 : index
        %get3A_579 = tpu.vector_load %arg15[%get3A_577, %get3A_578] {strides = array<i32>} : memref<128x128xf32, #tpu.memory_space<vmem>>, vector<16xf32>,
        %add3A_580 = arith.constant 5 : i32
        %add3A_581 = arith.addi %mul3A_464, %add3A_580 : i32
        %get3A_582 = arith.index_cast %add3A_581 : i32 to index
        %get3A_583 = arith.constant 48 : index
        %get3A_584 = tpu.vector_load %arg15[%get3A_582, %get3A_583] {strides = array<i32>} : memref<128x128xf32, #tpu.memory_space<vmem>>, vector<16xf32>,
        %add3A_585 = arith.constant 6 : i32
        %add3A_586 = arith.addi %mul3A_464, %add3A_585 : i32
        %get3A_587 = arith.index_cast %add3A_586 : i32 to index
        %get3A_588 = arith.constant 0 : index
        %get3A_589 = tpu.vector_load %arg15[%get3A_587, %get3A_588] {strides = array<i32>} : memref<128x128xf32, #tpu.memory_space<vmem>>, vector<16xf32>,
        %add3A_590 = arith.constant 6 : i32
        %add3A_591 = arith.addi %mul3A_464, %add3A_590 : i32
        %get3A_592 = arith.index_cast %add3A_591 : i32 to index
        %get3A_593 = arith.constant 16 : index
        %get3A_594 = tpu.vector_load %arg15[%get3A_592, %get3A_593] {strides = array<i32>} : memref<128x128xf32, #tpu.memory_space<vmem>>, vector<16xf32>,
        %add3A_595 = arith.constant 6 : i32
        %add3A_596 = arith.addi %mul3A_464, %add3A_595 : i32
        %get3A_597 = arith.index_cast %add3A_596 : i32 to index
        %get3A_598 = arith.constant 32 : index
        %get3A_599 = tpu.vector_load %arg15[%get3A_597, %get3A_598] {strides = array<i32>} : memref<128x128xf32, #tpu.memory_space<vmem>>, vector<16xf32>,
        %add3A_600 = arith.constant 6 : i32
        %add3A_601 = arith.addi %mul3A_464, %add3A_600 : i32
        %get3A_602 = arith.index_cast %add3A_601 : i32 to index
        %get3A_603 = arith.constant 48 : index
        %get3A_604 = tpu.vector_load %arg15[%get3A_602, %get3A_603] {strides = array<i32>} : memref<128x128xf32, #tpu.memory_space<vmem>>, vector<16xf32>,
        %add3A_605 = arith.constant 7 : i32
        %add3A_606 = arith.addi %mul3A_464, %add3A_605 : i32
        %get3A_607 = arith.index_cast %add3A_606 : i32 to index
        %get3A_608 = arith.constant 0 : index
        %get3A_609 = tpu.vector_load %arg15[%get3A_607, %get3A_608] {strides = array<i32>} : memref<128x128xf32, #tpu.memory_space<vmem>>, vector<16xf32>,
        %add3A_610 = arith.constant 7 : i32
        %add3A_611 = arith.addi %mul3A_464, %add3A_610 : i32
        %get3A_612 = arith.index_cast %add3A_611 : i32 to index
        %get3A_613 = arith.constant 16 : index
        %get3A_614 = tpu.vector_load %arg15[%get3A_612, %get3A_613] {strides = array<i32>} : memref<128x128xf32, #tpu.memory_space<vmem>>, vector<16xf32>,
        %add3A_615 = arith.constant 7 : i32
        %add3A_616 = arith.addi %mul3A_464, %add3A_615 : i32
        %get3A_617 = arith.index_cast %add3A_616 : i32 to index
        %get3A_618 = arith.constant 32 : index
        %get3A_619 = tpu.vector_load %arg15[%get3A_617, %get3A_618] {strides = array<i32>} : memref<128x128xf32, #tpu.memory_space<vmem>>, vector<16xf32>,
        %add3A_620 = arith.constant 7 : i32
        %add3A_621 = arith.addi %mul3A_464, %add3A_620 : i32
        %get3A_622 = arith.index_cast %add3A_621 : i32 to index
        %get3A_623 = arith.constant 48 : index
        %get3A_624 = tpu.vector_load %arg15[%get3A_622, %get3A_623] {strides = array<i32>} : memref<128x128xf32, #tpu.memory_space<vmem>>, vector<16xf32>,
        %add3A_625 = arith.addf %get3A_469, %get3A_428 : vector<16xf32>
        %add3A_626 = arith.addf %get3A_474, %get3A_431 : vector<16xf32>
        %add3A_627 = arith.addf %get3A_479, %get3A_434 : vector<16xf32>
        %add3A_628 = arith.addf %get3A_484, %get3A_437 : vector<16xf32>
        %add3A_629 = arith.addf %get3A_489, %get3A_428 : vector<16xf32>
        %add3A_630 = arith.addf %get3A_494, %get3A_431 : vector<16xf32>
        %add3A_631 = arith.addf %get3A_499, %get3A_434 : vector<16xf32>
        %add3A_632 = arith.addf %get3A_504, %get3A_437 : vector<16xf32>
        %add3A_633 = arith.addf %get3A_509, %get3A_428 : vector<16xf32>
        %add3A_634 = arith.addf %get3A_514, %get3A_431 : vector<16xf32>
        %add3A_635 = arith.addf %get3A_519, %get3A_434 : vector<16xf32>
        %add3A_636 = arith.addf %get3A_524, %get3A_437 : vector<16xf32>
        %add3A_637 = arith.addf %get3A_529, %get3A_428 : vector<16xf32>
        %add3A_638 = arith.addf %get3A_534, %get3A_431 : vector<16xf32>
        %add3A_639 = arith.addf %get3A_539, %get3A_434 : vector<16xf32>
        %add3A_640 = arith.addf %get3A_544, %get3A_437 : vector<16xf32>
        %add3A_641 = arith.addf %get3A_549, %get3A_428 : vector<16xf32>
        %add3A_642 = arith.addf %get3A_554, %get3A_431 : vector<16xf32>
        %add3A_643 = arith.addf %get3A_559, %get3A_434 : vector<16xf32>
        %add3A_644 = arith.addf %get3A_564, %get3A_437 : vector<16xf32>
        %add3A_645 = arith.addf %get3A_569, %get3A_428 : vector<16xf32>
        %add3A_646 = arith.addf %get3A_574, %get3A_431 : vector<16xf32>
        %add3A_647 = arith.addf %get3A_579, %get3A_434 : vector<16xf32>
        %add3A_648 = arith.addf %get3A_584, %get3A_437 : vector<16xf32>
        %add3A_649 = arith.addf %get3A_589, %get3A_428 : vector<16xf32>
        %add3A_650 = arith.addf %get3A_594, %get3A_431 : vector<16xf32>
        %add3A_651 = arith.addf %get3A_599, %get3A_434 : vector<16xf32>
        %add3A_652 = arith.addf %get3A_604, %get3A_437 : vector<16xf32>
        %add3A_653 = arith.addf %get3A_609, %get3A_428 : vector<16xf32>
        %add3A_654 = arith.addf %get3A_614, %get3A_431 : vector<16xf32>
        %add3A_655 = arith.addf %get3A_619, %get3A_434 : vector<16xf32>
        %add3A_656 = arith.addf %get3A_624, %get3A_437 : vector<16xf32>
        %broadcast_in_dim3A_657 = arith.constant 0 : i32
        %broadcast_in_dim3A_658 = vector.broadcast %broadcast_in_dim3A_657 : i32 to vector<16xi32>
        %add3A_659 = arith.constant 0 : i32
        %add3A_660 = arith.addi %mul3A_464, %add3A_659 : i32
        %add3A_661 = vector.broadcast %add3A_660 : i32 to vector<16xi32>
        %add3A_662 = arith.addi %broadcast_in_dim3A_658, %add3A_661 : vector<16xi32>
        tpu.vector_store_idx %arg17[%add3A_9, %and3A_4, %add3A_662], %add3A_625 : memref<8x8x129xf32, #tpu.memory_space<vmem>>[vector<16xi32>, vector<16xi32>, vector<16xi32>], vector<16xf32>,
        tpu.vector_store_idx %arg17[%add3A_15, %and3A_4, %add3A_662], %add3A_626 : memref<8x8x129xf32, #tpu.memory_space<vmem>>[vector<16xi32>, vector<16xi32>, vector<16xi32>], vector<16xf32>,
        tpu.vector_store_idx %arg17[%add3A_21, %and3A_4, %add3A_662], %add3A_627 : memref<8x8x129xf32, #tpu.memory_space<vmem>>[vector<16xi32>, vector<16xi32>, vector<16xi32>], vector<16xf32>,
        tpu.vector_store_idx %arg17[%add3A_27, %and3A_4, %add3A_662], %add3A_628 : memref<8x8x129xf32, #tpu.memory_space<vmem>>[vector<16xi32>, vector<16xi32>, vector<16xi32>], vector<16xf32>,
        %broadcast_in_dim3A_663 = arith.constant 0 : i32
        %broadcast_in_dim3A_664 = vector.broadcast %broadcast_in_dim3A_663 : i32 to vector<16xi32>
        %add3A_665 = arith.constant 1 : i32
        %add3A_666 = arith.addi %mul3A_464, %add3A_665 : i32
        %add3A_667 = vector.broadcast %add3A_666 : i32 to vector<16xi32>
        %add3A_668 = arith.addi %broadcast_in_dim3A_664, %add3A_667 : vector<16xi32>
        tpu.vector_store_idx %arg17[%add3A_9, %and3A_4, %add3A_668], %add3A_629 : memref<8x8x129xf32, #tpu.memory_space<vmem>>[vector<16xi32>, vector<16xi32>, vector<16xi32>], vector<16xf32>,
        tpu.vector_store_idx %arg17[%add3A_15, %and3A_4, %add3A_668], %add3A_630 : memref<8x8x129xf32, #tpu.memory_space<vmem>>[vector<16xi32>, vector<16xi32>, vector<16xi32>], vector<16xf32>,
        tpu.vector_store_idx %arg17[%add3A_21, %and3A_4, %add3A_668], %add3A_631 : memref<8x8x129xf32, #tpu.memory_space<vmem>>[vector<16xi32>, vector<16xi32>, vector<16xi32>], vector<16xf32>,
        tpu.vector_store_idx %arg17[%add3A_27, %and3A_4, %add3A_668], %add3A_632 : memref<8x8x129xf32, #tpu.memory_space<vmem>>[vector<16xi32>, vector<16xi32>, vector<16xi32>], vector<16xf32>,
        %broadcast_in_dim3A_669 = arith.constant 0 : i32
        %broadcast_in_dim3A_670 = vector.broadcast %broadcast_in_dim3A_669 : i32 to vector<16xi32>
        %add3A_671 = arith.constant 2 : i32
        %add3A_672 = arith.addi %mul3A_464, %add3A_671 : i32
        %add3A_673 = vector.broadcast %add3A_672 : i32 to vector<16xi32>
        %add3A_674 = arith.addi %broadcast_in_dim3A_670, %add3A_673 : vector<16xi32>
        tpu.vector_store_idx %arg17[%add3A_9, %and3A_4, %add3A_674], %add3A_633 : memref<8x8x129xf32, #tpu.memory_space<vmem>>[vector<16xi32>, vector<16xi32>, vector<16xi32>], vector<16xf32>,
        tpu.vector_store_idx %arg17[%add3A_15, %and3A_4, %add3A_674], %add3A_634 : memref<8x8x129xf32, #tpu.memory_space<vmem>>[vector<16xi32>, vector<16xi32>, vector<16xi32>], vector<16xf32>,
        tpu.vector_store_idx %arg17[%add3A_21, %and3A_4, %add3A_674], %add3A_635 : memref<8x8x129xf32, #tpu.memory_space<vmem>>[vector<16xi32>, vector<16xi32>, vector<16xi32>], vector<16xf32>,
        tpu.vector_store_idx %arg17[%add3A_27, %and3A_4, %add3A_674], %add3A_636 : memref<8x8x129xf32, #tpu.memory_space<vmem>>[vector<16xi32>, vector<16xi32>, vector<16xi32>], vector<16xf32>,
        %broadcast_in_dim3A_675 = arith.constant 0 : i32
        %broadcast_in_dim3A_676 = vector.broadcast %broadcast_in_dim3A_675 : i32 to vector<16xi32>
        %add3A_677 = arith.constant 3 : i32
        %add3A_678 = arith.addi %mul3A_464, %add3A_677 : i32
        %add3A_679 = vector.broadcast %add3A_678 : i32 to vector<16xi32>
        %add3A_680 = arith.addi %broadcast_in_dim3A_676, %add3A_679 : vector<16xi32>
        tpu.vector_store_idx %arg17[%add3A_9, %and3A_4, %add3A_680], %add3A_637 : memref<8x8x129xf32, #tpu.memory_space<vmem>>[vector<16xi32>, vector<16xi32>, vector<16xi32>], vector<16xf32>,
        tpu.vector_store_idx %arg17[%add3A_15, %and3A_4, %add3A_680], %add3A_638 : memref<8x8x129xf32, #tpu.memory_space<vmem>>[vector<16xi32>, vector<16xi32>, vector<16xi32>], vector<16xf32>,
        tpu.vector_store_idx %arg17[%add3A_21, %and3A_4, %add3A_680], %add3A_639 : memref<8x8x129xf32, #tpu.memory_space<vmem>>[vector<16xi32>, vector<16xi32>, vector<16xi32>], vector<16xf32>,
        tpu.vector_store_idx %arg17[%add3A_27, %and3A_4, %add3A_680], %add3A_640 : memref<8x8x129xf32, #tpu.memory_space<vmem>>[vector<16xi32>, vector<16xi32>, vector<16xi32>], vector<16xf32>,
        %broadcast_in_dim3A_681 = arith.constant 0 : i32
        %broadcast_in_dim3A_682 = vector.broadcast %broadcast_in_dim3A_681 : i32 to vector<16xi32>
        %add3A_683 = arith.constant 4 : i32
        %add3A_684 = arith.addi %mul3A_464, %add3A_683 : i32
        %add3A_685 = vector.broadcast %add3A_684 : i32 to vector<16xi32>
        %add3A_686 = arith.addi %broadcast_in_dim3A_682, %add3A_685 : vector<16xi32>
        tpu.vector_store_idx %arg17[%add3A_9, %and3A_4, %add3A_686], %add3A_641 : memref<8x8x129xf32, #tpu.memory_space<vmem>>[vector<16xi32>, vector<16xi32>, vector<16xi32>], vector<16xf32>,
        tpu.vector_store_idx %arg17[%add3A_15, %and3A_4, %add3A_686], %add3A_642 : memref<8x8x129xf32, #tpu.memory_space<vmem>>[vector<16xi32>, vector<16xi32>, vector<16xi32>], vector<16xf32>,
        tpu.vector_store_idx %arg17[%add3A_21, %and3A_4, %add3A_686], %add3A_643 : memref<8x8x129xf32, #tpu.memory_space<vmem>>[vector<16xi32>, vector<16xi32>, vector<16xi32>], vector<16xf32>,
        tpu.vector_store_idx %arg17[%add3A_27, %and3A_4, %add3A_686], %add3A_644 : memref<8x8x129xf32, #tpu.memory_space<vmem>>[vector<16xi32>, vector<16xi32>, vector<16xi32>], vector<16xf32>,
        %broadcast_in_dim3A_687 = arith.constant 0 : i32
        %broadcast_in_dim3A_688 = vector.broadcast %broadcast_in_dim3A_687 : i32 to vector<16xi32>
        %add3A_689 = arith.constant 5 : i32
        %add3A_690 = arith.addi %mul3A_464, %add3A_689 : i32
        %add3A_691 = vector.broadcast %add3A_690 : i32 to vector<16xi32>
        %add3A_692 = arith.addi %broadcast_in_dim3A_688, %add3A_691 : vector<16xi32>
        tpu.vector_store_idx %arg17[%add3A_9, %and3A_4, %add3A_692], %add3A_645 : memref<8x8x129xf32, #tpu.memory_space<vmem>>[vector<16xi32>, vector<16xi32>, vector<16xi32>], vector<16xf32>,
        tpu.vector_store_idx %arg17[%add3A_15, %and3A_4, %add3A_692], %add3A_646 : memref<8x8x129xf32, #tpu.memory_space<vmem>>[vector<16xi32>, vector<16xi32>, vector<16xi32>], vector<16xf32>,
        tpu.vector_store_idx %arg17[%add3A_21, %and3A_4, %add3A_692], %add3A_647 : memref<8x8x129xf32, #tpu.memory_space<vmem>>[vector<16xi32>, vector<16xi32>, vector<16xi32>], vector<16xf32>,
        tpu.vector_store_idx %arg17[%add3A_27, %and3A_4, %add3A_692], %add3A_648 : memref<8x8x129xf32, #tpu.memory_space<vmem>>[vector<16xi32>, vector<16xi32>, vector<16xi32>], vector<16xf32>,
        %broadcast_in_dim3A_693 = arith.constant 0 : i32
        %broadcast_in_dim3A_694 = vector.broadcast %broadcast_in_dim3A_693 : i32 to vector<16xi32>
        %add3A_695 = arith.constant 6 : i32
        %add3A_696 = arith.addi %mul3A_464, %add3A_695 : i32
        %add3A_697 = vector.broadcast %add3A_696 : i32 to vector<16xi32>
        %add3A_698 = arith.addi %broadcast_in_dim3A_694, %add3A_697 : vector<16xi32>
        tpu.vector_store_idx %arg17[%add3A_9, %and3A_4, %add3A_698], %add3A_649 : memref<8x8x129xf32, #tpu.memory_space<vmem>>[vector<16xi32>, vector<16xi32>, vector<16xi32>], vector<16xf32>,
        tpu.vector_store_idx %arg17[%add3A_15, %and3A_4, %add3A_698], %add3A_650 : memref<8x8x129xf32, #tpu.memory_space<vmem>>[vector<16xi32>, vector<16xi32>, vector<16xi32>], vector<16xf32>,
        tpu.vector_store_idx %arg17[%add3A_21, %and3A_4, %add3A_698], %add3A_651 : memref<8x8x129xf32, #tpu.memory_space<vmem>>[vector<16xi32>, vector<16xi32>, vector<16xi32>], vector<16xf32>,
        tpu.vector_store_idx %arg17[%add3A_27, %and3A_4, %add3A_698], %add3A_652 : memref<8x8x129xf32, #tpu.memory_space<vmem>>[vector<16xi32>, vector<16xi32>, vector<16xi32>], vector<16xf32>,
        %broadcast_in_dim3A_699 = arith.constant 0 : i32
        %broadcast_in_dim3A_700 = vector.broadcast %broadcast_in_dim3A_699 : i32 to vector<16xi32>
        %add3A_701 = arith.constant 7 : i32
        %add3A_702 = arith.addi %mul3A_464, %add3A_701 : i32
        %add3A_703 = vector.broadcast %add3A_702 : i32 to vector<16xi32>
        %add3A_704 = arith.addi %broadcast_in_dim3A_700, %add3A_703 : vector<16xi32>
        tpu.vector_store_idx %arg17[%add3A_9, %and3A_4, %add3A_704], %add3A_653 : memref<8x8x129xf32, #tpu.memory_space<vmem>>[vector<16xi32>, vector<16xi32>, vector<16xi32>], vector<16xf32>,
        tpu.vector_store_idx %arg17[%add3A_15, %and3A_4, %add3A_704], %add3A_654 : memref<8x8x129xf32, #tpu.memory_space<vmem>>[vector<16xi32>, vector<16xi32>, vector<16xi32>], vector<16xf32>,
        tpu.vector_store_idx %arg17[%add3A_21, %and3A_4, %add3A_704], %add3A_655 : memref<8x8x129xf32, #tpu.memory_space<vmem>>[vector<16xi32>, vector<16xi32>, vector<16xi32>], vector<16xf32>,
        tpu.vector_store_idx %arg17[%add3A_27, %and3A_4, %add3A_704], %add3A_656 : memref<8x8x129xf32, #tpu.memory_space<vmem>>[vector<16xi32>, vector<16xi32>, vector<16xi32>], vector<16xf32>,
      }
      %scan3A_443 = arith.constant 16 : i32
      %dma_start3A_444 = arith.constant 0 : i32
      %dma_start3A_445 = arith.constant 0 : i32
      %dma_start3A_446 = arith.constant 0 : i32
      %dma_start3A_447 = tpu.memref_slice %arg17[%dma_start3A_444, %dma_start3A_445, %dma_start3A_446] : memref<8x8x129xf32, #tpu.memory_space<vmem>> -> memref<8x8x128xf32, #tpu.memory_space<vmem>>
      %dma_start3A_448 = arith.constant 0 : i32
      %dma_start3A_449 = arith.constant 0 : i32
      %dma_start3A_450 = arith.constant 0 : i32
      %dma_start3A_451 = tpu.memref_slice %arg5[%add3A_407, %dma_start3A_448, %add3A, %dma_start3A_449, %dma_start3A_450] : memref<200x8x32x8x128xf32, #tpu.memory_space<hbm>> -> memref<1x8x1x8x128xf32, #tpu.memory_space<hbm>>
      %dma_start3A_452 = tpu.memref_squeeze %dma_start3A_451 : memref<1x8x1x8x128xf32, #tpu.memory_space<hbm>> -> memref<8x8x128xf32, #tpu.memory_space<hbm>>
      %dma_start3A_453 = arith.constant 0 : i32
      %dma_start3A_454 = arith.constant 0 : i32
      %dma_start3A_455 = arith.constant 0 : i32
      %dma_start3A_456 = tpu.memref_slice %arg5[%add3A_407, %dma_start3A_453, %add3A, %dma_start3A_454, %dma_start3A_455] : memref<200x8x32x8x128xf32, #tpu.memory_space<hbm>> -> memref<1x8x1x8x128xf32, #tpu.memory_space<hbm>>
      %dma_start3A_457 = tpu.memref_squeeze %dma_start3A_456 : memref<1x8x1x8x128xf32, #tpu.memory_space<hbm>> -> memref<8x8x128xf32, #tpu.memory_space<hbm>>
      %dma_start3A_458 = arith.constant 0 : i32
      %dma_start3A_459 = arith.constant 0 : i32
      %dma_start3A_460 = arith.constant 0 : i32
      %dma_start3A_461 = tpu.memref_slice %arg17[%dma_start3A_458, %dma_start3A_459, %dma_start3A_460] : memref<8x8x129xf32, #tpu.memory_space<vmem>> -> memref<8x8x128xf32, #tpu.memory_space<vmem>>
      tpu.enqueue_dma source(%dma_start3A_461 : memref<8x8x128xf32, #tpu.memory_space<vmem>>) target(%dma_start3A_457 : memref<8x8x128xf32, #tpu.memory_space<hbm>>) target_semaphore(%arg23 : memref<!tpu.dma_semaphore, #tpu.memory_space<semaphore_mem>>)
    }
    %scan3A_196 = arith.constant 50 : i32
    %dma_wait3A = arith.constant 0 : i32
    %dma_wait3A_197 = arith.constant 0 : i32
    %dma_wait3A_198 = arith.constant 0 : i32
    %dma_wait3A_199 = arith.constant 0 : i32
    %dma_wait3A_200 = tpu.memref_slice %arg16[%dma_wait3A_197, %dma_wait3A_198, %dma_wait3A_199] : memref<8x8x129xf32, #tpu.memory_space<vmem>> -> memref<8x8x128xf32, #tpu.memory_space<vmem>>
    %dma_wait3A_201 = arith.constant 0 : i32
    %dma_wait3A_202 = arith.constant 0 : i32
    %dma_wait3A_203 = arith.constant 0 : i32
    %dma_wait3A_204 = tpu.memref_slice %arg5[%dma_wait3A, %dma_wait3A_201, %add3A, %dma_wait3A_202, %dma_wait3A_203] : memref<200x8x32x8x128xf32, #tpu.memory_space<hbm>> -> memref<1x8x1x8x128xf32, #tpu.memory_space<hbm>>
    %dma_wait3A_205 = tpu.memref_squeeze %dma_wait3A_204 : memref<1x8x1x8x128xf32, #tpu.memory_space<hbm>> -> memref<8x8x128xf32, #tpu.memory_space<hbm>>
    %dma_wait3A_206 = arith.constant 0 : i32
    %dma_wait3A_207 = arith.constant 0 : i32
    %dma_wait3A_208 = arith.constant 0 : i32
    %dma_wait3A_209 = tpu.memref_slice %arg5[%dma_wait3A, %dma_wait3A_206, %add3A, %dma_wait3A_207, %dma_wait3A_208] : memref<200x8x32x8x128xf32, #tpu.memory_space<hbm>> -> memref<1x8x1x8x128xf32, #tpu.memory_space<hbm>>
    %dma_wait3A_210 = tpu.memref_squeeze %dma_wait3A_209 : memref<1x8x1x8x128xf32, #tpu.memory_space<hbm>> -> memref<8x8x128xf32, #tpu.memory_space<hbm>>
    %dma_wait3A_211 = arith.constant 0 : i32
    %dma_wait3A_212 = arith.constant 0 : i32
    %dma_wait3A_213 = arith.constant 0 : i32
    %dma_wait3A_214 = tpu.memref_slice %arg16[%dma_wait3A_211, %dma_wait3A_212, %dma_wait3A_213] : memref<8x8x129xf32, #tpu.memory_space<vmem>> -> memref<8x8x128xf32, #tpu.memory_space<vmem>>
    tpu.wait_dma2 semaphore(%arg22 : memref<!tpu.dma_semaphore, #tpu.memory_space<semaphore_mem>>) src(%dma_wait3A_214 : memref<8x8x128xf32, #tpu.memory_space<vmem>>) dst(%dma_wait3A_210 : memref<8x8x128xf32, #tpu.memory_space<hbm>>)
    %dma_wait3A_215 = arith.constant 0 : i32
    %dma_wait3A_216 = arith.constant 0 : i32
    %dma_wait3A_217 = arith.constant 0 : i32
    %dma_wait3A_218 = arith.constant 0 : i32
    %dma_wait3A_219 = tpu.memref_slice %arg17[%dma_wait3A_216, %dma_wait3A_217, %dma_wait3A_218] : memref<8x8x129xf32, #tpu.memory_space<vmem>> -> memref<8x8x128xf32, #tpu.memory_space<vmem>>
    %dma_wait3A_220 = arith.constant 0 : i32
    %dma_wait3A_221 = arith.constant 0 : i32
    %dma_wait3A_222 = arith.constant 0 : i32
    %dma_wait3A_223 = tpu.memref_slice %arg5[%dma_wait3A_215, %dma_wait3A_220, %add3A, %dma_wait3A_221, %dma_wait3A_222] : memref<200x8x32x8x128xf32, #tpu.memory_space<hbm>> -> memref<1x8x1x8x128xf32, #tpu.memory_space<hbm>>
    %dma_wait3A_224 = tpu.memref_squeeze %dma_wait3A_223 : memref<1x8x1x8x128xf32, #tpu.memory_space<hbm>> -> memref<8x8x128xf32, #tpu.memory_space<hbm>>
    %dma_wait3A_225 = arith.constant 0 : i32
    %dma_wait3A_226 = arith.constant 0 : i32
    %dma_wait3A_227 = arith.constant 0 : i32
    %dma_wait3A_228 = tpu.memref_slice %arg5[%dma_wait3A_215, %dma_wait3A_225, %add3A, %dma_wait3A_226, %dma_wait3A_227] : memref<200x8x32x8x128xf32, #tpu.memory_space<hbm>> -> memref<1x8x1x8x128xf32, #tpu.memory_space<hbm>>
    %dma_wait3A_229 = tpu.memref_squeeze %dma_wait3A_228 : memref<1x8x1x8x128xf32, #tpu.memory_space<hbm>> -> memref<8x8x128xf32, #tpu.memory_space<hbm>>
    %dma_wait3A_230 = arith.constant 0 : i32
    %dma_wait3A_231 = arith.constant 0 : i32
    %dma_wait3A_232 = arith.constant 0 : i32
    %dma_wait3A_233 = tpu.memref_slice %arg17[%dma_wait3A_230, %dma_wait3A_231, %dma_wait3A_232] : memref<8x8x129xf32, #tpu.memory_space<vmem>> -> memref<8x8x128xf32, #tpu.memory_space<vmem>>
    tpu.wait_dma2 semaphore(%arg23 : memref<!tpu.dma_semaphore, #tpu.memory_space<semaphore_mem>>) src(%dma_wait3A_233 : memref<8x8x128xf32, #tpu.memory_space<vmem>>) dst(%dma_wait3A_229 : memref<8x8x128xf32, #tpu.memory_space<hbm>>)
    return
  }
}

</mosaic_0001>

<sc_bundles>
// kernel: kernel.3.cloned.1.call-start
scs
__scs_entry_jumppad:
0x0: {  	(pc) =	sbr.rel $0x88, $3  }
0x1: {  	(tag) =	ssettag $0x0;
	lr =	simm.s32 $0x1  }
0x2: {  	[smem:$0x3F9E] =	sst lr;
	_ =	strace $0xD0000000  }
0x3: {  	_ = 	snop  }
0x4: {  	_ = 	snop  }
0x5: {  	_ = 	snop  }
0x6: {  	_ = 	snop  }
0x7: {  	_ = 	snop  }
__scs_overlays_trampoline_lowered:
0x8: {  	[smem:$0x3FAD] =	sst s0  }
0x9: {  	[smem:$0x3FAE] =	sst s1  }
0xa: {  	[smem:$0x3FAF] =	sst s2  }
0xb: {  	[smem:$0x3FB0] =	sst s3  }
0xc: {  	[smem:$0x3FB1] =	sst s4  }
0xd: {  	[smem:$0x3FB2] =	sst s5  }
0xe: {  	[smem:$0x3FB3] =	sst s6  }
0xf: {  	[smem:$0x3FB4] =	sst s7  }
0x10: {  	[smem:$0x3FB5] =	sst s8  }
0x11: {  	[smem:$0x3FB6] =	sst s9;
	s0 =	simm.s32 @!p0 $0x0  }
0x12: {  	s1 =	sld [smem:$0x3F9C];
	s0 =	simm.s32 @p0 $0x1  }
0x13: {  	[smem:$0x3FB7] =	sst s0;
	s0 =	simm.s32 @!p1 $0x0  }
0x14: {  	s2 =	sld [smem:$0x3F9B];
	s0 =	simm.s32 @p1 $0x1  }
0x15: {  	[smem:$0x3FB8] =	sst s0;
	s0 =	simm.s32 @!p2 $0x0  }
0x16: {  	s3 =	sld [smem:$0x3FDB];
	s0 =	simm.s32 @p2 $0x1  }
0x17: {  	s4 =	simm.s32 $0x1BF5;
	[smem:$0x3FBA] =	sst s0  }
0x18: {  	s0 =	sld [smem:$0x3F9D];
	_ =	swait.ge [sflag:s4], $0x0  }
0x19: {  	s7 =	sld [smem:$0x3F9E]  }
0x1a: {  	s8 =	sadd.s32 $0xFFFFE003, lr  }
0x1b: {  	s9 =	sadd.s32 $0xFFFFFEF7, lr;
	s5 =	simm.s32 $0xFFFFFFFF;
	p2 =	slt.u32 s8, $0xFFFFF086  }
0x1c: {  	p1 =	slt.u32 s9, $0xF7A;
	s5 =	simm.s32 @!p2 $0x0  }
0x1d: {  	s5 =	simm.s32 @p1 $0x1;
	p0 =	seq.s32 s7, s2  }
0x1e: {  	s7 =	smul.u32 @!p0 $0xF7A, s2;
	p2 =	seq.s32 @!p0 s5, $0x0  }
0x1f: {  	s9 =	smul.u32 $0xF7A, s1;
	s8 =	simm.s32 @!p0 $0x1BF5;
	p2 =	por !p2, p0  }
0x20: {  	[sflag:s8] =	ssyncset.s32 @!p0 $0xFFFFF086;
	s6 =	sadd.s32 @!p0 s3, s7;
	s7 =	simm.s32 @!p0 $0x108  }
0x21: {  	s3 =	sadd.s32 s3, s9;
	s6 =	sadd.s32 @!p0 $0x88, s6;
	s7 =	simm.s32 @p2 $0x1082  }
0x22: {  	[simem:s7], [sflag:s8] =	dma.local @!p0 [hbm:s6], $0xF7A  }
0x23: {  	s9 =	sor.u32 $0xD0000000, s2;
	s6 =	simm.s32 $0x108;
	_ =	swait.ge @!p0 [sflag:s8], $0x0  }
0x24: {  	s3 =	sadd.s32 $0x88, s3;
	s6 =	simm.s32 @!p1 $0x1082;
	[sflag:s4] =	ssyncset.s32 $0xFFFFF086  }
0x25: {  	[simem:s6], [sflag:s4] =	dma.local [hbm:s3], $0xF7A  }
0x26: {  	[smem:$0x3F9E] =	sst s1;
	(tag) =	ssettag s2;
	_ =	strace s9  }
0x27: {  	s1 =	sld [smem:$0x3FAE]  }
0x28: {  	s2 =	sld [smem:$0x3FAF]  }
0x29: {  	s4 =	sld [smem:$0x3FB1]  }
0x2a: {  	p0 =	seq.s32 s5, $0x0;
	s5 =	sld [smem:$0x3FB2]  }
0x2b: {  	s6 =	sld [smem:$0x3FB3]  }
0x2c: {  	s7 =	sld [smem:$0x3FB4]  }
0x2d: {  	s3 =	simm.s32 $0x108;
	s8 =	sld [smem:$0x3FB5]  }
0x2e: {  	s3 =	simm.s32 @!p0 $0x1082;
	s9 =	sld [smem:$0x3FB6]  }
0x2f: {  	lr =	sadd.s32 s0, s3;
	s0 =	sld [smem:$0x3FAD]  }
0x30: {  	s3 =	sld [smem:$0x3FB0]  }
0x31: {  	[smem:$0x3FB9] =	sst s10  }
0x32: {  	s10 =	sld [smem:$0x3FB7];
	_ =	sdelay $0x3  }
0x33: {  	p0 =	seq.s32 s10, $0x1;
	s10 =	sld [smem:$0x3FB9];
	_ =	sdelay $0x3  }
0x34: {  	[smem:$0x3FB9] =	sst s10  }
0x35: {  	s10 =	sld [smem:$0x3FB8];
	_ =	sdelay $0x3  }
0x36: {  	p1 =	seq.s32 s10, $0x1;
	s10 =	sld [smem:$0x3FB9];
	_ =	sdelay $0x3  }
0x37: {  	[smem:$0x3FB9] =	sst s10  }
0x38: {  	s10 =	sld [smem:$0x3FBA]  }
0x39: {  	_ = 	snop;
	(pc) =	sbr.ind lr, $3  }
0x3a: {  	_ = 	snop  }
0x3b: {  	_ = 	snop  }
0x3c: {  	p2 =	seq.s32 s10, $0x1;
	s10 =	sld [smem:$0x3FB9]  }
0x3d: {  	_ =	shalt  }
0x3e: {  	_ =	shalt  }
0x3f: {  	_ =	shalt  }
0x40: {  	_ =	shalt  }
0x41: {  	_ =	shalt  }
0x42: {  	_ =	shalt  }
0x43: {  	_ =	shalt  }
0x44: {  	_ =	shalt  }
0x45: {  	_ =	shalt  }
0x46: {  	_ =	shalt  }
0x47: {  	_ =	shalt  }
0x48: {  	_ =	shalt  }
0x49: {  	_ =	shalt  }
0x4a: {  	_ =	shalt  }
0x4b: {  	_ =	shalt  }
0x4c: {  	_ =	shalt  }
0x4d: {  	_ =	shalt  }
0x4e: {  	_ =	shalt  }
0x4f: {  	_ =	shalt  }
0x50: {  	_ =	shalt  }
0x51: {  	_ =	shalt  }
0x52: {  	_ =	shalt  }
0x53: {  	_ =	shalt  }
0x54: {  	_ =	shalt  }
0x55: {  	_ =	shalt  }
0x56: {  	_ =	shalt  }
0x57: {  	_ =	shalt  }
0x58: {  	_ =	shalt  }
0x59: {  	_ =	shalt  }
0x5a: {  	_ =	shalt  }
0x5b: {  	_ =	shalt  }
0x5c: {  	_ =	shalt  }
0x5d: {  	_ =	shalt  }
0x5e: {  	_ =	shalt  }
0x5f: {  	_ =	shalt  }
0x60: {  	_ =	shalt  }
0x61: {  	_ =	shalt  }
0x62: {  	_ =	shalt  }
0x63: {  	_ =	shalt  }
0x64: {  	_ =	shalt  }
0x65: {  	_ =	shalt  }
0x66: {  	_ =	shalt  }
0x67: {  	_ =	shalt  }
0x68: {  	_ =	shalt  }
0x69: {  	_ =	shalt  }
0x6a: {  	_ =	shalt  }
0x6b: {  	_ =	shalt  }
0x6c: {  	_ =	shalt  }
0x6d: {  	_ =	shalt  }
0x6e: {  	_ =	shalt  }
0x6f: {  	_ =	shalt  }
0x70: {  	_ =	shalt  }
0x71: {  	_ =	shalt  }
0x72: {  	_ =	shalt  }
0x73: {  	_ =	shalt  }
0x74: {  	_ =	shalt  }
0x75: {  	_ =	shalt  }
0x76: {  	_ =	shalt  }
0x77: {  	_ =	shalt  }
0x78: {  	_ =	shalt  }
0x79: {  	_ =	shalt  }
0x7a: {  	_ =	shalt  }
0x7b: {  	_ =	shalt  }
0x7c: {  	_ =	shalt  }
0x7d: {  	_ =	shalt  }
0x7e: {  	_ =	shalt  }
0x7f: {  	_ =	shalt  }
0x80: {  	_ =	shalt  }
0x81: {  	_ =	shalt  }
0x82: {  	_ =	shalt  }
0x83: {  	_ =	shalt  }
0x84: {  	_ =	shalt  }
0x85: {  	_ =	shalt  }
0x86: {  	_ =	shalt  }
0x87: {  	_ =	shalt  }
.Lfunc_end0:
.L_simem_size_0:
called_computation_lowered:
.L_overlay_start_0:
0x88: {  	s2 =	sld [smem:$0x3FD9]  }
0x89: {  	s3 =	sld [smem:$0x3FFE];
	_ =	sdelay $0x1  }
0x8a: {  	s1 =	srdreg.scid  }
0x8b: {  	s0 =	sand.u32 $0x1, s1  }
0x8c: {  	s17 =	sshll.u32 s0, $0xA;
	s2 =	sadd.s32 s3, s2  }
0x8d: {  	s2 =	sadd.s32 s2, s17  }
0x8e: {  	[smem:$0x3FC5] =	sst s2  }
0x8f: {  	_ = 	snop  }
0x90: {  	s2 =	sld [smem:$0x3FD0];
	(tm) =	ssettm $0x1  }
0x91: {  	s18 =	sld [smem:$0x3FFB];
	_ =	sdelay $0x3  }
0x92: {  	_ =	strace s18  }
0x93: {  	s3 =	sld [smem:$0x3FFC];
	_ =	sdelay $0x3  }
0x94: {  	_ =	strace s3  }
0x95: {  	s3 =	sld [smem:$0x3FFD];
	_ =	sdelay $0x3  }
0x96: {  	_ =	strace s3  }
0x97: {  	_ =	strace $0x8FFFFFFF  }
0x98: {  	s19 =	sld [smem:$0x3FDB];
	_ =	sdelay $0x1  }
0x99: {  	s4 =	simm.s32 $_scs_section_size  }
0x9a: {  	s5 =	simm.s32 $_size__tile_overlayer_lowered;
	s6 =	simm.s32 $_tile_overlayer_lowered  }
0x9b: {  	s22 =	simm.s32 $0x1BFF;
	s21 =	sshll.u32 s6, $0x1;
	s3 =	sadd.s32 s4, s19  }
0x9c: {  	s7 =	simm.s32 $0x0;
	s20 =	sshll.u32 s5, $0x1;
	s5 =	sadd.s32 s21, s3  }
0x9d: {  	[timem:s7], [sflag:s22] =	dma.local [hbm:s5], s20  }
0x9e: {  	_ =	swait.ge [sflag:s22], s20  }
0x9f: {  	s4 =	ssub.s32 $0x0, s20;
	[sflag:s22] =	ssyncset.done $0x0  }
0xa0: {  	[sflag:s22] =	ssyncadd.s32 s4;
	_ =	sdelay $0x1  }
0xa1: {  	s23 =	simm.s32 $0x1B8B  }
0xa2: {  	_ =	swait.ge [sflag:s23], $0x1  }
0xa3: {  	[sflag:s23] =	ssyncset.done $0x0  }
0xa4: {  	s25 =	simm.s32 $0x1B8E;
	s24 =	sld [smem:$0x3FFE];
	[sflag:s23] =	ssyncadd.s32 $0xFFFFFFFF  }
0xa5: {  	s26 =	simm.s32 $execute0_lowered;
	[smem:$0x3FD2] =	sst s25  }
0xa6: {  	s5 =	sshll.u32 s26, $0x1;
	_ =	strace $0x80000046;
	[dreg:$0x1] =	wrdreg $0xFFFFFFFF  }
0xa7: {  	s28 =	simm.s32 $_size_execute0_lowered;
	s3 =	sadd.s32 s3, s5;
	[dreg:$0x0] =	wrdreg $0x0  }
0xa8: {  	s5 =	sshll.u32 s28, $0x1;
	[dreg:$0x2] =	wrdreg s3  }
0xa9: {  	[dreg:$0x3] =	wrdreg s5  }
0xaa: {  	[dreg:$0x4] =	wrdreg $0xC0  }
0xab: {  	_ =	task [dreg:s7], $0x5FFFF  }
0xac: {  	[dreg:$0x1] =	wrdreg $0xFFFFFFFF  }
0xad: {  	[dreg:$0x0] =	wrdreg $0x60  }
0xae: {  	[dreg:$0x2] =	wrdreg s24  }
0xaf: {  	[dreg:$0x3] =	wrdreg s2  }
0xb0: {  	[dreg:$0x4] =	wrdreg $0x9  }
0xb1: {  	_ =	task.clear_ibuf [dreg:s7], $0x5FFFF;
	_ =	strace $0x90000046  }
0xb2: {  	s29 =	simm.s32 $0x9;
	_ =	strace $0x80000048  }
0xb3: {  	_ =	swait.ge [sflag:s29], $0x1  }
0xb4: {  	[sflag:s29] =	ssyncadd.s32 $0xFFFFFFFF  }
0xb5: {  	_ =	strace $0x90000048  }
0xb6: {  	_ =	sfence  }
0xb7: {  	s30 =	sld [smem:$0x0];
	_ =	sdelay $0x2  }
0xb8: {  	s31 =	sshll.u32 s1, $0xD;
	s1 =	sshrl.u32 s1, $0x2  }
0xb9: {  	s3 =	sand.u32 $0x4000, s31;
	s1 =	sadd.s32 s1, s30  }
0xba: {  	s0 =	sor.u32 s3, s0;
	s1 =	sshll.u32 s1, $0x11  }
0xbb: {  	s0 =	sor.u32 s1, s0  }
0xbc: {  	s0 =	sadd.s32 $0x8F2B, s0  }
0xbd: {  	[sflag:s0] =	ssyncadd.remote.s32 $0x1  }
0xbe: {  	_ =	sfence.sel $0xFFFF  }
0xbf: {  	[dreg:$0x0] =	wrdreg $0xFFFFFFFF;
	(pc) =	sbr.abs _section_cstart, $3  }
0xc0: {  	[dreg:$0x1] =	wrdreg $0xFFFFFFFF  }
0xc1: {  	_ =	task.clear_ibuf [dreg:s7], $0x2FFFF;
	_ =	strace $0x9FFFFFFF  }
0xc2: {  	(tm) =	ssettm $0x7FFFFFFF  }
0xc3: {  	_ =	shalt  }
tec
execute0_lowered:
.L_overlay_start_1:
0x0: {  	(tag) =	ssettag $0x1  }
0x1: {  	v8 =	vlaneseq.u32  }
0x2: {  	v0 =	vmul.u32 $0xD0, v8;
	_ =	sdelay $0x1  }
0x3: {  	v1 =	vadd.s32 $0xD00, v0;
	[tilespmem:$0x1FE00] =	vst v0  }
0x4: {  	v36 =	vadd.s32 $0x1A00, v0;
	[tilespmem:$0x1FCA0] =	vst v1  }
0x5: {  	v37 =	vadd.s32 $0x2700, v0;
	[tilespmem:$0x1FCB0] =	vst v36  }
0x6: {  	v38 =	vadd.s32 $0x3400, v0;
	[tilespmem:$0x1FCC0] =	vst v37  }
0x7: {  	v39 =	vadd.s32 $0x4100, v0;
	[tilespmem:$0x1FCD0] =	vst v38  }
0x8: {  	v40 =	vadd.s32 $0x4E00, v0;
	[tilespmem:$0x1FCE0] =	vst v39  }
0x9: {  	v41 =	vadd.s32 $0x5B00, v0;
	[tilespmem:$0x1FCF0] =	vst v40  }
0xa: {  	v42 =	vor.u32 $0x1, v0;
	[tilespmem:$0x1FD00] =	vst v41  }
0xb: {  	v43 =	vadd.s32 $0xD01, v0;
	[tilespmem:$0x1FD10] =	vst v42  }
0xc: {  	v44 =	vadd.s32 $0x1A01, v0;
	[tilespmem:$0x1FD20] =	vst v43  }
0xd: {  	v45 =	vadd.s32 $0x2701, v0;
	[tilespmem:$0x1FD30] =	vst v44  }
0xe: {  	v46 =	vadd.s32 $0x3401, v0;
	[tilespmem:$0x1FD40] =	vst v45  }
0xf: {  	v47 =	vadd.s32 $0x4101, v0;
	[tilespmem:$0x1FD50] =	vst v46  }
0x10: {  	v48 =	vadd.s32 $0x4E01, v0;
	[tilespmem:$0x1FD60] =	vst v47  }
0x11: {  	v49 =	vadd.s32 $0x5B01, v0;
	[tilespmem:$0x1FD70] =	vst v48  }
0x12: {  	v50 =	vor.u32 $0x2, v0;
	[tilespmem:$0x1FD80] =	vst v49  }
0x13: {  	v51 =	vadd.s32 $0xD02, v0;
	[tilespmem:$0x1FD90] =	vst v50  }
0x14: {  	v52 =	vadd.s32 $0x1A02, v0;
	[tilespmem:$0x1FDA0] =	vst v51  }
0x15: {  	v53 =	vadd.s32 $0x2702, v0;
	[tilespmem:$0x1FDB0] =	vst v52  }
0x16: {  	v54 =	vadd.s32 $0x3402, v0;
	[tilespmem:$0x1FDC0] =	vst v53  }
0x17: {  	v55 =	vadd.s32 $0x4102, v0;
	[tilespmem:$0x1FDD0] =	vst v54  }
0x18: {  	s3 =	stileid.u32;
	v56 =	vadd.s32 $0x4E02, v0;
	[tilespmem:$0x1FDE0] =	vst v55  }
0x19: {  	s0 =	rddreg [dreg:$0x0];
	s4 =	sshll.u32 s3, $0x1;
	s3 =	simm.s32 $0x0;
	v0 =	vadd.s32 $0x5B02, v0;
	v36 =	vmul.u32 $0x88, v8;
	[tilespmem:$0x1FDF0] =	vst v56  }
0x1a: {  	[smem:$0x7FF] =	sst s3;
	[tilespmem:$0x1FE10] =	vst v0  }
0x1b: {  	s2 =	rddreg [dreg:$0x1];
	_ =	strace $0x80000047;
	v58 =	vadd.s32 $0x1104, v36;
	[tilespmem:$0x1FF10] =	vst v36  }
0x1c: {  	v59 =	vadd.s32 $0x885, v36;
	[tilespmem:$0x1FE20] =	vst v58  }
0x1d: {  	v60 =	vadd.s32 $0x1985, v36;
	[tilespmem:$0x1FE30] =	vst v59  }
0x1e: {  	v61 =	vor.u32 $0x6, v36;
	[tilespmem:$0x1FE40] =	vst v60  }
0x1f: {  	v62 =	vadd.s32 $0x886, v36;
	[tilespmem:$0x1FE50] =	vst v61  }
0x20: {  	v22 =	vor.u32 $0x2, v36;
	[tilespmem:$0x1FE60] =	vst v62  }
0x21: {  	v26 =	vadd.s32 $0x882, v36;
	[tilespmem:$0x1FE70] =	vst v22  }
0x22: {  	v27 =	vadd.s32 $0x1102, v36;
	[tilespmem:$0x1FE80] =	vst v26  }
0x23: {  	v28 =	vadd.s32 $0x1982, v36;
	[tilespmem:$0x1FE90] =	vst v27  }
0x24: {  	v29 =	vadd.s32 $0x883, v36;
	[tilespmem:$0x1FEA0] =	vst v28  }
0x25: {  	v33 =	vor.u32 $0x3, v36;
	[tilespmem:$0x1FEB0] =	vst v29  }
0x26: {  	v30 =	vadd.s32 $0x1103, v36;
	[tilespmem:$0x1FEC0] =	vst v33  }
0x27: {  	v31 =	vadd.s32 $0x1983, v36;
	[tilespmem:$0x1FED0] =	vst v30  }
0x28: {  	v32 =	vor.u32 $0x4, v36;
	[tilespmem:$0x1FEE0] =	vst v31  }
0x29: {  	v34 =	vadd.s32 $0x884, v36;
	[tilespmem:$0x1FEF0] =	vst v32  }
0x2a: {  	v35 =	vadd.s32 $0x1984, v36;
	[tilespmem:$0x1FF00] =	vst v34  }
0x2b: {  	v37 =	vadd.s32 $0x880, v36;
	[tilespmem:$0x1FF20] =	vst v35  }
0x2c: {  	v38 =	vadd.s32 $0x1100, v36;
	[tilespmem:$0x1FF30] =	vst v37  }
0x2d: {  	v44 =	vadd.s32 $0x1105, v36;
	[tilespmem:$0x1FF40] =	vst v38  }
0x2e: {  	v39 =	vadd.s32 $0x1980, v36;
	[tilespmem:$0x1FF50] =	vst v44  }
0x2f: {  	s1 =	srdreg.scid;
	v40 =	vor.u32 $0x1, v36;
	[tilespmem:$0x1FF60] =	vst v39  }
0x30: {  	s9 =	simm.s32 $0x7;
	s11 =	simm.s32 $0x80;
	s12 =	simm.s32 $0x9A00;
	v41 =	vadd.s32 $0x881, v36;
	[tilespmem:$0x1FF70] =	vst v40  }
0x31: {  	s13 =	simm.s32 $0x9C00;
	s18 =	simm.s32 $0x9B80;
	s19 =	simm.s32 $0x15C00;
	v54 =	vadd.s32 $0x1106, v36;
	[tilespmem:$0x1FF80] =	vst v41  }
0x32: {  	s20 =	simm.s32 $0x1;
	s21 =	simm.s32 $0x19C00;
	s22 =	simm.s32 $0x2;
	v63 =	vadd.s32 $0x1986, v36;
	[tilespmem:$0x1FF90] =	vst v54  }
0x33: {  	s23 =	simm.s32 $0x6;
	s24 =	simm.s32 $0x1BE00;
	s1 =	sand.u32 $0x1, s1;
	v55 =	vor.u32 $0x7, v36;
	[tilespmem:$0x1FFA0] =	vst v63  }
0x34: {  	s25 =	simm.s32 $0x3;
	s26 =	simm.s32 $0x5;
	s7 =	sor.u32 s1, s4;
	v53 =	vadd.s32 $0x887, v36;
	[tilespmem:$0x1FFB0] =	vst v55  }
0x35: {  	s28 =	simm.s32 $0x4;
	s1 =	ssub.s32 $0x2, s1;
	s5 =	smul.u32 $0xC80, s7;
	v4 =	vadd.s32 $0x1107, v36;
	[tilespmem:$0x1FFC0] =	vst v53  }
0x36: {  	s29 =	simm.s32 $0x0;
	s4 =	sadd.s32 $0xF5C400, s0;
	s31 =	sshrl.u32 s1, $0x1;
	v46 =	vadd.s32 $0x1987, v36;
	[tilespmem:$0x1FFD0] =	vst v4  }
0x37: {  	v57 =	vimm.s32 $0x0;
	vm0 =	vcmask $0x300;
	s6 =	sadd.s32 s5, s0;
	s5 =	sadd.s32 $0xF5BC00, s0;
	s0 =	ssub.s32 s1, s31;
	v45 =	vor.u32 $0x5, v36;
	[tilespmem:$0x1FFE0] =	vst v46  }
0x38: {  	v25 =	vsel vm0, $0x3, v57;
	s7 =	sshll.u32 s7, $0xA;
	v42 =	vadd.s32 $0x1101, v36;
	v43 =	vadd.s32 $0x1981, v36;
	s6 =	sadd.s32 $0xF42C00, s6;
	s8 =	smax.u32 s0, $0x1;
	[tilespmem:$0x1FFF0] =	vst v45  }
.LBB2_1:
0x39: {  	s0 =	simm.s32 $0x19  }
0x3a: {  	s14 =	sadd.s32 $0x0, s6;
	s1 =	simm.s32 $0xD0;
	s10 =	simm.s32 $0x0  }
.LBB2_2:
0x3b: {  	[tilespmem:s10], [sflag:$0x7] =	stream.linear.gather [hbm4b:s14+s3], $0xC8, $0x38;
	[tilespmem:$0x1E000] =	vst v63  }
0x3c: {  	s14 =	smov.u32 s0;
	s10 =	smov.u32 s1;
	p0 =	sne.s32 s0, $0xC67  }
.Ltmp0:
0x3d: {  	s0 =	sadd.s32 $0x19, s0;
	(pc) =	sbr.rel @p0 .LBB2_2-.Ltmp0, $2  }
0x3e: {  	_ =	sdelay $0x2  }
0x3f: {  	s1 =	sadd.s32 $0xD0, s1;
	s14 =	sadd.s32 s14, s6  }
0x40: {  	[tilespmem:s10], [sflag:$0x7] =	stream.linear.gather [hbm4b:s14+s3], $0xC8, $0x38;
	[tilespmem:$0x1E000] =	vst v63  }
0x41: {  	_ =	swait.ge [sflag:s9], $0x6400  }
0x42: {  	[sflag:s9] =	ssyncset.done $0x0  }
0x43: {  	s30 =	simm.s32 $0x0;
	s0 =	simm.s32 $0x6800;
	[sflag:s9] =	ssyncadd.s32 $0xFFFF9C00  }
0x44: {  	[tilespmem:s0], [sflag:$0x7] =	stream.linear.gather [hbm4b:s5+s30], $0x3200, $0x38;
	[tilespmem:$0x1E000] =	vst v63  }
0x45: {  	_ =	swait.ge [sflag:s9], $0x3200  }
0x46: {  	v0 =	vld [tilespmem:$0x1FE00]  }
0x47: {  	v15 =	vld [tilespmem:$0x1FCA0]  }
0x48: {  	v16 =	vld [tilespmem:$0x1FCB0]  }
0x49: {  	v17 =	vld [tilespmem:$0x1FCC0]  }
0x4a: {  	v18 =	vld [tilespmem:$0x1FCD0]  }
0x4b: {  	v19 =	vld [tilespmem:$0x1FCE0]  }
0x4c: {  	[sflag:s9] =	ssyncset.done $0x0;
	v46 =	vld [tilespmem:$0x1FCF0]  }
0x4d: {  	v47 =	vld [tilespmem:$0x1FD00];
	[sflag:s9] =	ssyncadd.s32 $0xFFFFCE00  }
0x4e: {  	v8 =	vld.idx.msk [tilespmem:v0+s30+$0x0], $0xffff  }
0x4f: {  	v9 =	vld.idx.msk [tilespmem:v15+s30+$0x0], $0xffff  }
0x50: {  	v10 =	vld.idx.msk [tilespmem:v16+s30+$0x0], $0xffff  }
0x51: {  	v11 =	vld.idx.msk [tilespmem:v17+s30+$0x0], $0xffff  }
0x52: {  	v12 =	vld.idx.msk [tilespmem:v18+s30+$0x0], $0xffff  }
0x53: {  	v13 =	vld.idx.msk [tilespmem:v19+s30+$0x0], $0xffff  }
0x54: {  	v14 =	vld.idx.msk [tilespmem:v46+s30+$0x0], $0xffff  }
0x55: {  	v15 =	vld.idx.msk [tilespmem:v47+s30+$0x0], $0xffff;
	[tilespmem:$0x9A00] =	vst v8  }
0x56: {  	v48 =	vld [tilespmem:$0x1FD10];
	[tilespmem:$0x9A10] =	vst v9  }
0x57: {  	v49 =	vld [tilespmem:$0x1FD20];
	[tilespmem:$0x9A20] =	vst v10  }
0x58: {  	v50 =	vld [tilespmem:$0x1FD30];
	[tilespmem:$0x9A30] =	vst v11  }
0x59: {  	v51 =	vld [tilespmem:$0x1FD40];
	[tilespmem:$0x9A40] =	vst v12  }
0x5a: {  	v52 =	vld [tilespmem:$0x1FD50];
	[tilespmem:$0x9A50] =	vst v13  }
0x5b: {  	v53 =	vld [tilespmem:$0x1FD60];
	[tilespmem:$0x9A60] =	vst v14  }
0x5c: {  	v54 =	vld [tilespmem:$0x1FD70];
	[tilespmem:$0x9A70] =	vst v15  }
0x5d: {  	v55 =	vld [tilespmem:$0x1FD80];
	[tilespmem:s13], [sflag:$0x1] =	stream.indirect.gather [hbm4b:s4+s11], $0x80, s12, s11, $0xb8  }
0x5e: {  	v8 =	vld.idx.msk [tilespmem:v48+s30+$0x0], $0xffff  }
0x5f: {  	v9 =	vld.idx.msk [tilespmem:v49+s30+$0x0], $0xffff  }
0x60: {  	v10 =	vld.idx.msk [tilespmem:v50+s30+$0x0], $0xffff  }
0x61: {  	v11 =	vld.idx.msk [tilespmem:v51+s30+$0x0], $0xffff  }
0x62: {  	v12 =	vld.idx.msk [tilespmem:v52+s30+$0x0], $0xffff  }
0x63: {  	v13 =	vld.idx.msk [tilespmem:v53+s30+$0x0], $0xffff  }
0x64: {  	v14 =	vld.idx.msk [tilespmem:v54+s30+$0x0], $0xffff  }
0x65: {  	v15 =	vld.idx.msk [tilespmem:v55+s30+$0x0], $0xffff;
	[tilespmem:$0x9A80] =	vst v8  }
0x66: {  	v56 =	vld [tilespmem:$0x1FD90];
	[tilespmem:$0x9A90] =	vst v9  }
0x67: {  	v57 =	vld [tilespmem:$0x1FDA0];
	[tilespmem:$0x9AA0] =	vst v10  }
0x68: {  	v58 =	vld [tilespmem:$0x1FDB0];
	[tilespmem:$0x9AB0] =	vst v11  }
0x69: {  	v59 =	vld [tilespmem:$0x1FDC0];
	[tilespmem:$0x9AC0] =	vst v12  }
0x6a: {  	v60 =	vld [tilespmem:$0x1FDD0];
	[tilespmem:$0x9AD0] =	vst v13  }
0x6b: {  	v61 =	vld [tilespmem:$0x1FDE0];
	[tilespmem:$0x9AE0] =	vst v14  }
0x6c: {  	s16 =	simm.s32 $0x9A80;
	s1 =	simm.s32 $0xDC00;
	v62 =	vld [tilespmem:$0x1FDF0];
	[tilespmem:$0x9AF0] =	vst v15  }
0x6d: {  	v63 =	vld [tilespmem:$0x1FE10];
	[tilespmem:s1], [sflag:$0x2] =	stream.indirect.gather [hbm4b:s4+s11], $0x80, s16, s11, $0xb8  }
0x6e: {  	v8 =	vld.idx.msk [tilespmem:v56+s30+$0x0], $0xffff  }
0x6f: {  	v9 =	vld.idx.msk [tilespmem:v57+s30+$0x0], $0xffff  }
0x70: {  	v10 =	vld.idx.msk [tilespmem:v58+s30+$0x0], $0xffff  }
0x71: {  	v11 =	vld.idx.msk [tilespmem:v59+s30+$0x0], $0xffff  }
0x72: {  	v12 =	vld.idx.msk [tilespmem:v60+s30+$0x0], $0xffff  }
0x73: {  	v13 =	vld.idx.msk [tilespmem:v61+s30+$0x0], $0xffff  }
0x74: {  	v14 =	vld.idx.msk [tilespmem:v62+s30+$0x0], $0xffff  }
0x75: {  	v15 =	vld.idx.msk [tilespmem:v63+s30+$0x0], $0xffff;
	[tilespmem:$0x9B00] =	vst v8  }
0x76: {  	[tilespmem:$0x9B10] =	vst v9  }
0x77: {  	[tilespmem:$0x9B20] =	vst v10  }
0x78: {  	[tilespmem:$0x9B30] =	vst v11  }
0x79: {  	[tilespmem:$0x9B40] =	vst v12  }
0x7a: {  	[tilespmem:$0x9B50] =	vst v13  }
0x7b: {  	[tilespmem:$0x9B60] =	vst v14  }
0x7c: {  	s17 =	simm.s32 $0x9B00;
	s31 =	simm.s32 $0x11C00;
	[tilespmem:$0x9B70] =	vst v15  }
0x7d: {  	[tilespmem:s31], [sflag:$0x3] =	stream.indirect.gather [hbm4b:s4+s11], $0x80, s17, s11, $0xb8;
	[tilespmem:$0x1E000] =	vst v63  }
.LBB2_4:
0x7e: {  	v0 =	vld [tilespmem:$0x1FE00]  }
0x7f: {  	v63 =	vld [tilespmem:$0x1FCA0]  }
0x80: {  	s31 =	sshllo.u32 s30, $0x2;
	v4 =	vld [tilespmem:$0x1FCB0]  }
0x81: {  	v5 =	vld [tilespmem:$0x1FCC0];
	v8 =	vmov s31  }
0x82: {  	v46 =	vld [tilespmem:$0x1FCD0];
	v8 =	vand.u32 $0xFF, v8  }
0x83: {  	v47 =	vld [tilespmem:$0x1FCE0];
	v9 =	vadd.s32 v0, v8  }
0x84: {  	v48 =	vld [tilespmem:$0x1FCF0];
	v10 =	vadd.s32 v63, v8  }
0x85: {  	v49 =	vld [tilespmem:$0x1FD00];
	v11 =	vadd.s32 v4, v8  }
0x86: {  	v12 =	vadd.s32 v5, v8  }
0x87: {  	v13 =	vadd.s32 v46, v8  }
0x88: {  	v14 =	vadd.s32 v47, v8;
	v9 =	vld.idx.msk [tilespmem:v9+s3+$0x0], $0xffff  }
0x89: {  	v15 =	vadd.s32 v48, v8;
	v10 =	vld.idx.msk [tilespmem:v10+s3+$0x0], $0xffff  }
0x8a: {  	v8 =	vadd.s32 v49, v8;
	v11 =	vld.idx.msk [tilespmem:v11+s3+$0x0], $0xffff  }
0x8b: {  	v12 =	vld.idx.msk [tilespmem:v12+s3+$0x0], $0xffff  }
0x8c: {  	v13 =	vld.idx.msk [tilespmem:v13+s3+$0x0], $0xffff  }
0x8d: {  	v14 =	vld.idx.msk [tilespmem:v14+s3+$0x0], $0xffff  }
0x8e: {  	v15 =	vld.idx.msk [tilespmem:v15+s3+$0x0], $0xffff  }
0x8f: {  	v8 =	vld.idx.msk [tilespmem:v8+s3+$0x0], $0xffff;
	[tilespmem:$0x9B80] =	vst v9  }
0x90: {  	[tilespmem:$0x9B90] =	vst v10  }
0x91: {  	[tilespmem:$0x9BA0] =	vst v11  }
0x92: {  	[tilespmem:$0x9BB0] =	vst v12  }
0x93: {  	[tilespmem:$0x9BC0] =	vst v13  }
0x94: {  	[tilespmem:$0x9BD0] =	vst v14  }
0x95: {  	[tilespmem:$0x9BE0] =	vst v15  }
0x96: {  	[tilespmem:$0x9BF0] =	vst v8  }
0x97: {  	[tilespmem:s19], [sflag:$0x4] =	stream.indirect.gather [hbm4b:s4+s11], $0x80, s18, s11, $0xb8;
	[tilespmem:$0x1E000] =	vst v63  }
0x98: {  	_ =	swait.ge [sflag:s20], $0x4000  }
0x99: {  	p0 =	seq.s32 s30, $0x0;
	[sflag:s20] =	ssyncset.done $0x0  }
0x9a: {  	s0 =	simm.s32 @!p0 $0x5;
	[sflag:s20] =	ssyncadd.s32 $0xFFFFC000  }
0x9b: {  	_ =	swait.ge @!p0 [sflag:s0], $0x2000  }
0x9c: {  	s1 =	sshll.u32 s30, $0x8;
	[sflag:s0] =	ssyncset.done @!p0 $0x0  }
0x9d: {  	s14 =	sand.u32 $0x3FFFFF00, s1;
	[sflag:s0] =	ssyncadd.s32 @!p0 $0xFFFFE000  }
0x9e: {  	v60 =	vld [tilespmem:s14+$0x6800]  }
0x9f: {  	v61 =	vld [tilespmem:s14+$0x6810]  }
0xa0: {  	v58 =	vld [tilespmem:s14+$0x6820]  }
0xa1: {  	s0 =	simm.s32 $0x9E00;
	v57 =	vld [tilespmem:s14+$0x6830]  }
0xa2: {  	v59 =	vld [tilespmem:s0+$0x1B0]  }
0xa3: {  	v62 =	vld [tilespmem:s0+$0x1A0]  }
0xa4: {  	v8 =	vld [tilespmem:s0+$0xFFFFFEA0]  }
0xa5: {  	v9 =	vld [tilespmem:s0+$0xFFFFFE90]  }
0xa6: {  	v10 =	vld [tilespmem:s0+$0xFFFFFE80]  }
0xa7: {  	v11 =	vld [tilespmem:s0+$0xFFFFFE30]  }
0xa8: {  	v12 =	vld [tilespmem:s0+$0xFFFFFE20]  }
0xa9: {  	v13 =	vld [tilespmem:s0+$0xFFFFFE10]  }
0xaa: {  	v14 =	vld [tilespmem:s0+$0xFFFFFEB0]  }
0xab: {  	v15 =	vld [tilespmem:s0+$0xFFFFFF00]  }
0xac: {  	v16 =	vld [tilespmem:s0+$0xFFFFFF10]  }
0xad: {  	v17 =	vld [tilespmem:s0+$0xFFFFFF20]  }
0xae: {  	v18 =	vld [tilespmem:s0+$0xFFFFFF30]  }
0xaf: {  	v19 =	vld [tilespmem:s0+$0xFFFFFF80]  }
0xb0: {  	v20 =	vld [tilespmem:s0+$0xFFFFFF90]  }
0xb1: {  	v21 =	vld [tilespmem:s0+$0xFFFFFFA0]  }
0xb2: {  	v23 =	vld [tilespmem:s0+$0xFFFFFFB0]  }
0xb3: {  	v63 =	vld [tilespmem:s0+$0x0]  }
0xb4: {  	v24 =	vld [tilespmem:s0+$0x10]  }
0xb5: {  	v7 =	vld [tilespmem:s0+$0x20]  }
0xb6: {  	s15 =	simm.s32 $0x0;
	v51 =	vld [tilespmem:s0+$0x30]  }
0xb7: {  	v4 =	vmov s15;
	v47 =	vld [tilespmem:s0+$0x80]  }
0xb8: {  	v4 =	vshrl.u32 v4, $0x3;
	v52 =	vld [tilespmem:s0+$0x90]  }
0xb9: {  	v4 =	vshll.u32 v4, v25;
	v48 =	vld [tilespmem:s0+$0xA0]  }
0xba: {  	v4 =	vbroadcast v4, $0x0;
	v1 =	vld [tilespmem:s0+$0xFFFFFE00]  }
0xbb: {  	s16 =	simm.s32 $0x1;
	v46 =	vld [tilespmem:s0+$0xB0]  }
0xbc: {  	v50 =	vmov s16;
	v2 =	vadd.s32 v36, v4;
	v49 =	vld [tilespmem:s0+$0x100]  }
0xbd: {  	v0 =	vshrl.u32 v50, $0x3;
	v53 =	vld [tilespmem:s0+$0x110]  }
0xbe: {  	v0 =	vshll.u32 v0, v25;
	v3 =	vadd.s32 v37, v4;
	v6 =	vld [tilespmem:s0+$0x120]  }
0xbf: {  	v0 =	vbroadcast v0, $0x0;
	v5 =	vadd.s32 v38, v4;
	v54 =	vld [tilespmem:s0+$0x130];
	v1 =	vadd.f32 v1, v60  }
0xc0: {  	s17 =	simm.s32 $0x2;
	v4 =	vadd.s32 v39, v4;
	v56 =	vld [tilespmem:s0+$0x180]  }
0xc1: {  	v55 =	vmov s17;
	v50 =	vld [tilespmem:s0+$0x190];
	v13 =	vadd.f32 v13, v61;
	[tilespmem:v2+s21+$0x0] =	vst.idx.msk $0xffff, v1;
	v2 =	vadd.s32 v40, v0  }
0xc2: {  	v11 =	vadd.f32 v11, v57;
	v1 =	vshrl.u32 v55, $0x3;
	v55 =	vadd.f32 v12, v58  }
0xc3: {  	v12 =	vadd.s32 v41, v0;
	[tilespmem:v3+s21+$0x0] =	vst.idx.msk $0xffff, v13;
	v1 =	vshll.u32 v1, v25  }
0xc4: {  	s10 =	simm.s32 $0x3;
	v3 =	vadd.s32 v42, v0;
	[tilespmem:v5+s21+$0x0] =	vst.idx.msk $0xffff, v55;
	v5 =	vadd.f32 v10, v60;
	v1 =	vbroadcast v1, $0x0  }
0xc5: {  	v0 =	vadd.s32 v43, v0;
	v55 =	vmov s10;
	[tilespmem:v4+s21+$0x0] =	vst.idx.msk $0xffff, v11  }
0xc6: {  	v9 =	vadd.f32 v9, v61;
	v4 =	vshrl.u32 v55, $0x3;
	[tilespmem:v2+s21+$0x0] =	vst.idx.msk $0xffff, v5;
	v2 =	vadd.s32 v22, v1  }
0xc7: {  	v55 =	vadd.f32 v8, v58;
	v8 =	vadd.s32 v26, v1;
	v4 =	vshll.u32 v4, v25  }
0xc8: {  	v10 =	vadd.s32 v27, v1;
	v4 =	vbroadcast v4, $0x0;
	[tilespmem:v12+s21+$0x0] =	vst.idx.msk $0xffff, v9;
	v9 =	vadd.f32 v14, v57  }
0xc9: {  	v1 =	vadd.s32 v28, v1;
	[tilespmem:v3+s21+$0x0] =	vst.idx.msk $0xffff, v55;
	v55 =	vadd.f32 v15, v60  }
0xca: {  	s14 =	simm.s32 $0x4;
	v28 =	vadd.f32 v16, v61;
	v5 =	vadd.s32 v33, v4;
	[tilespmem:v0+s21+$0x0] =	vst.idx.msk $0xffff, v9  }
0xcb: {  	v33 =	vmov s14;
	v9 =	vadd.f32 v17, v58;
	[tilespmem:v2+s21+$0x0] =	vst.idx.msk $0xffff, v55;
	v2 =	vadd.s32 v29, v4  }
0xcc: {  	v7 =	vadd.f32 v7, v58;
	v3 =	vshrl.u32 v33, $0x3;
	v55 =	vadd.f32 v18, v57;
	[tilespmem:v8+s21+$0x0] =	vst.idx.msk $0xffff, v28  }
0xcd: {  	v3 =	vshll.u32 v3, v25;
	[tilespmem:v10+s21+$0x0] =	vst.idx.msk $0xffff, v9;
	v9 =	vadd.f32 v19, v60  }
0xce: {  	s15 =	simm.s32 $0x5;
	v3 =	vbroadcast v3, $0x0;
	v8 =	vadd.s32 v30, v4;
	v28 =	vadd.f32 v20, v61;
	[tilespmem:v1+s21+$0x0] =	vst.idx.msk $0xffff, v55  }
0xcf: {  	v13 =	vadd.f32 v54, v57;
	v1 =	vadd.s32 v31, v4;
	v55 =	vmov s15;
	[tilespmem:v5+s21+$0x0] =	vst.idx.msk $0xffff, v9  }
0xd0: {  	v11 =	vadd.f32 v6, v58;
	v0 =	vshrl.u32 v55, $0x3;
	v55 =	vld [tilespmem:$0x1FE20];
	[tilespmem:v2+s21+$0x0] =	vst.idx.msk $0xffff, v28;
	v28 =	vadd.s32 v32, v3  }
0xd1: {  	v15 =	vadd.f32 v47, v60;
	v29 =	vadd.f32 v21, v58;
	v9 =	vadd.s32 v34, v3  }
0xd2: {  	v33 =	vadd.f32 v23, v57;
	v10 =	vadd.f32 v24, v61  }
0xd3: {  	s17 =	simm.s32 $0x7;
	v0 =	vshll.u32 v0, v25;
	[tilespmem:v8+s21+$0x0] =	vst.idx.msk $0xffff, v29;
	v29 =	vadd.f32 v63, v60  }
0xd4: {  	v54 =	vmov s17;
	v47 =	vld [tilespmem:$0x1FE40];
	v32 =	vadd.f32 v51, v57;
	v8 =	vadd.f32 v52, v61;
	[tilespmem:v1+s21+$0x0] =	vst.idx.msk $0xffff, v33  }
0xd5: {  	s16 =	simm.s32 $0x6;
	v0 =	vbroadcast v0, $0x0;
	v63 =	vadd.f32 v48, v58;
	v48 =	vld [tilespmem:$0x1FE50];
	v33 =	vadd.s32 v55, v3;
	[tilespmem:v28+s21+$0x0] =	vst.idx.msk $0xffff, v29  }
0xd6: {  	v52 =	vmov s16;
	v3 =	vadd.s32 v35, v3;
	[tilespmem:v9+s21+$0x0] =	vst.idx.msk $0xffff, v10;
	v9 =	vadd.f32 v46, v57;
	v46 =	vld [tilespmem:$0x1FE30]  }
0xd7: {  	v4 =	vshrl.u32 v52, $0x3;
	v51 =	vadd.s32 v45, v0;
	v10 =	vadd.f32 v49, v60;
	v49 =	vld [tilespmem:$0x1FE60]  }
0xd8: {  	v14 =	vadd.f32 v56, v60;
	v56 =	vshrl.u32 v54, $0x3;
	v4 =	vshll.u32 v4, v25  }
0xd9: {  	v12 =	vadd.f32 v53, v61;
	v53 =	vmovc v30;
	v23 =	vshll.u32 v56, v25;
	v16 =	vbroadcast v4, $0x0  }
0xda: {  	v54 =	vmov v31;
	v18 =	vadd.s32 v44, v0;
	v19 =	vadd.s32 v47, v0;
	[tilespmem:v33+s21+$0x0] =	vst.idx.msk $0xffff, v7  }
0xdb: {  	v56 =	vmov v35;
	v20 =	vadd.s32 v48, v16;
	[tilespmem:v3+s21+$0x0] =	vst.idx.msk $0xffff, v32;
	v17 =	vadd.s32 v46, v0  }
0xdc: {  	s1 =	sshll.u32 s30, $0x2;
	s10 =	simm.s32 $0xF;
	v52 =	vmov v34;
	[tilespmem:v51+s21+$0x0] =	vst.idx.msk $0xffff, v15;
	v21 =	vadd.s32 v49, v16;
	v15 =	vadd.f32 v50, v61  }
.LBB2_5:
0xdd: {  	v0 =	vld [tilespmem:$0x1FF90]  }
0xde: {  	v2 =	vld [tilespmem:$0x1FFA0]  }
0xdf: {  	v3 =	vld [tilespmem:$0x1FFB0]  }
0xe0: {  	v4 =	vld [tilespmem:$0x1FFC0]  }
0xe1: {  	v5 =	vld [tilespmem:$0x1FFD0]  }
0xe2: {  	v1 =	vbroadcast v23, $0x0;
	v33 =	vld [tilespmem:$0x1FFE0];
	[tilespmem:v17+s21+$0x0] =	vst.idx.msk $0xffff, v8;
	v0 =	vadd.s32 v0, v16  }
0xe3: {  	[tilespmem:v18+s21+$0x0] =	vst.idx.msk $0xffff, v63;
	v2 =	vadd.s32 v2, v16  }
0xe4: {  	[tilespmem:v19+s21+$0x0] =	vst.idx.msk $0xffff, v9;
	v3 =	vadd.s32 v3, v1  }
0xe5: {  	s14 =	smov.u32 s10;
	[tilespmem:v20+s21+$0x0] =	vst.idx.msk $0xffff, v10;
	v4 =	vadd.s32 v4, v1  }
0xe6: {  	s16 =	sadd.s32 $0xFFFFFFFA, s14;
	[tilespmem:v21+s21+$0x0] =	vst.idx.msk $0xffff, v12;
	v5 =	vadd.s32 v5, v1  }
0xe7: {  	v16 =	vmov s16;
	[tilespmem:v0+s21+$0x0] =	vst.idx.msk $0xffff, v11;
	v0 =	vadd.s32 v33, v1  }
0xe8: {  	v16 =	vshrl.u32 v16, $0x3;
	[tilespmem:v2+s21+$0x0] =	vst.idx.msk $0xffff, v13  }
0xe9: {  	v34 =	vadd.f32 v62, v58;
	v16 =	vshll.u32 v16, v25;
	[tilespmem:v3+s21+$0x0] =	vst.idx.msk $0xffff, v14  }
0xea: {  	v35 =	vadd.f32 v59, v57;
	v50 =	vld [tilespmem:$0x1FEA0];
	v16 =	vbroadcast v16, $0x0;
	[tilespmem:v4+s21+$0x0] =	vst.idx.msk $0xffff, v15  }
0xeb: {  	v51 =	vld [tilespmem:$0x1FE90];
	[tilespmem:v5+s21+$0x0] =	vst.idx.msk $0xffff, v34  }
0xec: {  	s0 =	sadd.s32 $0x400, s0;
	v28 =	vadd.s32 v41, v16;
	v41 =	vld [tilespmem:$0x1FE70];
	[tilespmem:v0+s21+$0x0] =	vst.idx.msk $0xffff, v35  }
0xed: {  	v59 =	vld [tilespmem:s0+$0x1B0]  }
0xee: {  	v62 =	vld [tilespmem:s0+$0x1A0]  }
0xef: {  	v0 =	vld [tilespmem:s0+$0xFFFFFEA0]  }
0xf0: {  	v1 =	vld [tilespmem:s0+$0xFFFFFE90]  }
0xf1: {  	v2 =	vld [tilespmem:s0+$0xFFFFFE80]  }
0xf2: {  	v3 =	vld [tilespmem:s0+$0xFFFFFE30]  }
0xf3: {  	v4 =	vld [tilespmem:s0+$0xFFFFFE20]  }
0xf4: {  	v5 =	vld [tilespmem:s0+$0xFFFFFE10]  }
0xf5: {  	v6 =	vld [tilespmem:s0+$0xFFFFFEB0]  }
0xf6: {  	v7 =	vld [tilespmem:s0+$0xFFFFFF00]  }
0xf7: {  	v8 =	vld [tilespmem:s0+$0xFFFFFF10]  }
0xf8: {  	v9 =	vld [tilespmem:s0+$0xFFFFFF20]  }
0xf9: {  	v10 =	vld [tilespmem:s0+$0xFFFFFF30]  }
0xfa: {  	v12 =	vld [tilespmem:s0+$0xFFFFFF80]  }
0xfb: {  	v13 =	vld [tilespmem:s0+$0xFFFFFF90]  }
0xfc: {  	v14 =	vld [tilespmem:s0+$0xFFFFFFA0]  }
0xfd: {  	v15 =	vld [tilespmem:s0+$0xFFFFFFB0]  }
0xfe: {  	s15 =	sadd.s32 $0xFFFFFFF9, s14;
	v17 =	vld [tilespmem:s0+$0x0]  }
0xff: {  	v11 =	vmov s15;
	v19 =	vld [tilespmem:s0+$0x10]  }
0x100: {  	v11 =	vshrl.u32 v11, $0x3;
	v21 =	vld [tilespmem:s0+$0x20]  }
0x101: {  	v11 =	vshll.u32 v11, v25;
	v24 =	vld [tilespmem:s0+$0x30]  }
0x102: {  	v11 =	vbroadcast v11, $0x0;
	v22 =	vld [tilespmem:s0+$0x80]  }
0x103: {  	v27 =	vld [tilespmem:s0+$0x90]  }
0x104: {  	s17 =	sadd.s32 $0xFFFFFFFB, s14;
	v18 =	vadd.s32 v36, v11;
	v20 =	vadd.s32 v37, v11;
	v29 =	vld [tilespmem:s0+$0xA0]  }
0x105: {  	v23 =	vadd.s32 v38, v11;
	v11 =	vadd.s32 v39, v11;
	v39 =	vmov s17;
	v31 =	vld [tilespmem:s0+$0xB0]  }
0x106: {  	v63 =	vshrl.u32 v39, $0x3;
	v32 =	vld [tilespmem:s0+$0xFFFFFE00]  }
0x107: {  	v26 =	vadd.s32 v40, v16;
	v63 =	vshll.u32 v63, v25;
	v40 =	vadd.f32 v8, v61;
	v8 =	vld [tilespmem:$0x1FE80]  }
0x108: {  	v33 =	vld [tilespmem:s0+$0x100];
	v63 =	vbroadcast v63, $0x0  }
0x109: {  	s16 =	sadd.s32 $0xFFFFFFFC, s14;
	v30 =	vadd.s32 v42, v16;
	v34 =	vld [tilespmem:s0+$0x110]  }
0x10a: {  	v16 =	vadd.s32 v43, v16;
	v35 =	vmov s16;
	v36 =	vld [tilespmem:s0+$0x120];
	v37 =	vadd.s32 v41, v63  }
0x10b: {  	v39 =	vld [tilespmem:s0+$0x130];
	v38 =	vadd.s32 v50, v63;
	v50 =	vmovc v42;
	v42 =	vadd.s32 v51, v63;
	v5 =	vadd.f32 v5, v61  }
0x10c: {  	v4 =	vadd.f32 v4, v58;
	v32 =	vadd.f32 v32, v60;
	v41 =	vadd.s32 v8, v63;
	v63 =	vld [tilespmem:$0x1FEB0]  }
0x10d: {  	v51 =	vmovc v43;
	v43 =	vld [tilespmem:s0+$0x190];
	v3 =	vadd.f32 v3, v57;
	v2 =	vadd.f32 v2, v60;
	v8 =	vshrl.u32 v35, $0x3  }
0x10e: {  	v1 =	vadd.f32 v1, v61;
	v35 =	vld [tilespmem:s0+$0x180];
	[tilespmem:v18+s21+$0x0] =	vst.idx.msk $0xffff, v32;
	v8 =	vshll.u32 v8, v25  }
0x10f: {  	v0 =	vadd.f32 v0, v58;
	v6 =	vadd.f32 v6, v57;
	[tilespmem:v20+s21+$0x0] =	vst.idx.msk $0xffff, v5;
	v8 =	vbroadcast v8, $0x0  }
0x110: {  	v9 =	vadd.f32 v9, v58;
	v10 =	vadd.f32 v10, v57;
	[tilespmem:v23+s21+$0x0] =	vst.idx.msk $0xffff, v4  }
0x111: {  	v12 =	vadd.f32 v12, v60;
	[tilespmem:v11+s21+$0x0] =	vst.idx.msk $0xffff, v3;
	v3 =	vadd.s32 v63, v8;
	v63 =	vld [tilespmem:$0x1FEC0]  }
0x112: {  	v7 =	vadd.f32 v7, v60;
	v13 =	vadd.f32 v13, v61  }
0x113: {  	s17 =	sadd.s32 $0xFFFFFFFD, s14;
	v22 =	vadd.f32 v22, v60;
	v18 =	vadd.f32 v19, v61;
	[tilespmem:v26+s21+$0x0] =	vst.idx.msk $0xffff, v2  }
0x114: {  	v32 =	vld [tilespmem:$0x1FEF0];
	v19 =	vadd.f32 v21, v58;
	v5 =	vadd.f32 v14, v58;
	v11 =	vmov s17;
	[tilespmem:v28+s21+$0x0] =	vst.idx.msk $0xffff, v1  }
0x115: {  	v14 =	vadd.f32 v15, v57;
	v15 =	vadd.f32 v17, v60;
	v11 =	vshrl.u32 v11, $0x3;
	[tilespmem:v30+s21+$0x0] =	vst.idx.msk $0xffff, v0  }
0x116: {  	v28 =	vshll.u32 v11, v25;
	[tilespmem:v16+s21+$0x0] =	vst.idx.msk $0xffff, v6;
	v2 =	vadd.s32 v63, v8  }
0x117: {  	s16 =	sadd.s32 $0xFFFFFFFE, s14;
	v20 =	vadd.f32 v24, v57;
	v4 =	vadd.s32 v53, v8;
	v1 =	vbroadcast v28, $0x0;
	[tilespmem:v37+s21+$0x0] =	vst.idx.msk $0xffff, v7  }
0x118: {  	v11 =	vadd.f32 v36, v58;
	v30 =	vadd.s32 v54, v8;
	v6 =	vmov s16;
	[tilespmem:v41+s21+$0x0] =	vst.idx.msk $0xffff, v40  }
0x119: {  	v7 =	vadd.s32 v55, v1;
	v6 =	vshrl.u32 v6, $0x3;
	v16 =	vadd.s32 v32, v1;
	[tilespmem:v42+s21+$0x0] =	vst.idx.msk $0xffff, v9  }
0x11a: {  	v21 =	vadd.s32 v52, v1;
	v6 =	vshll.u32 v6, v25;
	[tilespmem:v38+s21+$0x0] =	vst.idx.msk $0xffff, v10  }
0x11b: {  	v1 =	vadd.s32 v56, v1;
	v9 =	vadd.f32 v31, v57;
	v31 =	vbroadcast v6, $0x0;
	[tilespmem:v2+s21+$0x0] =	vst.idx.msk $0xffff, v12  }
0x11c: {  	s17 =	sadd.s32 $0xFFFFFFFF, s14;
	v8 =	vadd.f32 v27, v61;
	v63 =	vadd.f32 v29, v58;
	[tilespmem:v3+s21+$0x0] =	vst.idx.msk $0xffff, v13  }
0x11d: {  	v10 =	vadd.f32 v33, v60;
	v33 =	vmov s17;
	v32 =	vadd.s32 v45, v31;
	[tilespmem:v4+s21+$0x0] =	vst.idx.msk $0xffff, v5  }
0x11e: {  	p1 =	sne.s32 s10, $0x7F;
	v36 =	vld [tilespmem:$0x1FF10];
	v17 =	vadd.s32 v46, v31;
	v12 =	vadd.f32 v34, v61;
	v34 =	vshrl.u32 v33, $0x3;
	[tilespmem:v30+s21+$0x0] =	vst.idx.msk $0xffff, v14  }
.Ltmp1:
0x11f: {  	v37 =	vld [tilespmem:$0x1FF30];
	v13 =	vadd.f32 v39, v57;
	v0 =	vshll.u32 v34, v25;
	[tilespmem:v16+s21+$0x0] =	vst.idx.msk $0xffff, v15;
	(pc) =	sbr.rel @p1 .LBB2_5-.Ltmp1, $4  }
0x120: {  	v41 =	vld [tilespmem:$0x1FF80];
	v14 =	vadd.f32 v35, v60;
	v35 =	vmov s14;
	v16 =	vbroadcast v0, $0x0;
	[tilespmem:v21+s21+$0x0] =	vst.idx.msk $0xffff, v18  }
0x121: {  	v40 =	vld [tilespmem:$0x1FF70];
	v0 =	vshrl.u32 v35, $0x3;
	v15 =	vadd.f32 v43, v61;
	v18 =	vadd.s32 v44, v31;
	[tilespmem:v7+s21+$0x0] =	vst.idx.msk $0xffff, v19  }
0x122: {  	v42 =	vmov v50;
	v38 =	vld [tilespmem:$0x1FF40];
	v23 =	vshll.u32 v0, v25;
	v19 =	vadd.s32 v47, v31;
	[tilespmem:v1+s21+$0x0] =	vst.idx.msk $0xffff, v20  }
0x123: {  	s10 =	sadd.s32 $0x8, s10;
	v39 =	vld [tilespmem:$0x1FF60];
	v43 =	vmov v51;
	v21 =	vadd.s32 v49, v16;
	v20 =	vadd.s32 v48, v16;
	[tilespmem:v32+s21+$0x0] =	vst.idx.msk $0xffff, v22  }
0x124: {  	v6 =	vld [tilespmem:$0x1FF90]  }
0x125: {  	v7 =	vld [tilespmem:$0x1FFA0]  }
0x126: {  	v53 =	vld [tilespmem:$0x1FFB0]  }
0x127: {  	v54 =	vld [tilespmem:$0x1FFC0]  }
0x128: {  	v56 =	vld [tilespmem:$0x1FFD0]  }
0x129: {  	[tilespmem:v17+s21+$0x0] =	vst.idx.msk $0xffff, v8;
	v1 =	vbroadcast v23, $0x0;
	v60 =	vld [tilespmem:$0x1FFE0];
	v0 =	vadd.s32 v6, v16  }
0x12a: {  	[tilespmem:v18+s21+$0x0] =	vst.idx.msk $0xffff, v63;
	v2 =	vadd.s32 v7, v16  }
0x12b: {  	[tilespmem:v19+s21+$0x0] =	vst.idx.msk $0xffff, v9;
	v3 =	vadd.s32 v53, v1  }
0x12c: {  	[tilespmem:v20+s21+$0x0] =	vst.idx.msk $0xffff, v10;
	v4 =	vadd.s32 v54, v1  }
0x12d: {  	[tilespmem:v21+s21+$0x0] =	vst.idx.msk $0xffff, v12;
	v5 =	vadd.s32 v56, v1  }
0x12e: {  	v61 =	vadd.s32 v60, v1;
	[tilespmem:v0+s21+$0x0] =	vst.idx.msk $0xffff, v11  }
0x12f: {  	[tilespmem:v2+s21+$0x0] =	vst.idx.msk $0xffff, v13  }
0x130: {  	v62 =	vadd.f32 v62, v58;
	s0 =	sshll.u32 s30, $0x14;
	[tilespmem:v3+s21+$0x0] =	vst.idx.msk $0xffff, v14  }
0x131: {  	v63 =	vadd.f32 v59, v57;
	s0 =	sor.u32 s7, s0;
	[tilespmem:v4+s21+$0x0] =	vst.idx.msk $0xffff, v15  }
0x132: {  	s0 =	sshrl.u32 s0, $0x3;
	[tilespmem:v5+s21+$0x0] =	vst.idx.msk $0xffff, v62  }
0x133: {  	s14 =	simm.s32 $0x19C00;
	s10 =	sadd.s32 s2, s0;
	[tilespmem:v61+s21+$0x0] =	vst.idx.msk $0xffff, v63  }
0x134: {  	[hbm4b:s10+s3] =	stream.linear.scatter [tilespmem:s14], [sflag:$0x5], $0x80, $0x38;
	[tilespmem:$0x1E000] =	vst v63  }
0x135: {  	s15 =	simm.s32 $0x19C88;
	s14 =	sadd.s32 $0x10, s10  }
0x136: {  	[hbm4b:s14+s3] =	stream.linear.scatter [tilespmem:s15], [sflag:$0x5], $0x80, $0x38;
	[tilespmem:$0x1E000] =	vst v63  }
0x137: {  	s16 =	simm.s32 $0x19D10;
	s17 =	sadd.s32 $0x20, s10  }
0x138: {  	[hbm4b:s17+s3] =	stream.linear.scatter [tilespmem:s16], [sflag:$0x5], $0x80, $0x38;
	[tilespmem:$0x1E000] =	vst v63  }
0x139: {  	s14 =	simm.s32 $0x19D98;
	s15 =	sadd.s32 $0x30, s10  }
0x13a: {  	[hbm4b:s15+s3] =	stream.linear.scatter [tilespmem:s14], [sflag:$0x5], $0x80, $0x38;
	[tilespmem:$0x1E000] =	vst v63  }
0x13b: {  	s16 =	simm.s32 $0x19E20;
	s17 =	sadd.s32 $0x40, s10  }
0x13c: {  	[hbm4b:s17+s3] =	stream.linear.scatter [tilespmem:s16], [sflag:$0x5], $0x80, $0x38;
	[tilespmem:$0x1E000] =	vst v63  }
0x13d: {  	s0 =	simm.s32 $0x440;
	s14 =	simm.s32 $0x19EA8;
	s15 =	sadd.s32 $0x50, s10  }
0x13e: {  	[hbm4b:s15+s3] =	stream.linear.scatter [tilespmem:s14], [sflag:$0x5], $0x80, $0x38;
	[tilespmem:$0x1E000] =	vst v63  }
0x13f: {  	s16 =	simm.s32 $0x19F30;
	s17 =	sadd.s32 $0x60, s10;
	s14 =	simm.s32 $0x2200  }
0x140: {  	[hbm4b:s17+s3] =	stream.linear.scatter [tilespmem:s16], [sflag:$0x5], $0x80, $0x38;
	[tilespmem:$0x1E000] =	vst v63  }
0x141: {  	s15 =	simm.s32 $0x19FB8;
	s16 =	sadd.s32 $0x70, s10;
	s10 =	sadd.s32 $0x1000, s10  }
.LBB2_7:
0x142: {  	[hbm4b:s16+s3] =	stream.linear.scatter [tilespmem:s15], [sflag:$0x5], $0x80, $0x38;
	[tilespmem:$0x1E000] =	vst v63  }
0x143: {  	s15 =	smov.u32 s0;
	s0 =	smov.u32 s14  }
0x144: {  	s17 =	sadd.s32 $0x1100, s14;
	s0 =	sshra.s32 s0, $0x2;
	s16 =	sadd.s32 $0x19C00, s15  }
0x145: {  	[hbm4b:s10+s3] =	stream.linear.scatter [tilespmem:s16], [sflag:$0x5], $0x80, $0x38;
	[tilespmem:$0x1E000] =	vst v63  }
0x146: {  	p1 =	sne.s32 s14, $0x7700;
	s14 =	sadd.s32 $0x19C88, s15;
	s16 =	sadd.s32 $0x10, s10  }
0x147: {  	[hbm4b:s16+s3] =	stream.linear.scatter [tilespmem:s14], [sflag:$0x5], $0x80, $0x38;
	[tilespmem:$0x1E000] =	vst v63  }
0x148: {  	s14 =	sadd.s32 $0x19D10, s15;
	s16 =	sadd.s32 $0x20, s10  }
0x149: {  	[hbm4b:s16+s3] =	stream.linear.scatter [tilespmem:s14], [sflag:$0x5], $0x80, $0x38;
	[tilespmem:$0x1E000] =	vst v63  }
0x14a: {  	s14 =	sadd.s32 $0x19D98, s15;
	s16 =	sadd.s32 $0x30, s10  }
0x14b: {  	[hbm4b:s16+s3] =	stream.linear.scatter [tilespmem:s14], [sflag:$0x5], $0x80, $0x38;
	[tilespmem:$0x1E000] =	vst v63  }
0x14c: {  	s14 =	sadd.s32 $0x19E20, s15;
	s16 =	sadd.s32 $0x40, s10  }
0x14d: {  	[hbm4b:s16+s3] =	stream.linear.scatter [tilespmem:s14], [sflag:$0x5], $0x80, $0x38;
	[tilespmem:$0x1E000] =	vst v63  }
.Ltmp2:
0x14e: {  	s14 =	sadd.s32 $0x19EA8, s15;
	s16 =	sadd.s32 $0x50, s10;
	(pc) =	sbr.rel @p1 .LBB2_7-.Ltmp2, $4  }
0x14f: {  	[hbm4b:s16+s3] =	stream.linear.scatter [tilespmem:s14], [sflag:$0x5], $0x80, $0x38;
	[tilespmem:$0x1E000] =	vst v63  }
0x150: {  	s14 =	sadd.s32 $0x19F30, s15;
	s16 =	sadd.s32 $0x60, s10;
	s15 =	sadd.s32 $0x19FB8, s15  }
0x151: {  	[hbm4b:s16+s3] =	stream.linear.scatter [tilespmem:s14], [sflag:$0x5], $0x80, $0x38;
	[tilespmem:$0x1E000] =	vst v63  }
0x152: {  	s16 =	sadd.s32 $0x70, s10;
	s10 =	sadd.s32 $0x1000, s10;
	s14 =	smov.u32 s17  }
0x153: {  	[hbm4b:s16+s3] =	stream.linear.scatter [tilespmem:s15], [sflag:$0x5], $0x80, $0x38;
	[tilespmem:$0x1E000] =	vst v63  }
0x154: {  	s14 =	sadd.s32 $0x19C00, s0  }
0x155: {  	[hbm4b:s10+s3] =	stream.linear.scatter [tilespmem:s14], [sflag:$0x5], $0x80, $0x38;
	[tilespmem:$0x1E000] =	vst v63  }
0x156: {  	s16 =	sadd.s32 $0x19C88, s0;
	s17 =	sadd.s32 $0x10, s10  }
0x157: {  	[hbm4b:s17+s3] =	stream.linear.scatter [tilespmem:s16], [sflag:$0x5], $0x80, $0x38;
	[tilespmem:$0x1E000] =	vst v63  }
0x158: {  	s16 =	sadd.s32 $0x19D10, s0;
	s17 =	sadd.s32 $0x20, s10  }
0x159: {  	[hbm4b:s17+s3] =	stream.linear.scatter [tilespmem:s16], [sflag:$0x5], $0x80, $0x38;
	[tilespmem:$0x1E000] =	vst v63  }
0x15a: {  	s16 =	sadd.s32 $0x19D98, s0;
	s17 =	sadd.s32 $0x30, s10  }
0x15b: {  	[hbm4b:s17+s3] =	stream.linear.scatter [tilespmem:s16], [sflag:$0x5], $0x80, $0x38;
	[tilespmem:$0x1E000] =	vst v63  }
0x15c: {  	s16 =	sadd.s32 $0x19E20, s0;
	s17 =	sadd.s32 $0x40, s10  }
0x15d: {  	[hbm4b:s17+s3] =	stream.linear.scatter [tilespmem:s16], [sflag:$0x5], $0x80, $0x38;
	[tilespmem:$0x1E000] =	vst v63  }
0x15e: {  	p1 =	sne.s32 s30, $0x31;
	s16 =	sadd.s32 $0x19EA8, s0;
	s17 =	sadd.s32 $0x50, s10  }
0x15f: {  	[hbm4b:s17+s3] =	stream.linear.scatter [tilespmem:s16], [sflag:$0x5], $0x80, $0x38;
	[tilespmem:$0x1E000] =	vst v63  }
.Ltmp3:
0x160: {  	_ = 	snop;
	(pc) =	sbr.rel @p1 .LBB2_10-.Ltmp3, $4  }
0x161: {  	s16 =	sadd.s32 $0x19F30, s0;
	s17 =	sadd.s32 $0x60, s10  }
0x162: {  	[hbm4b:s17+s3] =	stream.linear.scatter [tilespmem:s16], [sflag:$0x5], $0x80, $0x38;
	[tilespmem:$0x1E000] =	vst v63  }
0x163: {  	s16 =	sadd.s32 $0x19FB8, s0;
	s17 =	sadd.s32 $0x70, s10  }
0x164: {  	[hbm4b:s17+s3] =	stream.linear.scatter [tilespmem:s16], [sflag:$0x5], $0x80, $0x38;
	[tilespmem:$0x1E000] =	vst v63  }
.Ltmp4:
0x165: {  	(pc) =	sbr.rel .LBB2_11-.Ltmp4, $4  }
0x166: {  	_ = 	snop  }
0x167: {  	_ =	swait.ge [sflag:s22], $0x4000  }
0x168: {  	[sflag:s22] =	ssyncset.done $0x0  }
0x169: {  	[sflag:s22] =	ssyncadd.s32 $0xFFFFC000  }
.LBB2_10:
0x16a: {  	v1 =	vld [tilespmem:$0x1FE00]  }
0x16b: {  	v2 =	vld [tilespmem:$0x1FCA0]  }
0x16c: {  	s0 =	sadd.s32 $0x4, s1;
	v3 =	vld [tilespmem:$0x1FCB0]  }
0x16d: {  	v4 =	vld [tilespmem:$0x1FCC0];
	v0 =	vmov s0  }
0x16e: {  	v5 =	vld [tilespmem:$0x1FCD0];
	v0 =	vand.u32 $0x1FC, v0  }
0x16f: {  	v6 =	vld [tilespmem:$0x1FCE0];
	v1 =	vadd.s32 v1, v0  }
0x170: {  	v7 =	vld [tilespmem:$0x1FCF0];
	v2 =	vadd.s32 v2, v0  }
0x171: {  	v8 =	vld [tilespmem:$0x1FD00];
	v3 =	vadd.s32 v3, v0  }
0x172: {  	v4 =	vadd.s32 v4, v0  }
0x173: {  	v5 =	vadd.s32 v5, v0  }
0x174: {  	v6 =	vadd.s32 v6, v0;
	v1 =	vld.idx.msk [tilespmem:v1+s3+$0x0], $0xffff  }
0x175: {  	v7 =	vadd.s32 v7, v0;
	v2 =	vld.idx.msk [tilespmem:v2+s3+$0x0], $0xffff  }
0x176: {  	v0 =	vadd.s32 v8, v0;
	v3 =	vld.idx.msk [tilespmem:v3+s3+$0x0], $0xffff  }
0x177: {  	v4 =	vld.idx.msk [tilespmem:v4+s3+$0x0], $0xffff  }
0x178: {  	v5 =	vld.idx.msk [tilespmem:v5+s3+$0x0], $0xffff  }
0x179: {  	v6 =	vld.idx.msk [tilespmem:v6+s3+$0x0], $0xffff  }
0x17a: {  	v7 =	vld.idx.msk [tilespmem:v7+s3+$0x0], $0xffff  }
0x17b: {  	v0 =	vld.idx.msk [tilespmem:v0+s3+$0x0], $0xffff;
	[tilespmem:$0x9A00] =	vst v1  }
0x17c: {  	[tilespmem:$0x9A10] =	vst v2  }
0x17d: {  	[tilespmem:$0x9A20] =	vst v3  }
0x17e: {  	[tilespmem:$0x9A30] =	vst v4  }
0x17f: {  	[tilespmem:$0x9A40] =	vst v5  }
0x180: {  	[tilespmem:$0x9A50] =	vst v6  }
0x181: {  	[tilespmem:$0x9A60] =	vst v7  }
.Ltmp5:
0x182: {  	[tilespmem:$0x9A70] =	vst v0;
	(pc) =	sbr.rel @p0 .LBB2_12-.Ltmp5, $4  }
0x183: {  	[tilespmem:s13], [sflag:$0x1] =	stream.indirect.gather [hbm4b:s4+s11], $0x80, s12, s11, $0xb8;
	[tilespmem:$0x1E000] =	vst v63  }
0x184: {  	_ =	swait.ge [sflag:s22], $0x4000  }
0x185: {  	[sflag:s22] =	ssyncset.done $0x0  }
0x186: {  	[sflag:s22] =	ssyncadd.s32 $0xFFFFC000  }
.LBB2_11:
0x187: {  	_ =	swait.ge [sflag:s23], $0x2000  }
0x188: {  	[sflag:s23] =	ssyncset.done $0x0  }
0x189: {  	[sflag:s23] =	ssyncadd.s32 $0xFFFFE000  }
.LBB2_12:
0x18a: {  	s0 =	sor.u32 $0x1, s1  }
0x18b: {  	s10 =	sshll.u32 s0, $0x6  }
0x18c: {  	s10 =	sand.u32 $0x3FFFFFC0, s10  }
0x18d: {  	v60 =	vld [tilespmem:s10+$0x6800]  }
0x18e: {  	v61 =	vld [tilespmem:s10+$0x6810]  }
0x18f: {  	v58 =	vld [tilespmem:s10+$0x6820]  }
0x190: {  	v57 =	vld [tilespmem:s10+$0x6830];
	s10 =	simm.s32 $0xDE00  }
0x191: {  	v59 =	vld [tilespmem:s10+$0x1B0]  }
0x192: {  	v62 =	vld [tilespmem:s10+$0x1A0]  }
0x193: {  	v0 =	vld [tilespmem:s10+$0xFFFFFEA0]  }
0x194: {  	v1 =	vld [tilespmem:s10+$0xFFFFFE90]  }
0x195: {  	v2 =	vld [tilespmem:s10+$0xFFFFFE80]  }
0x196: {  	v3 =	vld [tilespmem:s10+$0xFFFFFE30]  }
0x197: {  	v4 =	vld [tilespmem:s10+$0xFFFFFE20]  }
0x198: {  	v5 =	vld [tilespmem:s10+$0xFFFFFE10]  }
0x199: {  	v6 =	vld [tilespmem:s10+$0xFFFFFEB0]  }
0x19a: {  	v7 =	vld [tilespmem:s10+$0xFFFFFF00]  }
0x19b: {  	v8 =	vld [tilespmem:s10+$0xFFFFFF10]  }
0x19c: {  	v9 =	vld [tilespmem:s10+$0xFFFFFF20]  }
0x19d: {  	v10 =	vld [tilespmem:s10+$0xFFFFFF30]  }
0x19e: {  	v11 =	vld [tilespmem:s10+$0xFFFFFF80]  }
0x19f: {  	v12 =	vld [tilespmem:s10+$0xFFFFFF90]  }
0x1a0: {  	v13 =	vld [tilespmem:s10+$0xFFFFFFA0]  }
0x1a1: {  	v14 =	vld [tilespmem:s10+$0xFFFFFFB0]  }
0x1a2: {  	v15 =	vld [tilespmem:s10+$0x0]  }
0x1a3: {  	v16 =	vld [tilespmem:s10+$0x10]  }
0x1a4: {  	v17 =	vld [tilespmem:s10+$0x20]  }
0x1a5: {  	s14 =	simm.s32 $0x0;
	v18 =	vld [tilespmem:s10+$0x30]  }
0x1a6: {  	v20 =	vmov s14;
	v19 =	vld [tilespmem:s10+$0x80]  }
0x1a7: {  	v20 =	vshrl.u32 v20, $0x3;
	v21 =	vld [tilespmem:s10+$0x90]  }
0x1a8: {  	v20 =	vshll.u32 v20, v25;
	v22 =	vld [tilespmem:s10+$0xA0]  }
0x1a9: {  	v20 =	vbroadcast v20, $0x0;
	v24 =	vld [tilespmem:s10+$0xFFFFFE00]  }
0x1aa: {  	v23 =	vld [tilespmem:s10+$0xB0]  }
0x1ab: {  	v26 =	vld [tilespmem:s10+$0x100];
	v28 =	vadd.s32 v36, v20  }
0x1ac: {  	s17 =	simm.s32 $0x1;
	v29 =	vld [tilespmem:s10+$0x110];
	v30 =	vadd.s32 v37, v20  }
0x1ad: {  	v27 =	vmov s17;
	v31 =	vld [tilespmem:s10+$0x120];
	v33 =	vadd.s32 v38, v20  }
0x1ae: {  	v27 =	vshrl.u32 v27, $0x3;
	v32 =	vld [tilespmem:s10+$0x130];
	v24 =	vadd.f32 v24, v60  }
0x1af: {  	v27 =	vshll.u32 v27, v25;
	v34 =	vld [tilespmem:s10+$0x180];
	v5 =	vadd.f32 v5, v61  }
0x1b0: {  	v27 =	vbroadcast v27, $0x0;
	v35 =	vld [tilespmem:s10+$0x190];
	v4 =	vadd.f32 v4, v58;
	[tilespmem:v28+s24+$0x0] =	vst.idx.msk $0xffff, v24  }
0x1b1: {  	s15 =	simm.s32 $0x2;
	v20 =	vadd.s32 v39, v20;
	[tilespmem:v30+s24+$0x0] =	vst.idx.msk $0xffff, v5  }
0x1b2: {  	v54 =	vadd.s32 v40, v27;
	v24 =	vmov s15;
	[tilespmem:v33+s24+$0x0] =	vst.idx.msk $0xffff, v4;
	v33 =	vld [tilespmem:$0x1FE70]  }
0x1b3: {  	v63 =	vadd.s32 v42, v27;
	v56 =	vshrl.u32 v24, $0x3  }
0x1b4: {  	v3 =	vadd.f32 v3, v57;
	v24 =	vadd.s32 v41, v27;
	v5 =	vshll.u32 v56, v25  }
0x1b5: {  	v2 =	vadd.f32 v2, v60;
	v30 =	vadd.s32 v43, v27;
	v27 =	vld [tilespmem:$0x1FE80];
	v5 =	vbroadcast v5, $0x0  }
0x1b6: {  	v44 =	vadd.f32 v6, v57;
	v6 =	vld [tilespmem:$0x1FE90];
	[tilespmem:v20+s24+$0x0] =	vst.idx.msk $0xffff, v3  }
0x1b7: {  	v52 =	vld [tilespmem:$0x1FEA0];
	v1 =	vadd.f32 v1, v61;
	[tilespmem:v54+s24+$0x0] =	vst.idx.msk $0xffff, v2;
	v2 =	vadd.s32 v33, v5  }
0x1b8: {  	s16 =	simm.s32 $0x3;
	v0 =	vadd.f32 v0, v58;
	v53 =	vadd.f32 v7, v60;
	v7 =	vld [tilespmem:$0x1FED0]  }
0x1b9: {  	v56 =	vld [tilespmem:$0x1FEC0];
	v20 =	vmov s16;
	v54 =	vadd.f32 v8, v61;
	[tilespmem:v24+s24+$0x0] =	vst.idx.msk $0xffff, v1  }
0x1ba: {  	v28 =	vld [tilespmem:$0x1FEB0];
	v20 =	vshrl.u32 v20, $0x3;
	v8 =	vadd.f32 v21, v61;
	v27 =	vadd.s32 v27, v5;
	[tilespmem:v63+s24+$0x0] =	vst.idx.msk $0xffff, v0  }
0x1bb: {  	v20 =	vshll.u32 v20, v25;
	v6 =	vadd.s32 v6, v5;
	[tilespmem:v30+s24+$0x0] =	vst.idx.msk $0xffff, v44  }
0x1bc: {  	v20 =	vbroadcast v20, $0x0;
	v63 =	vadd.f32 v9, v58;
	v33 =	vadd.f32 v10, v57;
	[tilespmem:v2+s24+$0x0] =	vst.idx.msk $0xffff, v53;
	v53 =	vld [tilespmem:$0x1FEE0]  }
0x1bd: {  	v0 =	vadd.s32 v52, v5;
	v52 =	vadd.f32 v12, v61;
	v10 =	vadd.f32 v26, v60  }
0x1be: {  	s17 =	simm.s32 $0x4;
	v12 =	vadd.f32 v29, v61;
	v3 =	vadd.s32 v56, v20;
	v7 =	vadd.s32 v7, v20  }
0x1bf: {  	v30 =	vmov s17;
	v44 =	vadd.f32 v11, v60;
	v2 =	vadd.s32 v28, v20;
	v28 =	vld [tilespmem:$0x1FEF0];
	[tilespmem:v27+s24+$0x0] =	vst.idx.msk $0xffff, v54  }
0x1c0: {  	v56 =	vadd.f32 v14, v57;
	v11 =	vadd.f32 v31, v58;
	v4 =	vshrl.u32 v30, $0x3;
	[tilespmem:v6+s24+$0x0] =	vst.idx.msk $0xffff, v63;
	v6 =	vld [tilespmem:$0x1FF00]  }
0x1c1: {  	v14 =	vadd.f32 v34, v60;
	v4 =	vshll.u32 v4, v25;
	v1 =	vadd.s32 v53, v20  }
0x1c2: {  	s15 =	simm.s32 $0x5;
	v9 =	vld [tilespmem:$0x1FF20];
	v30 =	vadd.f32 v15, v60;
	v15 =	vadd.f32 v19, v60;
	v4 =	vbroadcast v4, $0x0;
	[tilespmem:v0+s24+$0x0] =	vst.idx.msk $0xffff, v33  }
0x1c3: {  	v54 =	vadd.f32 v13, v58;
	v13 =	vadd.f32 v17, v58;
	v63 =	vmov s15;
	[tilespmem:v3+s24+$0x0] =	vst.idx.msk $0xffff, v44  }
0x1c4: {  	v0 =	vshrl.u32 v63, $0x3;
	v33 =	vadd.f32 v18, v57;
	[tilespmem:v2+s24+$0x0] =	vst.idx.msk $0xffff, v52;
	v2 =	vadd.s32 v28, v4  }
0x1c5: {  	v0 =	vshll.u32 v0, v25;
	[tilespmem:v7+s24+$0x0] =	vst.idx.msk $0xffff, v54;
	v6 =	vadd.s32 v6, v4  }
0x1c6: {  	s16 =	simm.s32 $0x6;
	v63 =	vadd.f32 v22, v58;
	v44 =	vadd.s32 v55, v4;
	v0 =	vbroadcast v0, $0x0;
	[tilespmem:v1+s24+$0x0] =	vst.idx.msk $0xffff, v56;
	v56 =	vld [tilespmem:$0x1FF50]  }
0x1c7: {  	s17 =	simm.s32 $0x7;
	v53 =	vmov s16;
	v7 =	vadd.f32 v16, v61;
	v4 =	vadd.s32 v9, v4  }
0x1c8: {  	v3 =	vshrl.u32 v53, $0x3;
	v54 =	vmov s17;
	v52 =	vadd.s32 v45, v0  }
0x1c9: {  	v53 =	vld [tilespmem:$0x1FFA0];
	v9 =	vadd.f32 v23, v57;
	v3 =	vshll.u32 v3, v25;
	v55 =	vshrl.u32 v54, $0x3;
	[tilespmem:v2+s24+$0x0] =	vst.idx.msk $0xffff, v30  }
0x1ca: {  	v17 =	vadd.s32 v46, v0;
	v16 =	vbroadcast v3, $0x0;
	v23 =	vshll.u32 v55, v25;
	v55 =	vld [tilespmem:$0x1FF90];
	[tilespmem:v6+s24+$0x0] =	vst.idx.msk $0xffff, v7  }
0x1cb: {  	v19 =	vadd.s32 v47, v0;
	v54 =	vld [tilespmem:$0x1FFD0];
	[tilespmem:v44+s24+$0x0] =	vst.idx.msk $0xffff, v13;
	v18 =	vadd.s32 v56, v0  }
0x1cc: {  	v21 =	vadd.s32 v48, v16;
	v20 =	vadd.s32 v49, v16;
	v44 =	vld [tilespmem:$0x1FFB0];
	[tilespmem:v4+s24+$0x0] =	vst.idx.msk $0xffff, v33  }
0x1cd: {  	s14 =	simm.s32 $0xF;
	v13 =	vadd.f32 v32, v57;
	[tilespmem:v52+s24+$0x0] =	vst.idx.msk $0xffff, v15;
	v15 =	vadd.f32 v35, v61;
	v52 =	vld [tilespmem:$0x1FFC0]  }
.LBB2_13:
0x1ce: {  	_ = 	snop  }
0x1cf: {  	v0 =	vadd.s32 v55, v16;
	v1 =	vbroadcast v23, $0x0;
	v34 =	vld [tilespmem:$0x1FFE0];
	[tilespmem:v17+s24+$0x0] =	vst.idx.msk $0xffff, v8  }
0x1d0: {  	v2 =	vadd.s32 v53, v16;
	[tilespmem:v18+s24+$0x0] =	vst.idx.msk $0xffff, v63  }
0x1d1: {  	s15 =	smov.u32 s14;
	v3 =	vadd.s32 v44, v1;
	[tilespmem:v19+s24+$0x0] =	vst.idx.msk $0xffff, v9  }
0x1d2: {  	s17 =	sadd.s32 $0xFFFFFFFA, s15;
	v4 =	vadd.s32 v52, v1;
	[tilespmem:v21+s24+$0x0] =	vst.idx.msk $0xffff, v10  }
0x1d3: {  	v5 =	vadd.s32 v54, v1;
	v16 =	vmov s17;
	[tilespmem:v20+s24+$0x0] =	vst.idx.msk $0xffff, v12  }
0x1d4: {  	v16 =	vshrl.u32 v16, $0x3;
	[tilespmem:v0+s24+$0x0] =	vst.idx.msk $0xffff, v11;
	v0 =	vadd.s32 v34, v1  }
0x1d5: {  	v16 =	vshll.u32 v16, v25;
	[tilespmem:v2+s24+$0x0] =	vst.idx.msk $0xffff, v13  }
0x1d6: {  	v35 =	vadd.f32 v62, v58;
	v16 =	vbroadcast v16, $0x0;
	[tilespmem:v3+s24+$0x0] =	vst.idx.msk $0xffff, v14  }
0x1d7: {  	v62 =	vadd.f32 v59, v57;
	[tilespmem:v4+s24+$0x0] =	vst.idx.msk $0xffff, v15  }
0x1d8: {  	v27 =	vadd.s32 v40, v16;
	v31 =	vadd.s32 v42, v16;
	v42 =	vld [tilespmem:$0x1FE70];
	[tilespmem:v5+s24+$0x0] =	vst.idx.msk $0xffff, v35  }
0x1d9: {  	s10 =	sadd.s32 $0x400, s10;
	v29 =	vadd.s32 v41, v16;
	v16 =	vadd.s32 v43, v16;
	v43 =	vld [tilespmem:$0x1FEA0];
	[tilespmem:v0+s24+$0x0] =	vst.idx.msk $0xffff, v62  }
0x1da: {  	v59 =	vld [tilespmem:s10+$0x1B0]  }
0x1db: {  	v62 =	vld [tilespmem:s10+$0x1A0]  }
0x1dc: {  	v0 =	vld [tilespmem:s10+$0xFFFFFEA0]  }
0x1dd: {  	v1 =	vld [tilespmem:s10+$0xFFFFFE90]  }
0x1de: {  	v2 =	vld [tilespmem:s10+$0xFFFFFE80]  }
0x1df: {  	v3 =	vld [tilespmem:s10+$0xFFFFFE30]  }
0x1e0: {  	v4 =	vld [tilespmem:s10+$0xFFFFFE20]  }
0x1e1: {  	v5 =	vld [tilespmem:s10+$0xFFFFFE10]  }
0x1e2: {  	v6 =	vld [tilespmem:s10+$0xFFFFFEB0]  }
0x1e3: {  	v7 =	vld [tilespmem:s10+$0xFFFFFF00]  }
0x1e4: {  	v8 =	vld [tilespmem:s10+$0xFFFFFF10]  }
0x1e5: {  	v9 =	vld [tilespmem:s10+$0xFFFFFF20]  }
0x1e6: {  	v10 =	vld [tilespmem:s10+$0xFFFFFF30]  }
0x1e7: {  	v12 =	vld [tilespmem:s10+$0xFFFFFF80]  }
0x1e8: {  	v13 =	vld [tilespmem:s10+$0xFFFFFF90]  }
0x1e9: {  	v14 =	vld [tilespmem:s10+$0xFFFFFFA0]  }
0x1ea: {  	v15 =	vld [tilespmem:s10+$0xFFFFFFB0]  }
0x1eb: {  	v17 =	vld [tilespmem:s10+$0x0]  }
0x1ec: {  	v19 =	vld [tilespmem:s10+$0x10]  }
0x1ed: {  	v21 =	vld [tilespmem:s10+$0x20]  }
0x1ee: {  	v23 =	vld [tilespmem:s10+$0x30]  }
0x1ef: {  	v26 =	vld [tilespmem:s10+$0x80]  }
0x1f0: {  	v28 =	vld [tilespmem:s10+$0x90]  }
0x1f1: {  	s16 =	sadd.s32 $0xFFFFFFF9, s15;
	v30 =	vld [tilespmem:s10+$0xA0]  }
0x1f2: {  	v11 =	vmov s16;
	v32 =	vld [tilespmem:s10+$0xB0]  }
0x1f3: {  	v11 =	vshrl.u32 v11, $0x3;
	v33 =	vld [tilespmem:s10+$0xFFFFFE00]  }
0x1f4: {  	s17 =	sadd.s32 $0xFFFFFFFB, s15;
	v11 =	vshll.u32 v11, v25;
	v34 =	vld [tilespmem:s10+$0x100]  }
0x1f5: {  	v24 =	vmov s17;
	v11 =	vbroadcast v11, $0x0;
	v35 =	vld [tilespmem:s10+$0x110]  }
0x1f6: {  	v24 =	vshrl.u32 v24, $0x3;
	v41 =	vadd.f32 v8, v61;
	v8 =	vld [tilespmem:$0x1FE80]  }
0x1f7: {  	v24 =	vshll.u32 v24, v25;
	v18 =	vadd.s32 v36, v11;
	v20 =	vadd.s32 v37, v11;
	v37 =	vld [tilespmem:s10+$0x120]  }
0x1f8: {  	s17 =	sadd.s32 $0xFFFFFFFC, s15;
	v24 =	vbroadcast v24, $0x0;
	v40 =	vld [tilespmem:s10+$0x130]  }
0x1f9: {  	v63 =	vmov s17;
	v22 =	vadd.s32 v38, v11;
	v11 =	vadd.s32 v39, v11;
	v36 =	vld [tilespmem:s10+$0x180]  }
0x1fa: {  	v38 =	vadd.s32 v42, v24;
	v39 =	vadd.s32 v43, v24;
	v43 =	vld [tilespmem:s10+$0x190];
	v33 =	vadd.f32 v33, v60  }
0x1fb: {  	v5 =	vadd.f32 v5, v61;
	v42 =	vadd.s32 v8, v24;
	v8 =	vshrl.u32 v63, $0x3;
	v63 =	vld [tilespmem:$0x1FE90]  }
0x1fc: {  	v4 =	vadd.f32 v4, v58;
	[tilespmem:v18+s24+$0x0] =	vst.idx.msk $0xffff, v33;
	v33 =	vld [tilespmem:$0x1FED0]  }
0x1fd: {  	v3 =	vadd.f32 v3, v57;
	[tilespmem:v20+s24+$0x0] =	vst.idx.msk $0xffff, v5  }
0x1fe: {  	v2 =	vadd.f32 v2, v60;
	[tilespmem:v22+s24+$0x0] =	vst.idx.msk $0xffff, v4;
	v8 =	vshll.u32 v8, v25  }
0x1ff: {  	v1 =	vadd.f32 v1, v61;
	v0 =	vadd.f32 v0, v58;
	[tilespmem:v11+s24+$0x0] =	vst.idx.msk $0xffff, v3;
	v8 =	vbroadcast v8, $0x0  }
0x200: {  	v6 =	vadd.f32 v6, v57;
	[tilespmem:v27+s24+$0x0] =	vst.idx.msk $0xffff, v2;
	v24 =	vadd.s32 v63, v24;
	v63 =	vld [tilespmem:$0x1FEB0]  }
0x201: {  	v9 =	vadd.f32 v9, v58;
	[tilespmem:v29+s24+$0x0] =	vst.idx.msk $0xffff, v1;
	v4 =	vadd.s32 v33, v8;
	v33 =	vld [tilespmem:$0x1FEC0]  }
0x202: {  	s17 =	sadd.s32 $0xFFFFFFFD, s15;
	v10 =	vadd.f32 v10, v57;
	v7 =	vadd.f32 v7, v60;
	[tilespmem:v31+s24+$0x0] =	vst.idx.msk $0xffff, v0  }
0x203: {  	v12 =	vadd.f32 v12, v60;
	v13 =	vadd.f32 v13, v61;
	v11 =	vmov s17;
	[tilespmem:v16+s24+$0x0] =	vst.idx.msk $0xffff, v6  }
0x204: {  	v18 =	vadd.f32 v19, v61;
	v19 =	vadd.f32 v21, v58;
	s17 =	sadd.s32 $0xFFFFFFFE, s15;
	v11 =	vshrl.u32 v11, $0x3;
	v29 =	vld [tilespmem:$0x1FEE0];
	[tilespmem:v38+s24+$0x0] =	vst.idx.msk $0xffff, v7  }
0x205: {  	v6 =	vmov s17;
	[tilespmem:v42+s24+$0x0] =	vst.idx.msk $0xffff, v41;
	v3 =	vadd.s32 v63, v8;
	v63 =	vshll.u32 v11, v25;
	v11 =	vld [tilespmem:$0x1FEF0]  }
0x206: {  	v5 =	vadd.f32 v14, v58;
	v6 =	vshrl.u32 v6, $0x3;
	v2 =	vadd.s32 v33, v8;
	[tilespmem:v24+s24+$0x0] =	vst.idx.msk $0xffff, v9;
	v9 =	vld [tilespmem:$0x1FF00]  }
0x207: {  	v14 =	vadd.f32 v15, v57;
	v15 =	vadd.f32 v17, v60;
	v7 =	vld [tilespmem:$0x1FE20];
	v6 =	vshll.u32 v6, v25  }
0x208: {  	v31 =	vbroadcast v6, $0x0;
	v1 =	vbroadcast v63, $0x0;
	v63 =	vadd.f32 v30, v58;
	v30 =	vld [tilespmem:$0x1FF20]  }
0x209: {  	v20 =	vadd.f32 v23, v57;
	v22 =	vadd.f32 v26, v60;
	v0 =	vadd.s32 v29, v8  }
0x20a: {  	v17 =	vadd.s32 v46, v31;
	[tilespmem:v39+s24+$0x0] =	vst.idx.msk $0xffff, v10;
	v16 =	vadd.s32 v11, v1  }
0x20b: {  	v8 =	vadd.f32 v28, v61;
	[tilespmem:v2+s24+$0x0] =	vst.idx.msk $0xffff, v12;
	v21 =	vadd.s32 v9, v1  }
0x20c: {  	s17 =	sadd.s32 $0xFFFFFFFF, s15;
	v10 =	vadd.f32 v34, v60;
	v7 =	vadd.s32 v7, v1;
	[tilespmem:v3+s24+$0x0] =	vst.idx.msk $0xffff, v13  }
0x20d: {  	v33 =	vmov s17;
	v12 =	vadd.f32 v35, v61;
	v1 =	vadd.s32 v30, v1;
	[tilespmem:v4+s24+$0x0] =	vst.idx.msk $0xffff, v5  }
0x20e: {  	p0 =	sne.s32 s14, $0x7F;
	v38 =	vld [tilespmem:$0x1FF40];
	v34 =	vshrl.u32 v33, $0x3;
	v9 =	vadd.f32 v32, v57;
	v32 =	vadd.s32 v45, v31;
	[tilespmem:v0+s24+$0x0] =	vst.idx.msk $0xffff, v14  }
.Ltmp6:
0x20f: {  	v41 =	vld [tilespmem:$0x1FF80];
	v35 =	vmov s15;
	v11 =	vadd.f32 v37, v58;
	v0 =	vshll.u32 v34, v25;
	[tilespmem:v16+s24+$0x0] =	vst.idx.msk $0xffff, v15;
	(pc) =	sbr.rel @p0 .LBB2_13-.Ltmp6, $4  }
0x210: {  	v39 =	vld [tilespmem:$0x1FF60];
	v13 =	vadd.f32 v40, v57;
	v14 =	vadd.f32 v36, v60;
	v16 =	vbroadcast v0, $0x0;
	[tilespmem:v21+s24+$0x0] =	vst.idx.msk $0xffff, v18  }
0x211: {  	v37 =	vld [tilespmem:$0x1FF30];
	v0 =	vshrl.u32 v35, $0x3;
	v15 =	vadd.f32 v43, v61;
	v18 =	vadd.s32 v56, v31;
	[tilespmem:v7+s24+$0x0] =	vst.idx.msk $0xffff, v19  }
0x212: {  	v42 =	vmov v50;
	v40 =	vld [tilespmem:$0x1FF70];
	v23 =	vshll.u32 v0, v25;
	v19 =	vadd.s32 v47, v31;
	[tilespmem:v1+s24+$0x0] =	vst.idx.msk $0xffff, v20  }
0x213: {  	s14 =	sadd.s32 $0x8, s14;
	v36 =	vld [tilespmem:$0x1FF10];
	v43 =	vmov v51;
	v21 =	vadd.s32 v48, v16;
	v20 =	vadd.s32 v49, v16;
	[tilespmem:v32+s24+$0x0] =	vst.idx.msk $0xffff, v22  }
0x214: {  	_ =	sdelay $0x3  }
0x215: {  	[tilespmem:v17+s24+$0x0] =	vst.idx.msk $0xffff, v8;
	v0 =	vadd.s32 v55, v16;
	v1 =	vbroadcast v23, $0x0;
	v61 =	vld [tilespmem:$0x1FFE0]  }
0x216: {  	v2 =	vadd.s32 v53, v16;
	[tilespmem:v18+s24+$0x0] =	vst.idx.msk $0xffff, v63  }
0x217: {  	[tilespmem:v19+s24+$0x0] =	vst.idx.msk $0xffff, v9;
	v3 =	vadd.s32 v44, v1  }
0x218: {  	v4 =	vadd.s32 v52, v1;
	[tilespmem:v21+s24+$0x0] =	vst.idx.msk $0xffff, v10  }
0x219: {  	v5 =	vadd.s32 v54, v1;
	[tilespmem:v20+s24+$0x0] =	vst.idx.msk $0xffff, v12  }
0x21a: {  	[tilespmem:v0+s24+$0x0] =	vst.idx.msk $0xffff, v11;
	v0 =	vadd.s32 v61, v1  }
0x21b: {  	[tilespmem:v2+s24+$0x0] =	vst.idx.msk $0xffff, v13  }
0x21c: {  	v62 =	vadd.f32 v62, v58;
	s0 =	sshll.u32 s0, $0x12;
	[tilespmem:v3+s24+$0x0] =	vst.idx.msk $0xffff, v14  }
0x21d: {  	v63 =	vadd.f32 v59, v57;
	s0 =	sor.u32 s7, s0;
	[tilespmem:v4+s24+$0x0] =	vst.idx.msk $0xffff, v15  }
0x21e: {  	s0 =	sshrl.u32 s0, $0x3;
	[tilespmem:v5+s24+$0x0] =	vst.idx.msk $0xffff, v62  }
0x21f: {  	s14 =	simm.s32 $0x1BE00;
	s10 =	sadd.s32 s2, s0;
	[tilespmem:v0+s24+$0x0] =	vst.idx.msk $0xffff, v63  }
0x220: {  	[hbm4b:s10+s3] =	stream.linear.scatter [tilespmem:s14], [sflag:$0x6], $0x80, $0x38;
	[tilespmem:$0x1E000] =	vst v63  }
0x221: {  	s15 =	simm.s32 $0x1BE88;
	s14 =	sadd.s32 $0x10, s10  }
0x222: {  	[hbm4b:s14+s3] =	stream.linear.scatter [tilespmem:s15], [sflag:$0x6], $0x80, $0x38;
	[tilespmem:$0x1E000] =	vst v63  }
0x223: {  	s16 =	simm.s32 $0x1BF10;
	s17 =	sadd.s32 $0x20, s10  }
0x224: {  	[hbm4b:s17+s3] =	stream.linear.scatter [tilespmem:s16], [sflag:$0x6], $0x80, $0x38;
	[tilespmem:$0x1E000] =	vst v63  }
0x225: {  	s14 =	simm.s32 $0x1BF98;
	s15 =	sadd.s32 $0x30, s10  }
0x226: {  	[hbm4b:s15+s3] =	stream.linear.scatter [tilespmem:s14], [sflag:$0x6], $0x80, $0x38;
	[tilespmem:$0x1E000] =	vst v63  }
0x227: {  	s16 =	simm.s32 $0x1C020;
	s17 =	sadd.s32 $0x40, s10  }
0x228: {  	[hbm4b:s17+s3] =	stream.linear.scatter [tilespmem:s16], [sflag:$0x6], $0x80, $0x38;
	[tilespmem:$0x1E000] =	vst v63  }
0x229: {  	s0 =	simm.s32 $0x440;
	s14 =	simm.s32 $0x1C0A8;
	s15 =	sadd.s32 $0x50, s10  }
0x22a: {  	[hbm4b:s15+s3] =	stream.linear.scatter [tilespmem:s14], [sflag:$0x6], $0x80, $0x38;
	[tilespmem:$0x1E000] =	vst v63  }
0x22b: {  	s16 =	simm.s32 $0x1C130;
	s17 =	sadd.s32 $0x60, s10;
	s14 =	simm.s32 $0x2200  }
0x22c: {  	[hbm4b:s17+s3] =	stream.linear.scatter [tilespmem:s16], [sflag:$0x6], $0x80, $0x38;
	[tilespmem:$0x1E000] =	vst v63  }
0x22d: {  	s15 =	simm.s32 $0x1C1B8;
	s16 =	sadd.s32 $0x70, s10;
	s10 =	sadd.s32 $0x1000, s10  }
.LBB2_15:
0x22e: {  	[hbm4b:s16+s3] =	stream.linear.scatter [tilespmem:s15], [sflag:$0x6], $0x80, $0x38;
	[tilespmem:$0x1E000] =	vst v63  }
0x22f: {  	s15 =	smov.u32 s0;
	s0 =	smov.u32 s14  }
0x230: {  	s17 =	sadd.s32 $0x1100, s14;
	s0 =	sshra.s32 s0, $0x2;
	s16 =	sadd.s32 $0x1BE00, s15  }
0x231: {  	[hbm4b:s10+s3] =	stream.linear.scatter [tilespmem:s16], [sflag:$0x6], $0x80, $0x38;
	[tilespmem:$0x1E000] =	vst v63  }
0x232: {  	p0 =	sne.s32 s14, $0x7700;
	s14 =	sadd.s32 $0x1BE88, s15;
	s16 =	sadd.s32 $0x10, s10  }
0x233: {  	[hbm4b:s16+s3] =	stream.linear.scatter [tilespmem:s14], [sflag:$0x6], $0x80, $0x38;
	[tilespmem:$0x1E000] =	vst v63  }
0x234: {  	s14 =	sadd.s32 $0x1BF10, s15;
	s16 =	sadd.s32 $0x20, s10  }
0x235: {  	[hbm4b:s16+s3] =	stream.linear.scatter [tilespmem:s14], [sflag:$0x6], $0x80, $0x38;
	[tilespmem:$0x1E000] =	vst v63  }
0x236: {  	s14 =	sadd.s32 $0x1BF98, s15;
	s16 =	sadd.s32 $0x30, s10  }
0x237: {  	[hbm4b:s16+s3] =	stream.linear.scatter [tilespmem:s14], [sflag:$0x6], $0x80, $0x38;
	[tilespmem:$0x1E000] =	vst v63  }
0x238: {  	s14 =	sadd.s32 $0x1C020, s15;
	s16 =	sadd.s32 $0x40, s10  }
0x239: {  	[hbm4b:s16+s3] =	stream.linear.scatter [tilespmem:s14], [sflag:$0x6], $0x80, $0x38;
	[tilespmem:$0x1E000] =	vst v63  }
.Ltmp7:
0x23a: {  	s14 =	sadd.s32 $0x1C0A8, s15;
	s16 =	sadd.s32 $0x50, s10;
	(pc) =	sbr.rel @p0 .LBB2_15-.Ltmp7, $4  }
0x23b: {  	[hbm4b:s16+s3] =	stream.linear.scatter [tilespmem:s14], [sflag:$0x6], $0x80, $0x38;
	[tilespmem:$0x1E000] =	vst v63  }
0x23c: {  	s14 =	sadd.s32 $0x1C130, s15;
	s16 =	sadd.s32 $0x60, s10;
	s15 =	sadd.s32 $0x1C1B8, s15  }
0x23d: {  	[hbm4b:s16+s3] =	stream.linear.scatter [tilespmem:s14], [sflag:$0x6], $0x80, $0x38;
	[tilespmem:$0x1E000] =	vst v63  }
0x23e: {  	s16 =	sadd.s32 $0x70, s10;
	s10 =	sadd.s32 $0x1000, s10;
	s14 =	smov.u32 s17  }
0x23f: {  	[hbm4b:s16+s3] =	stream.linear.scatter [tilespmem:s15], [sflag:$0x6], $0x80, $0x38;
	[tilespmem:$0x1E000] =	vst v63  }
0x240: {  	s14 =	sadd.s32 $0x1BE00, s0  }
0x241: {  	[hbm4b:s10+s3] =	stream.linear.scatter [tilespmem:s14], [sflag:$0x6], $0x80, $0x38;
	[tilespmem:$0x1E000] =	vst v63  }
0x242: {  	s16 =	sadd.s32 $0x1BE88, s0;
	s17 =	sadd.s32 $0x10, s10  }
0x243: {  	[hbm4b:s17+s3] =	stream.linear.scatter [tilespmem:s16], [sflag:$0x6], $0x80, $0x38;
	[tilespmem:$0x1E000] =	vst v63  }
0x244: {  	s16 =	sadd.s32 $0x1BF10, s0;
	s17 =	sadd.s32 $0x20, s10  }
0x245: {  	[hbm4b:s17+s3] =	stream.linear.scatter [tilespmem:s16], [sflag:$0x6], $0x80, $0x38;
	[tilespmem:$0x1E000] =	vst v63  }
0x246: {  	p0 =	seq.s32 s30, $0x31;
	s16 =	sadd.s32 $0x1BF98, s0;
	s17 =	sadd.s32 $0x30, s10  }
0x247: {  	[hbm4b:s17+s3] =	stream.linear.scatter [tilespmem:s16], [sflag:$0x6], $0x80, $0x38;
	[tilespmem:$0x1E000] =	vst v63  }
0x248: {  	v0 =	vlaneseq.u32 @!p0;
	s14 =	sadd.s32 @!p0 $0x5, s1;
	s16 =	sadd.s32 $0x1C020, s0;
	s17 =	sadd.s32 $0x40, s10  }
0x249: {  	v0 =	vmul.u32 @!p0 $0xD0, v0;
	v1 =	vmov @!p0 s14;
	[hbm4b:s17+s3] =	stream.linear.scatter [tilespmem:s16], [sflag:$0x6], $0x80, $0x38;
	[tilespmem:$0x1E000] =	vst v63  }
0x24a: {  	v1 =	vand.u32 @!p0 $0x1FD, v1;
	s16 =	sadd.s32 $0x1C0A8, s0;
	s17 =	sadd.s32 $0x50, s10  }
0x24b: {  	v3 =	vadd.s32 @!p0 $0xD00, v0;
	v2 =	vadd.s32 @!p0 v0, v1;
	[hbm4b:s17+s3] =	stream.linear.scatter [tilespmem:s16], [sflag:$0x6], $0x80, $0x38;
	[tilespmem:$0x1E000] =	vst v63  }
0x24c: {  	s15 =	sadd.s32 $0x1C130, s0;
	v4 =	vadd.s32 @!p0 $0x1A00, v0;
	v3 =	vadd.s32 @!p0 v3, v1;
	s16 =	sadd.s32 $0x60, s10  }
0x24d: {  	v5 =	vadd.s32 @!p0 $0x2700, v0;
	v4 =	vadd.s32 @!p0 v4, v1;
	[hbm4b:s16+s3] =	stream.linear.scatter [tilespmem:s15], [sflag:$0x6], $0x80, $0x38;
	[tilespmem:$0x1E000] =	vst v63  }
0x24e: {  	s14 =	sadd.s32 $0x70, s10;
	v6 =	vadd.s32 @!p0 $0x3400, v0;
	v5 =	vadd.s32 @!p0 v5, v1;
	s17 =	sadd.s32 $0x1C1B8, s0;
	s0 =	simm.s32 @!p0 $0x0  }
0x24f: {  	v7 =	vadd.s32 @!p0 $0x4100, v0;
	v6 =	vadd.s32 @!p0 v6, v1;
	[hbm4b:s14+s3] =	stream.linear.scatter [tilespmem:s17], [sflag:$0x6], $0x80, $0x38;
	[tilespmem:$0x1E000] =	vst v63  }
0x250: {  	v8 =	vadd.s32 @!p0 $0x4E00, v0;
	v7 =	vadd.s32 @!p0 v7, v1;
	v2 =	vld.idx.msk @!p0 [tilespmem:v2+s0+$0x0], $0xffff  }
0x251: {  	v8 =	vadd.s32 @!p0 v8, v1;
	v0 =	vadd.s32 @!p0 $0x5B00, v0;
	v3 =	vld.idx.msk @!p0 [tilespmem:v3+s0+$0x0], $0xffff  }
0x252: {  	v0 =	vadd.s32 @!p0 v0, v1;
	v4 =	vld.idx.msk @!p0 [tilespmem:v4+s0+$0x0], $0xffff  }
0x253: {  	v1 =	vld.idx.msk @!p0 [tilespmem:v5+s0+$0x0], $0xffff  }
0x254: {  	v5 =	vld.idx.msk @!p0 [tilespmem:v6+s0+$0x0], $0xffff  }
0x255: {  	v6 =	vld.idx.msk @!p0 [tilespmem:v7+s0+$0x0], $0xffff  }
0x256: {  	v7 =	vld.idx.msk @!p0 [tilespmem:v8+s0+$0x0], $0xffff  }
0x257: {  	v0 =	vld.idx.msk @!p0 [tilespmem:v0+s0+$0x0], $0xffff;
	[tilespmem:$0x9A80] =	vst @!p0 v2  }
0x258: {  	[tilespmem:$0x9A90] =	vst @!p0 v3  }
0x259: {  	[tilespmem:$0x9AA0] =	vst @!p0 v4  }
0x25a: {  	[tilespmem:$0x9AB0] =	vst @!p0 v1  }
0x25b: {  	[tilespmem:$0x9AC0] =	vst @!p0 v5  }
0x25c: {  	[tilespmem:$0x9AD0] =	vst @!p0 v6  }
0x25d: {  	[tilespmem:$0x9AE0] =	vst @!p0 v7  }
0x25e: {  	s10 =	simm.s32 @!p0 $0x9A80;
	s14 =	simm.s32 @!p0 $0xDC00;
	s0 =	simm.s32 @!p0 $0x80;
	[tilespmem:$0x9AF0] =	vst @!p0 v0  }
0x25f: {  	[tilespmem:s14], [sflag:$0x2] =	stream.indirect.gather @!p0 [hbm4b:s4+s0], $0x80, s10, s0, $0xb8;
	[tilespmem:$0x1E000] =	vst v63  }
0x260: {  	_ =	swait.ge [sflag:s25], $0x4000  }
0x261: {  	[sflag:s25] =	ssyncset.done $0x0  }
0x262: {  	[sflag:s25] =	ssyncadd.s32 $0xFFFFC000  }
0x263: {  	s0 =	sor.u32 $0x2, s1;
	_ =	swait.ge [sflag:s26], $0x2000  }
0x264: {  	s15 =	sshll.u32 s0, $0x6;
	[sflag:s26] =	ssyncset.done $0x0  }
0x265: {  	s10 =	sand.u32 $0x3FFFFFC0, s15;
	[sflag:s26] =	ssyncadd.s32 $0xFFFFE000  }
0x266: {  	v60 =	vld [tilespmem:s10+$0x6800]  }
0x267: {  	v61 =	vld [tilespmem:s10+$0x6810]  }
0x268: {  	v58 =	vld [tilespmem:s10+$0x6820]  }
0x269: {  	v57 =	vld [tilespmem:s10+$0x6830];
	s10 =	simm.s32 $0x11E00  }
0x26a: {  	v59 =	vld [tilespmem:s10+$0x1B0]  }
0x26b: {  	v62 =	vld [tilespmem:s10+$0x1A0]  }
0x26c: {  	v46 =	vld [tilespmem:s10+$0xFFFFFEA0]  }
0x26d: {  	v47 =	vld [tilespmem:s10+$0xFFFFFE90]  }
0x26e: {  	v48 =	vld [tilespmem:s10+$0xFFFFFE80]  }
0x26f: {  	v49 =	vld [tilespmem:s10+$0xFFFFFE30]  }
0x270: {  	v52 =	vld [tilespmem:s10+$0xFFFFFE20]  }
0x271: {  	v53 =	vld [tilespmem:s10+$0xFFFFFE10]  }
0x272: {  	v6 =	vld [tilespmem:s10+$0xFFFFFEB0]  }
0x273: {  	v7 =	vld [tilespmem:s10+$0xFFFFFF00]  }
0x274: {  	v8 =	vld [tilespmem:s10+$0xFFFFFF10]  }
0x275: {  	v9 =	vld [tilespmem:s10+$0xFFFFFF20]  }
0x276: {  	v10 =	vld [tilespmem:s10+$0xFFFFFF30]  }
0x277: {  	v11 =	vld [tilespmem:s10+$0xFFFFFF80]  }
0x278: {  	v12 =	vld [tilespmem:s10+$0xFFFFFF90]  }
0x279: {  	v13 =	vld [tilespmem:s10+$0xFFFFFFA0]  }
0x27a: {  	v14 =	vld [tilespmem:s10+$0xFFFFFFB0]  }
0x27b: {  	v15 =	vld [tilespmem:s10+$0x0]  }
0x27c: {  	v16 =	vld [tilespmem:s10+$0x10]  }
0x27d: {  	v17 =	vld [tilespmem:s10+$0x20]  }
0x27e: {  	v18 =	vld [tilespmem:s10+$0x30]  }
0x27f: {  	s16 =	simm.s32 $0x0;
	v19 =	vld [tilespmem:s10+$0x80]  }
0x280: {  	v20 =	vmov s16;
	v21 =	vld [tilespmem:s10+$0x90]  }
0x281: {  	v20 =	vshrl.u32 v20, $0x3;
	v22 =	vld [tilespmem:s10+$0xA0]  }
0x282: {  	v20 =	vshll.u32 v20, v25;
	v23 =	vld [tilespmem:s10+$0xB0]  }
0x283: {  	s17 =	simm.s32 $0x1;
	v20 =	vbroadcast v20, $0x0;
	v24 =	vld [tilespmem:s10+$0xFFFFFE00]  }
0x284: {  	v27 =	vmov s17;
	v26 =	vld [tilespmem:s10+$0x100]  }
0x285: {  	v27 =	vshrl.u32 v27, $0x3;
	v28 =	vadd.s32 v36, v20;
	v29 =	vld [tilespmem:s10+$0x110]  }
0x286: {  	v27 =	vshll.u32 v27, v25;
	v31 =	vld [tilespmem:s10+$0x120]  }
0x287: {  	v30 =	vadd.s32 v37, v20;
	v27 =	vbroadcast v27, $0x0;
	v32 =	vld [tilespmem:s10+$0x130]  }
0x288: {  	v33 =	vadd.s32 v38, v20;
	v20 =	vadd.s32 v39, v20;
	v34 =	vld [tilespmem:s10+$0x180];
	v24 =	vadd.f32 v24, v60  }
0x289: {  	v54 =	vadd.s32 v40, v27;
	v56 =	vadd.s32 v42, v27;
	v63 =	vadd.s32 v43, v27;
	s15 =	simm.s32 $0x2;
	v35 =	vld [tilespmem:s10+$0x190]  }
0x28a: {  	v5 =	vadd.f32 v53, v61;
	v4 =	vadd.f32 v52, v58;
	[tilespmem:v28+s21+$0x0] =	vst.idx.msk $0xffff, v24;
	v24 =	vmov s15;
	v28 =	vld [tilespmem:$0x1FE70]  }
0x28b: {  	v3 =	vadd.f32 v49, v57;
	v55 =	vshrl.u32 v24, $0x3;
	v24 =	vadd.s32 v41, v27;
	v27 =	vld [tilespmem:$0x1FE80]  }
0x28c: {  	[tilespmem:v30+s21+$0x0] =	vst.idx.msk $0xffff, v5;
	v30 =	vadd.f32 v6, v57;
	v6 =	vld [tilespmem:$0x1FE90];
	v5 =	vshll.u32 v55, v25  }
0x28d: {  	v2 =	vadd.f32 v48, v60;
	[tilespmem:v33+s21+$0x0] =	vst.idx.msk $0xffff, v4;
	v5 =	vbroadcast v5, $0x0  }
0x28e: {  	s16 =	simm.s32 $0x3;
	v1 =	vadd.f32 v47, v61;
	v33 =	vld [tilespmem:$0x1FEA0];
	[tilespmem:v20+s21+$0x0] =	vst.idx.msk $0xffff, v3  }
0x28f: {  	v0 =	vadd.f32 v46, v58;
	v46 =	vld [tilespmem:$0x1FEC0];
	v20 =	vmov s16;
	[tilespmem:v54+s21+$0x0] =	vst.idx.msk $0xffff, v2;
	v2 =	vadd.s32 v28, v5  }
0x290: {  	v48 =	vld [tilespmem:$0x1FEB0];
	v20 =	vshrl.u32 v20, $0x3;
	v27 =	vadd.s32 v27, v5  }
0x291: {  	v20 =	vshll.u32 v20, v25;
	[tilespmem:v24+s21+$0x0] =	vst.idx.msk $0xffff, v1;
	v6 =	vadd.s32 v6, v5  }
0x292: {  	v44 =	vadd.f32 v7, v60;
	v20 =	vbroadcast v20, $0x0;
	[tilespmem:v56+s21+$0x0] =	vst.idx.msk $0xffff, v0  }
0x293: {  	v45 =	vadd.f32 v8, v61;
	v7 =	vld [tilespmem:$0x1FED0];
	v0 =	vadd.s32 v33, v5;
	[tilespmem:v63+s21+$0x0] =	vst.idx.msk $0xffff, v30  }
0x294: {  	s17 =	simm.s32 $0x4;
	v47 =	vadd.f32 v9, v58;
	v55 =	vld [tilespmem:$0x1FEE0];
	v3 =	vadd.s32 v46, v20;
	[tilespmem:v2+s21+$0x0] =	vst.idx.msk $0xffff, v44  }
0x295: {  	v49 =	vmov s17;
	v30 =	vld [tilespmem:$0x1FEF0];
	v2 =	vadd.s32 v48, v20;
	[tilespmem:v27+s21+$0x0] =	vst.idx.msk $0xffff, v45  }
0x296: {  	v52 =	vadd.f32 v10, v57;
	v4 =	vshrl.u32 v49, $0x3;
	[tilespmem:v6+s21+$0x0] =	vst.idx.msk $0xffff, v47;
	v6 =	vld [tilespmem:$0x1FF00]  }
0x297: {  	v53 =	vadd.f32 v11, v60;
	v4 =	vshll.u32 v4, v25;
	v45 =	vld [tilespmem:$0x1FE20]  }
0x298: {  	v9 =	vld [tilespmem:$0x1FF20];
	v54 =	vadd.f32 v12, v61;
	v4 =	vbroadcast v4, $0x0;
	v7 =	vadd.s32 v7, v20;
	[tilespmem:v0+s21+$0x0] =	vst.idx.msk $0xffff, v52  }
0x299: {  	v1 =	vadd.s32 v55, v20;
	[tilespmem:v3+s21+$0x0] =	vst.idx.msk $0xffff, v53  }
0x29a: {  	[tilespmem:v2+s21+$0x0] =	vst.idx.msk $0xffff, v54;
	v2 =	vadd.s32 v30, v4  }
0x29b: {  	s15 =	simm.s32 $0x5;
	v56 =	vadd.f32 v13, v58;
	v6 =	vadd.s32 v6, v4  }
0x29c: {  	s17 =	simm.s32 $0x7;
	v28 =	vmov s15;
	v63 =	vadd.f32 v14, v57;
	v46 =	vld [tilespmem:$0x1FFF0];
	v5 =	vadd.s32 v45, v4  }
0x29d: {  	v33 =	vadd.f32 v15, v60;
	v55 =	vld [tilespmem:$0x1FE30];
	v48 =	vmov s17;
	[tilespmem:v7+s21+$0x0] =	vst.idx.msk $0xffff, v56;
	v4 =	vadd.s32 v9, v4  }
0x29e: {  	v49 =	vshrl.u32 v48, $0x3;
	v48 =	vld [tilespmem:$0x1FFB0];
	v0 =	vshrl.u32 v28, $0x3;
	v7 =	vadd.f32 v16, v61;
	[tilespmem:v1+s21+$0x0] =	vst.idx.msk $0xffff, v63  }
0x29f: {  	v13 =	vadd.f32 v17, v58;
	v0 =	vshll.u32 v0, v25;
	v53 =	vld [tilespmem:$0x1FE40];
	[tilespmem:v2+s21+$0x0] =	vst.idx.msk $0xffff, v33  }
0x2a0: {  	v8 =	vadd.f32 v21, v61;
	s16 =	simm.s32 $0x6;
	v44 =	vadd.f32 v18, v57;
	v0 =	vbroadcast v0, $0x0;
	v45 =	vld [tilespmem:$0x1FF50];
	[tilespmem:v6+s21+$0x0] =	vst.idx.msk $0xffff, v7  }
0x2a1: {  	v10 =	vadd.f32 v26, v60;
	v11 =	vadd.f32 v31, v58;
	v47 =	vmov s16;
	v54 =	vld [tilespmem:$0x1FE60];
	[tilespmem:v5+s21+$0x0] =	vst.idx.msk $0xffff, v13  }
0x2a2: {  	v12 =	vadd.f32 v29, v61;
	v3 =	vshrl.u32 v47, $0x3;
	v2 =	vadd.s32 v46, v0;
	[tilespmem:v4+s21+$0x0] =	vst.idx.msk $0xffff, v44;
	v44 =	vld [tilespmem:$0x1FE50]  }
0x2a3: {  	v15 =	vadd.f32 v19, v60;
	v14 =	vadd.f32 v34, v60;
	v52 =	vld [tilespmem:$0x1FFE0];
	v3 =	vshll.u32 v3, v25  }
0x2a4: {  	v16 =	vbroadcast v3, $0x0;
	v63 =	vadd.f32 v22, v58;
	v17 =	vadd.s32 v55, v0;
	v46 =	vld [tilespmem:$0x1FF90]  }
0x2a5: {  	v47 =	vld [tilespmem:$0x1FFA0];
	v9 =	vadd.f32 v23, v57;
	v23 =	vshll.u32 v49, v25;
	v18 =	vadd.s32 v45, v0  }
0x2a6: {  	v56 =	vld [tilespmem:$0x1FFD0];
	v19 =	vadd.s32 v53, v0;
	v20 =	vadd.s32 v54, v16;
	v13 =	vadd.f32 v32, v57  }
0x2a7: {  	s14 =	simm.s32 $0xF;
	v49 =	vld [tilespmem:$0x1FFC0];
	[tilespmem:v2+s21+$0x0] =	vst.idx.msk $0xffff, v15;
	v15 =	vadd.f32 v35, v61;
	v21 =	vadd.s32 v44, v16  }
.LBB2_17:
0x2a8: {  	_ = 	snop  }
0x2a9: {  	v0 =	vadd.s32 v46, v16;
	v1 =	vbroadcast v23, $0x0;
	[tilespmem:v17+s21+$0x0] =	vst.idx.msk $0xffff, v8  }
0x2aa: {  	v2 =	vadd.s32 v47, v16;
	[tilespmem:v18+s21+$0x0] =	vst.idx.msk $0xffff, v63  }
0x2ab: {  	s15 =	smov.u32 s14;
	v3 =	vadd.s32 v48, v1;
	[tilespmem:v19+s21+$0x0] =	vst.idx.msk $0xffff, v9  }
0x2ac: {  	s17 =	sadd.s32 $0xFFFFFFFA, s15;
	v4 =	vadd.s32 v49, v1;
	[tilespmem:v21+s21+$0x0] =	vst.idx.msk $0xffff, v10  }
0x2ad: {  	v5 =	vadd.s32 v56, v1;
	v16 =	vmov s17;
	[tilespmem:v20+s21+$0x0] =	vst.idx.msk $0xffff, v12  }
0x2ae: {  	v34 =	vadd.s32 v52, v1;
	v16 =	vshrl.u32 v16, $0x3;
	[tilespmem:v0+s21+$0x0] =	vst.idx.msk $0xffff, v11  }
0x2af: {  	v16 =	vshll.u32 v16, v25;
	[tilespmem:v2+s21+$0x0] =	vst.idx.msk $0xffff, v13  }
0x2b0: {  	v35 =	vadd.f32 v62, v58;
	v16 =	vbroadcast v16, $0x0;
	[tilespmem:v3+s21+$0x0] =	vst.idx.msk $0xffff, v14  }
0x2b1: {  	v62 =	vadd.f32 v59, v57;
	[tilespmem:v4+s21+$0x0] =	vst.idx.msk $0xffff, v15  }
0x2b2: {  	v27 =	vadd.s32 v40, v16;
	v31 =	vadd.s32 v42, v16;
	v42 =	vld [tilespmem:$0x1FE70];
	[tilespmem:v5+s21+$0x0] =	vst.idx.msk $0xffff, v35  }
0x2b3: {  	s10 =	sadd.s32 $0x400, s10;
	v29 =	vadd.s32 v41, v16;
	v16 =	vadd.s32 v43, v16;
	v43 =	vld [tilespmem:$0x1FEA0];
	[tilespmem:v34+s21+$0x0] =	vst.idx.msk $0xffff, v62  }
0x2b4: {  	v59 =	vld [tilespmem:s10+$0x1B0]  }
0x2b5: {  	v62 =	vld [tilespmem:s10+$0x1A0]  }
0x2b6: {  	v0 =	vld [tilespmem:s10+$0xFFFFFEA0]  }
0x2b7: {  	v1 =	vld [tilespmem:s10+$0xFFFFFE90]  }
0x2b8: {  	v2 =	vld [tilespmem:s10+$0xFFFFFE80]  }
0x2b9: {  	v3 =	vld [tilespmem:s10+$0xFFFFFE30]  }
0x2ba: {  	v4 =	vld [tilespmem:s10+$0xFFFFFE20]  }
0x2bb: {  	v5 =	vld [tilespmem:s10+$0xFFFFFE10]  }
0x2bc: {  	v6 =	vld [tilespmem:s10+$0xFFFFFEB0]  }
0x2bd: {  	v7 =	vld [tilespmem:s10+$0xFFFFFF00]  }
0x2be: {  	v8 =	vld [tilespmem:s10+$0xFFFFFF10]  }
0x2bf: {  	v9 =	vld [tilespmem:s10+$0xFFFFFF20]  }
0x2c0: {  	v10 =	vld [tilespmem:s10+$0xFFFFFF30]  }
0x2c1: {  	v12 =	vld [tilespmem:s10+$0xFFFFFF80]  }
0x2c2: {  	v13 =	vld [tilespmem:s10+$0xFFFFFF90]  }
0x2c3: {  	v14 =	vld [tilespmem:s10+$0xFFFFFFA0]  }
0x2c4: {  	v15 =	vld [tilespmem:s10+$0xFFFFFFB0]  }
0x2c5: {  	v17 =	vld [tilespmem:s10+$0x0]  }
0x2c6: {  	v19 =	vld [tilespmem:s10+$0x10]  }
0x2c7: {  	v21 =	vld [tilespmem:s10+$0x20]  }
0x2c8: {  	v23 =	vld [tilespmem:s10+$0x30]  }
0x2c9: {  	v26 =	vld [tilespmem:s10+$0x80]  }
0x2ca: {  	s16 =	sadd.s32 $0xFFFFFFF9, s15;
	v28 =	vld [tilespmem:s10+$0x90]  }
0x2cb: {  	v11 =	vmov s16;
	v30 =	vld [tilespmem:s10+$0xA0]  }
0x2cc: {  	v11 =	vshrl.u32 v11, $0x3;
	v32 =	vld [tilespmem:s10+$0xB0]  }
0x2cd: {  	v11 =	vshll.u32 v11, v25;
	v33 =	vld [tilespmem:s10+$0xFFFFFE00]  }
0x2ce: {  	s17 =	sadd.s32 $0xFFFFFFFB, s15;
	v11 =	vbroadcast v11, $0x0;
	v34 =	vld [tilespmem:s10+$0x100]  }
0x2cf: {  	v24 =	vmov s17;
	v35 =	vld [tilespmem:s10+$0x110]  }
0x2d0: {  	v24 =	vshrl.u32 v24, $0x3;
	v18 =	vadd.s32 v36, v11;
	v41 =	vadd.f32 v8, v61;
	v8 =	vld [tilespmem:$0x1FE80]  }
0x2d1: {  	v24 =	vshll.u32 v24, v25;
	v20 =	vadd.s32 v37, v11;
	v37 =	vld [tilespmem:s10+$0x120]  }
0x2d2: {  	s17 =	sadd.s32 $0xFFFFFFFC, s15;
	v24 =	vbroadcast v24, $0x0;
	v22 =	vadd.s32 v38, v11;
	v40 =	vld [tilespmem:s10+$0x130]  }
0x2d3: {  	v63 =	vmov s17;
	v11 =	vadd.s32 v39, v11;
	v36 =	vld [tilespmem:s10+$0x180];
	v33 =	vadd.f32 v33, v60  }
0x2d4: {  	v38 =	vadd.s32 v42, v24;
	v39 =	vadd.s32 v43, v24;
	v43 =	vld [tilespmem:s10+$0x190];
	v5 =	vadd.f32 v5, v61  }
0x2d5: {  	v4 =	vadd.f32 v4, v58;
	[tilespmem:v18+s21+$0x0] =	vst.idx.msk $0xffff, v33;
	v42 =	vadd.s32 v8, v24;
	v8 =	vshrl.u32 v63, $0x3;
	v63 =	vld [tilespmem:$0x1FE90]  }
0x2d6: {  	v3 =	vadd.f32 v3, v57;
	[tilespmem:v20+s21+$0x0] =	vst.idx.msk $0xffff, v5  }
0x2d7: {  	v2 =	vadd.f32 v2, v60;
	v33 =	vld [tilespmem:$0x1FED0];
	[tilespmem:v22+s21+$0x0] =	vst.idx.msk $0xffff, v4  }
0x2d8: {  	v1 =	vadd.f32 v1, v61;
	[tilespmem:v11+s21+$0x0] =	vst.idx.msk $0xffff, v3  }
0x2d9: {  	v0 =	vadd.f32 v0, v58;
	v8 =	vshll.u32 v8, v25;
	[tilespmem:v27+s21+$0x0] =	vst.idx.msk $0xffff, v2  }
0x2da: {  	v6 =	vadd.f32 v6, v57;
	v8 =	vbroadcast v8, $0x0;
	[tilespmem:v29+s21+$0x0] =	vst.idx.msk $0xffff, v1;
	v24 =	vadd.s32 v63, v24  }
0x2db: {  	v7 =	vadd.f32 v7, v60;
	[tilespmem:v31+s21+$0x0] =	vst.idx.msk $0xffff, v0;
	v63 =	vld [tilespmem:$0x1FEB0]  }
0x2dc: {  	v4 =	vadd.s32 v33, v8;
	v33 =	vld [tilespmem:$0x1FEC0];
	[tilespmem:v16+s21+$0x0] =	vst.idx.msk $0xffff, v6  }
0x2dd: {  	s17 =	sadd.s32 $0xFFFFFFFD, s15;
	v9 =	vadd.f32 v9, v58;
	v10 =	vadd.f32 v10, v57;
	[tilespmem:v38+s21+$0x0] =	vst.idx.msk $0xffff, v7  }
0x2de: {  	v12 =	vadd.f32 v12, v60;
	v13 =	vadd.f32 v13, v61;
	v11 =	vmov s17;
	v29 =	vld [tilespmem:$0x1FEE0];
	[tilespmem:v42+s21+$0x0] =	vst.idx.msk $0xffff, v41  }
0x2df: {  	v18 =	vadd.f32 v19, v61;
	v19 =	vadd.f32 v21, v58;
	v11 =	vshrl.u32 v11, $0x3;
	[tilespmem:v24+s21+$0x0] =	vst.idx.msk $0xffff, v9;
	v9 =	vld [tilespmem:$0x1FF00]  }
0x2e0: {  	v5 =	vadd.f32 v14, v58;
	s17 =	sadd.s32 $0xFFFFFFFE, s15;
	v3 =	vadd.s32 v63, v8;
	v63 =	vshll.u32 v11, v25;
	v11 =	vld [tilespmem:$0x1FEF0]  }
0x2e1: {  	v14 =	vadd.f32 v15, v57;
	v6 =	vmov s17;
	v2 =	vadd.s32 v33, v8  }
0x2e2: {  	v15 =	vadd.f32 v17, v60;
	v7 =	vld [tilespmem:$0x1FE20];
	v6 =	vshrl.u32 v6, $0x3;
	v1 =	vbroadcast v63, $0x0  }
0x2e3: {  	v6 =	vshll.u32 v6, v25;
	v0 =	vadd.s32 v29, v8;
	v63 =	vadd.f32 v30, v58;
	v30 =	vld [tilespmem:$0x1FF20]  }
0x2e4: {  	v31 =	vbroadcast v6, $0x0;
	v21 =	vadd.s32 v9, v1;
	v9 =	vadd.f32 v32, v57;
	v32 =	vld [tilespmem:$0x1FFF0]  }
0x2e5: {  	v20 =	vadd.f32 v23, v57;
	[tilespmem:v39+s21+$0x0] =	vst.idx.msk $0xffff, v10;
	v16 =	vadd.s32 v11, v1  }
0x2e6: {  	v22 =	vadd.f32 v26, v60;
	v17 =	vadd.s32 v55, v31;
	[tilespmem:v2+s21+$0x0] =	vst.idx.msk $0xffff, v12  }
0x2e7: {  	s17 =	sadd.s32 $0xFFFFFFFF, s15;
	v8 =	vadd.f32 v28, v61;
	v7 =	vadd.s32 v7, v1;
	[tilespmem:v3+s21+$0x0] =	vst.idx.msk $0xffff, v13  }
0x2e8: {  	v33 =	vmov s17;
	v10 =	vadd.f32 v34, v60;
	v1 =	vadd.s32 v30, v1;
	[tilespmem:v4+s21+$0x0] =	vst.idx.msk $0xffff, v5  }
0x2e9: {  	p1 =	sne.s32 s14, $0x7F;
	v38 =	vld [tilespmem:$0x1FF40];
	v34 =	vshrl.u32 v33, $0x3;
	v12 =	vadd.f32 v35, v61;
	[tilespmem:v0+s21+$0x0] =	vst.idx.msk $0xffff, v14;
	v3 =	vadd.s32 v32, v31  }
.Ltmp8:
0x2ea: {  	v41 =	vld [tilespmem:$0x1FF80];
	v35 =	vmov s15;
	v11 =	vadd.f32 v37, v58;
	v0 =	vshll.u32 v34, v25;
	[tilespmem:v16+s21+$0x0] =	vst.idx.msk $0xffff, v15;
	(pc) =	sbr.rel @p1 .LBB2_17-.Ltmp8, $4  }
0x2eb: {  	v39 =	vld [tilespmem:$0x1FF60];
	v13 =	vadd.f32 v40, v57;
	v14 =	vadd.f32 v36, v60;
	v16 =	vbroadcast v0, $0x0;
	[tilespmem:v21+s21+$0x0] =	vst.idx.msk $0xffff, v18  }
0x2ec: {  	v37 =	vld [tilespmem:$0x1FF30];
	v0 =	vshrl.u32 v35, $0x3;
	v15 =	vadd.f32 v43, v61;
	v18 =	vadd.s32 v45, v31;
	[tilespmem:v7+s21+$0x0] =	vst.idx.msk $0xffff, v19  }
0x2ed: {  	v42 =	vmov v50;
	v40 =	vld [tilespmem:$0x1FF70];
	v23 =	vshll.u32 v0, v25;
	v19 =	vadd.s32 v53, v31;
	[tilespmem:v1+s21+$0x0] =	vst.idx.msk $0xffff, v20  }
0x2ee: {  	s14 =	sadd.s32 $0x8, s14;
	v36 =	vld [tilespmem:$0x1FF10];
	v43 =	vmov v51;
	v21 =	vadd.s32 v44, v16;
	v20 =	vadd.s32 v54, v16;
	[tilespmem:v3+s21+$0x0] =	vst.idx.msk $0xffff, v22  }
0x2ef: {  	_ =	sdelay $0x3  }
0x2f0: {  	[tilespmem:v17+s21+$0x0] =	vst.idx.msk $0xffff, v8;
	v0 =	vadd.s32 v46, v16;
	v1 =	vbroadcast v23, $0x0  }
0x2f1: {  	v2 =	vadd.s32 v47, v16;
	[tilespmem:v18+s21+$0x0] =	vst.idx.msk $0xffff, v63  }
0x2f2: {  	[tilespmem:v19+s21+$0x0] =	vst.idx.msk $0xffff, v9;
	v3 =	vadd.s32 v48, v1  }
0x2f3: {  	v4 =	vadd.s32 v49, v1;
	[tilespmem:v21+s21+$0x0] =	vst.idx.msk $0xffff, v10  }
0x2f4: {  	v5 =	vadd.s32 v56, v1;
	[tilespmem:v20+s21+$0x0] =	vst.idx.msk $0xffff, v12  }
0x2f5: {  	v61 =	vadd.s32 v52, v1;
	[tilespmem:v0+s21+$0x0] =	vst.idx.msk $0xffff, v11  }
0x2f6: {  	[tilespmem:v2+s21+$0x0] =	vst.idx.msk $0xffff, v13  }
0x2f7: {  	v62 =	vadd.f32 v62, v58;
	s0 =	sshll.u32 s0, $0x12;
	[tilespmem:v3+s21+$0x0] =	vst.idx.msk $0xffff, v14  }
0x2f8: {  	v63 =	vadd.f32 v59, v57;
	s0 =	sor.u32 s7, s0;
	[tilespmem:v4+s21+$0x0] =	vst.idx.msk $0xffff, v15  }
0x2f9: {  	s0 =	sshrl.u32 s0, $0x3;
	[tilespmem:v5+s21+$0x0] =	vst.idx.msk $0xffff, v62  }
0x2fa: {  	s14 =	simm.s32 $0x19C00;
	s10 =	sadd.s32 s2, s0;
	[tilespmem:v61+s21+$0x0] =	vst.idx.msk $0xffff, v63  }
0x2fb: {  	[hbm4b:s10+s3] =	stream.linear.scatter [tilespmem:s14], [sflag:$0x5], $0x80, $0x38;
	[tilespmem:$0x1E000] =	vst v63  }
0x2fc: {  	s15 =	simm.s32 $0x19C88;
	s14 =	sadd.s32 $0x10, s10  }
0x2fd: {  	[hbm4b:s14+s3] =	stream.linear.scatter [tilespmem:s15], [sflag:$0x5], $0x80, $0x38;
	[tilespmem:$0x1E000] =	vst v63  }
0x2fe: {  	s16 =	simm.s32 $0x19D10;
	s17 =	sadd.s32 $0x20, s10  }
0x2ff: {  	[hbm4b:s17+s3] =	stream.linear.scatter [tilespmem:s16], [sflag:$0x5], $0x80, $0x38;
	[tilespmem:$0x1E000] =	vst v63  }
0x300: {  	s14 =	simm.s32 $0x19D98;
	s15 =	sadd.s32 $0x30, s10  }
0x301: {  	[hbm4b:s15+s3] =	stream.linear.scatter [tilespmem:s14], [sflag:$0x5], $0x80, $0x38;
	[tilespmem:$0x1E000] =	vst v63  }
0x302: {  	s16 =	simm.s32 $0x19E20;
	s17 =	sadd.s32 $0x40, s10  }
0x303: {  	[hbm4b:s17+s3] =	stream.linear.scatter [tilespmem:s16], [sflag:$0x5], $0x80, $0x38;
	[tilespmem:$0x1E000] =	vst v63  }
0x304: {  	s0 =	simm.s32 $0x440;
	s14 =	simm.s32 $0x19EA8;
	s15 =	sadd.s32 $0x50, s10  }
0x305: {  	[hbm4b:s15+s3] =	stream.linear.scatter [tilespmem:s14], [sflag:$0x5], $0x80, $0x38;
	[tilespmem:$0x1E000] =	vst v63  }
0x306: {  	s16 =	simm.s32 $0x19F30;
	s17 =	sadd.s32 $0x60, s10;
	s14 =	simm.s32 $0x2200  }
0x307: {  	[hbm4b:s17+s3] =	stream.linear.scatter [tilespmem:s16], [sflag:$0x5], $0x80, $0x38;
	[tilespmem:$0x1E000] =	vst v63  }
0x308: {  	s15 =	simm.s32 $0x19FB8;
	s16 =	sadd.s32 $0x70, s10;
	s10 =	sadd.s32 $0x1000, s10  }
.LBB2_19:
0x309: {  	[hbm4b:s16+s3] =	stream.linear.scatter [tilespmem:s15], [sflag:$0x5], $0x80, $0x38;
	[tilespmem:$0x1E000] =	vst v63  }
0x30a: {  	s15 =	smov.u32 s0;
	s0 =	smov.u32 s14  }
0x30b: {  	s17 =	sadd.s32 $0x1100, s14;
	s0 =	sshra.s32 s0, $0x2;
	s16 =	sadd.s32 $0x19C00, s15  }
0x30c: {  	[hbm4b:s10+s3] =	stream.linear.scatter [tilespmem:s16], [sflag:$0x5], $0x80, $0x38;
	[tilespmem:$0x1E000] =	vst v63  }
0x30d: {  	p1 =	sne.s32 s14, $0x7700;
	s14 =	sadd.s32 $0x19C88, s15;
	s16 =	sadd.s32 $0x10, s10  }
0x30e: {  	[hbm4b:s16+s3] =	stream.linear.scatter [tilespmem:s14], [sflag:$0x5], $0x80, $0x38;
	[tilespmem:$0x1E000] =	vst v63  }
0x30f: {  	s14 =	sadd.s32 $0x19D10, s15;
	s16 =	sadd.s32 $0x20, s10  }
0x310: {  	[hbm4b:s16+s3] =	stream.linear.scatter [tilespmem:s14], [sflag:$0x5], $0x80, $0x38;
	[tilespmem:$0x1E000] =	vst v63  }
0x311: {  	s14 =	sadd.s32 $0x19D98, s15;
	s16 =	sadd.s32 $0x30, s10  }
0x312: {  	[hbm4b:s16+s3] =	stream.linear.scatter [tilespmem:s14], [sflag:$0x5], $0x80, $0x38;
	[tilespmem:$0x1E000] =	vst v63  }
0x313: {  	s14 =	sadd.s32 $0x19E20, s15;
	s16 =	sadd.s32 $0x40, s10  }
0x314: {  	[hbm4b:s16+s3] =	stream.linear.scatter [tilespmem:s14], [sflag:$0x5], $0x80, $0x38;
	[tilespmem:$0x1E000] =	vst v63  }
.Ltmp9:
0x315: {  	s14 =	sadd.s32 $0x19EA8, s15;
	s16 =	sadd.s32 $0x50, s10;
	(pc) =	sbr.rel @p1 .LBB2_19-.Ltmp9, $4  }
0x316: {  	[hbm4b:s16+s3] =	stream.linear.scatter [tilespmem:s14], [sflag:$0x5], $0x80, $0x38;
	[tilespmem:$0x1E000] =	vst v63  }
0x317: {  	s14 =	sadd.s32 $0x19F30, s15;
	s16 =	sadd.s32 $0x60, s10;
	s15 =	sadd.s32 $0x19FB8, s15  }
0x318: {  	[hbm4b:s16+s3] =	stream.linear.scatter [tilespmem:s14], [sflag:$0x5], $0x80, $0x38;
	[tilespmem:$0x1E000] =	vst v63  }
0x319: {  	s16 =	sadd.s32 $0x70, s10;
	s10 =	sadd.s32 $0x1000, s10;
	s14 =	smov.u32 s17  }
0x31a: {  	[hbm4b:s16+s3] =	stream.linear.scatter [tilespmem:s15], [sflag:$0x5], $0x80, $0x38;
	[tilespmem:$0x1E000] =	vst v63  }
0x31b: {  	s14 =	sadd.s32 $0x19C00, s0  }
0x31c: {  	[hbm4b:s10+s3] =	stream.linear.scatter [tilespmem:s14], [sflag:$0x5], $0x80, $0x38;
	[tilespmem:$0x1E000] =	vst v63  }
0x31d: {  	s16 =	sadd.s32 $0x19C88, s0;
	s17 =	sadd.s32 $0x10, s10  }
0x31e: {  	[hbm4b:s17+s3] =	stream.linear.scatter [tilespmem:s16], [sflag:$0x5], $0x80, $0x38;
	[tilespmem:$0x1E000] =	vst v63  }
0x31f: {  	s16 =	sadd.s32 $0x19D10, s0;
	s17 =	sadd.s32 $0x20, s10  }
0x320: {  	[hbm4b:s17+s3] =	stream.linear.scatter [tilespmem:s16], [sflag:$0x5], $0x80, $0x38;
	[tilespmem:$0x1E000] =	vst v63  }
0x321: {  	s16 =	sadd.s32 $0x19D98, s0;
	s17 =	sadd.s32 $0x30, s10  }
0x322: {  	[hbm4b:s17+s3] =	stream.linear.scatter [tilespmem:s16], [sflag:$0x5], $0x80, $0x38;
	[tilespmem:$0x1E000] =	vst v63  }
0x323: {  	s1 =	sadd.s32 @!p0 $0x6, s1;
	v0 =	vlaneseq.u32 @!p0;
	s16 =	sadd.s32 $0x19E20, s0;
	s17 =	sadd.s32 $0x40, s10  }
0x324: {  	v1 =	vmov @!p0 s1;
	v0 =	vmul.u32 @!p0 $0xD0, v0;
	[hbm4b:s17+s3] =	stream.linear.scatter [tilespmem:s16], [sflag:$0x5], $0x80, $0x38;
	[tilespmem:$0x1E000] =	vst v63  }
0x325: {  	v1 =	vand.u32 @!p0 $0x1FE, v1;
	s16 =	sadd.s32 $0x19EA8, s0;
	s17 =	sadd.s32 $0x50, s10  }
0x326: {  	v2 =	vadd.s32 @!p0 v0, v1;
	v3 =	vadd.s32 @!p0 $0xD00, v0;
	[hbm4b:s17+s3] =	stream.linear.scatter [tilespmem:s16], [sflag:$0x5], $0x80, $0x38;
	[tilespmem:$0x1E000] =	vst v63  }
0x327: {  	v4 =	vadd.s32 @!p0 $0x1A00, v0;
	v3 =	vadd.s32 @!p0 v3, v1;
	s16 =	sadd.s32 $0x19F30, s0;
	s17 =	sadd.s32 $0x60, s10  }
0x328: {  	v5 =	vadd.s32 @!p0 $0x2700, v0;
	v4 =	vadd.s32 @!p0 v4, v1;
	[hbm4b:s17+s3] =	stream.linear.scatter [tilespmem:s16], [sflag:$0x5], $0x80, $0x38;
	[tilespmem:$0x1E000] =	vst v63  }
0x329: {  	s1 =	sadd.s32 $0x19FB8, s0;
	v6 =	vadd.s32 @!p0 $0x3400, v0;
	v5 =	vadd.s32 @!p0 v5, v1;
	s10 =	sadd.s32 $0x70, s10;
	s0 =	simm.s32 @!p0 $0x0  }
0x32a: {  	v7 =	vadd.s32 @!p0 $0x4100, v0;
	v6 =	vadd.s32 @!p0 v6, v1;
	[hbm4b:s10+s3] =	stream.linear.scatter [tilespmem:s1], [sflag:$0x5], $0x80, $0x38;
	[tilespmem:$0x1E000] =	vst v63  }
0x32b: {  	v8 =	vadd.s32 @!p0 $0x4E00, v0;
	v7 =	vadd.s32 @!p0 v7, v1;
	v2 =	vld.idx.msk @!p0 [tilespmem:v2+s0+$0x0], $0xffff  }
0x32c: {  	v0 =	vadd.s32 @!p0 $0x5B00, v0;
	v8 =	vadd.s32 @!p0 v8, v1;
	v3 =	vld.idx.msk @!p0 [tilespmem:v3+s0+$0x0], $0xffff  }
0x32d: {  	v0 =	vadd.s32 @!p0 v0, v1;
	v4 =	vld.idx.msk @!p0 [tilespmem:v4+s0+$0x0], $0xffff  }
0x32e: {  	v1 =	vld.idx.msk @!p0 [tilespmem:v5+s0+$0x0], $0xffff  }
0x32f: {  	v5 =	vld.idx.msk @!p0 [tilespmem:v6+s0+$0x0], $0xffff  }
0x330: {  	v6 =	vld.idx.msk @!p0 [tilespmem:v7+s0+$0x0], $0xffff  }
0x331: {  	v7 =	vld.idx.msk @!p0 [tilespmem:v8+s0+$0x0], $0xffff  }
0x332: {  	v0 =	vld.idx.msk @!p0 [tilespmem:v0+s0+$0x0], $0xffff;
	[tilespmem:$0x9B00] =	vst @!p0 v2  }
0x333: {  	[tilespmem:$0x9B10] =	vst @!p0 v3  }
0x334: {  	[tilespmem:$0x9B20] =	vst @!p0 v4  }
0x335: {  	[tilespmem:$0x9B30] =	vst @!p0 v1  }
0x336: {  	[tilespmem:$0x9B40] =	vst @!p0 v5  }
0x337: {  	[tilespmem:$0x9B50] =	vst @!p0 v6  }
0x338: {  	[tilespmem:$0x9B60] =	vst @!p0 v7  }
0x339: {  	s1 =	simm.s32 @!p0 $0x9B00;
	s10 =	simm.s32 @!p0 $0x11C00;
	s0 =	simm.s32 @!p0 $0x80;
	[tilespmem:$0x9B70] =	vst @!p0 v0  }
0x33a: {  	[tilespmem:s10], [sflag:$0x3] =	stream.indirect.gather @!p0 [hbm4b:s4+s0], $0x80, s1, s0, $0xb8;
	[tilespmem:$0x1E000] =	vst v63  }
0x33b: {  	_ =	swait.ge [sflag:s28], $0x4000  }
0x33c: {  	[sflag:s28] =	ssyncset.done $0x0  }
0x33d: {  	[sflag:s28] =	ssyncadd.s32 $0xFFFFC000  }
0x33e: {  	_ =	swait.ge [sflag:s23], $0x2000  }
0x33f: {  	s14 =	sshll.u32 s31, $0x6;
	[sflag:s23] =	ssyncset.done $0x0  }
0x340: {  	s0 =	sand.u32 $0x3FFFFFC0, s14;
	v46 =	vld [tilespmem:$0x1FE70];
	[sflag:s23] =	ssyncadd.s32 $0xFFFFE000  }
0x341: {  	v60 =	vld [tilespmem:s0+$0x6800]  }
0x342: {  	v61 =	vld [tilespmem:s0+$0x6810]  }
0x343: {  	v58 =	vld [tilespmem:s0+$0x6820]  }
0x344: {  	v57 =	vld [tilespmem:s0+$0x6830];
	s0 =	simm.s32 $0x15E00  }
0x345: {  	v59 =	vld [tilespmem:s0+$0x1B0]  }
0x346: {  	v62 =	vld [tilespmem:s0+$0x1A0]  }
0x347: {  	v49 =	vld [tilespmem:s0+$0xFFFFFEA0]  }
0x348: {  	v52 =	vld [tilespmem:s0+$0xFFFFFE90]  }
0x349: {  	v53 =	vld [tilespmem:s0+$0xFFFFFE80]  }
0x34a: {  	v54 =	vld [tilespmem:s0+$0xFFFFFE30]  }
0x34b: {  	v55 =	vld [tilespmem:s0+$0xFFFFFE20]  }
0x34c: {  	v56 =	vld [tilespmem:s0+$0xFFFFFE10]  }
0x34d: {  	v6 =	vld [tilespmem:s0+$0xFFFFFEB0]  }
0x34e: {  	v7 =	vld [tilespmem:s0+$0xFFFFFF00]  }
0x34f: {  	v8 =	vld [tilespmem:s0+$0xFFFFFF10]  }
0x350: {  	v9 =	vld [tilespmem:s0+$0xFFFFFF20]  }
0x351: {  	v10 =	vld [tilespmem:s0+$0xFFFFFF30]  }
0x352: {  	v11 =	vld [tilespmem:s0+$0xFFFFFF80]  }
0x353: {  	v12 =	vld [tilespmem:s0+$0xFFFFFF90]  }
0x354: {  	v13 =	vld [tilespmem:s0+$0xFFFFFFA0]  }
0x355: {  	v14 =	vld [tilespmem:s0+$0xFFFFFFB0]  }
0x356: {  	v15 =	vld [tilespmem:s0+$0x0]  }
0x357: {  	v16 =	vld [tilespmem:s0+$0x10]  }
0x358: {  	v17 =	vld [tilespmem:s0+$0x20]  }
0x359: {  	s15 =	simm.s32 $0x0;
	v18 =	vld [tilespmem:s0+$0x30]  }
0x35a: {  	v20 =	vmov s15;
	v19 =	vld [tilespmem:s0+$0x80]  }
0x35b: {  	v20 =	vshrl.u32 v20, $0x3;
	v21 =	vld [tilespmem:s0+$0x90]  }
0x35c: {  	v20 =	vshll.u32 v20, v25;
	v22 =	vld [tilespmem:s0+$0xA0]  }
0x35d: {  	v20 =	vbroadcast v20, $0x0;
	s16 =	simm.s32 $0x1;
	v24 =	vld [tilespmem:s0+$0xFFFFFE00]  }
0x35e: {  	v27 =	vmov s16;
	v23 =	vld [tilespmem:s0+$0xB0]  }
0x35f: {  	v28 =	vadd.s32 v36, v20;
	v27 =	vshrl.u32 v27, $0x3;
	v26 =	vld [tilespmem:s0+$0x100]  }
0x360: {  	v30 =	vadd.s32 v37, v20;
	v27 =	vshll.u32 v27, v25;
	v29 =	vld [tilespmem:s0+$0x110]  }
0x361: {  	v27 =	vbroadcast v27, $0x0;
	v31 =	vld [tilespmem:s0+$0x120]  }
0x362: {  	v33 =	vadd.s32 v38, v20;
	v32 =	vld [tilespmem:s0+$0x130];
	v24 =	vadd.f32 v24, v60  }
0x363: {  	v20 =	vadd.s32 v39, v20;
	s17 =	simm.s32 $0x2;
	v63 =	vadd.s32 v40, v27;
	v34 =	vld [tilespmem:s0+$0x180];
	v5 =	vadd.f32 v56, v61  }
0x364: {  	v44 =	vadd.s32 v42, v27;
	v45 =	vadd.s32 v43, v27;
	v35 =	vld [tilespmem:s0+$0x190];
	[tilespmem:v28+s24+$0x0] =	vst.idx.msk $0xffff, v24;
	v24 =	vmov s17  }
0x365: {  	v4 =	vadd.f32 v55, v58;
	[tilespmem:v30+s24+$0x0] =	vst.idx.msk $0xffff, v5;
	v30 =	vshrl.u32 v24, $0x3;
	v24 =	vadd.s32 v41, v27;
	v27 =	vld [tilespmem:$0x1FE80]  }
0x366: {  	v3 =	vadd.f32 v54, v57;
	v47 =	vadd.f32 v6, v57;
	v6 =	vld [tilespmem:$0x1FE90];
	v5 =	vshll.u32 v30, v25  }
0x367: {  	v2 =	vadd.f32 v53, v60;
	[tilespmem:v33+s24+$0x0] =	vst.idx.msk $0xffff, v4;
	v5 =	vbroadcast v5, $0x0  }
0x368: {  	s10 =	simm.s32 $0x3;
	v48 =	vld [tilespmem:$0x1FEA0];
	[tilespmem:v20+s24+$0x0] =	vst.idx.msk $0xffff, v3  }
0x369: {  	v1 =	vadd.f32 v52, v61;
	v53 =	vld [tilespmem:$0x1FEC0];
	v20 =	vmov s10;
	[tilespmem:v63+s24+$0x0] =	vst.idx.msk $0xffff, v2;
	v2 =	vadd.s32 v46, v5  }
0x36a: {  	v0 =	vadd.f32 v49, v58;
	v55 =	vld [tilespmem:$0x1FEB0];
	v20 =	vshrl.u32 v20, $0x3;
	v27 =	vadd.s32 v27, v5  }
0x36b: {  	v20 =	vshll.u32 v20, v25;
	v6 =	vadd.s32 v6, v5;
	[tilespmem:v24+s24+$0x0] =	vst.idx.msk $0xffff, v1  }
0x36c: {  	v49 =	vadd.f32 v7, v60;
	v20 =	vbroadcast v20, $0x0;
	[tilespmem:v44+s24+$0x0] =	vst.idx.msk $0xffff, v0  }
0x36d: {  	v52 =	vadd.f32 v8, v61;
	v7 =	vld [tilespmem:$0x1FED0];
	v0 =	vadd.s32 v48, v5;
	[tilespmem:v45+s24+$0x0] =	vst.idx.msk $0xffff, v47  }
0x36e: {  	s14 =	simm.s32 $0x4;
	v54 =	vadd.f32 v9, v58;
	v33 =	vld [tilespmem:$0x1FEE0];
	v3 =	vadd.s32 v53, v20;
	[tilespmem:v2+s24+$0x0] =	vst.idx.msk $0xffff, v49  }
0x36f: {  	v56 =	vmov s14;
	v47 =	vld [tilespmem:$0x1FEF0];
	v2 =	vadd.s32 v55, v20;
	[tilespmem:v27+s24+$0x0] =	vst.idx.msk $0xffff, v52  }
0x370: {  	v4 =	vshrl.u32 v56, $0x3;
	v63 =	vadd.f32 v10, v57;
	[tilespmem:v6+s24+$0x0] =	vst.idx.msk $0xffff, v54;
	v6 =	vld [tilespmem:$0x1FF00]  }
0x371: {  	v28 =	vadd.f32 v11, v60;
	v4 =	vshll.u32 v4, v25;
	v52 =	vld [tilespmem:$0x1FE20]  }
0x372: {  	v9 =	vld [tilespmem:$0x1FF20];
	v30 =	vadd.f32 v12, v61;
	v4 =	vbroadcast v4, $0x0;
	v7 =	vadd.s32 v7, v20;
	[tilespmem:v0+s24+$0x0] =	vst.idx.msk $0xffff, v63  }
0x373: {  	v1 =	vadd.s32 v33, v20;
	[tilespmem:v3+s24+$0x0] =	vst.idx.msk $0xffff, v28  }
0x374: {  	s15 =	simm.s32 $0x5;
	[tilespmem:v2+s24+$0x0] =	vst.idx.msk $0xffff, v30;
	v2 =	vadd.s32 v47, v4  }
0x375: {  	s17 =	simm.s32 $0x7;
	v46 =	vmov s15;
	v44 =	vadd.f32 v13, v58;
	v6 =	vadd.s32 v6, v4  }
0x376: {  	v45 =	vadd.f32 v14, v57;
	v53 =	vld [tilespmem:$0x1FFF0];
	v55 =	vmov s17;
	v5 =	vadd.s32 v52, v4  }
0x377: {  	v48 =	vadd.f32 v15, v60;
	v56 =	vshrl.u32 v55, $0x3;
	v55 =	vld [tilespmem:$0x1FFB0];
	[tilespmem:v7+s24+$0x0] =	vst.idx.msk $0xffff, v44;
	v4 =	vadd.s32 v9, v4  }
0x378: {  	v0 =	vshrl.u32 v46, $0x3;
	v47 =	vld [tilespmem:$0x1FE30];
	v7 =	vadd.f32 v16, v61;
	[tilespmem:v1+s24+$0x0] =	vst.idx.msk $0xffff, v45  }
0x379: {  	v13 =	vadd.f32 v17, v58;
	v0 =	vshll.u32 v0, v25;
	v52 =	vld [tilespmem:$0x1FE60];
	[tilespmem:v2+s24+$0x0] =	vst.idx.msk $0xffff, v48  }
0x37a: {  	s16 =	simm.s32 $0x6;
	v8 =	vadd.f32 v21, v61;
	v49 =	vadd.f32 v18, v57;
	v0 =	vbroadcast v0, $0x0;
	v45 =	vld [tilespmem:$0x1FF50];
	[tilespmem:v6+s24+$0x0] =	vst.idx.msk $0xffff, v7  }
0x37b: {  	v11 =	vadd.f32 v31, v58;
	v12 =	vadd.f32 v29, v61;
	v54 =	vmov s16;
	v48 =	vld [tilespmem:$0x1FE40];
	[tilespmem:v5+s24+$0x0] =	vst.idx.msk $0xffff, v13  }
0x37c: {  	v10 =	vadd.f32 v26, v60;
	v3 =	vshrl.u32 v54, $0x3;
	v2 =	vadd.s32 v53, v0;
	[tilespmem:v4+s24+$0x0] =	vst.idx.msk $0xffff, v49;
	v49 =	vld [tilespmem:$0x1FE50]  }
0x37d: {  	v15 =	vadd.f32 v19, v60;
	v14 =	vadd.f32 v34, v60;
	v46 =	vld [tilespmem:$0x1FFE0];
	v3 =	vshll.u32 v3, v25  }
0x37e: {  	v63 =	vadd.f32 v22, v58;
	v54 =	vld [tilespmem:$0x1FF90];
	v16 =	vbroadcast v3, $0x0;
	v17 =	vadd.s32 v47, v0  }
0x37f: {  	v9 =	vadd.f32 v23, v57;
	v23 =	vshll.u32 v56, v25;
	v56 =	vld [tilespmem:$0x1FFA0];
	v18 =	vadd.s32 v45, v0  }
0x380: {  	v44 =	vld [tilespmem:$0x1FFD0];
	v20 =	vadd.s32 v52, v16;
	v13 =	vadd.f32 v32, v57;
	v19 =	vadd.s32 v48, v0  }
0x381: {  	s1 =	simm.s32 $0xF;
	v53 =	vld [tilespmem:$0x1FFC0];
	[tilespmem:v2+s24+$0x0] =	vst.idx.msk $0xffff, v15;
	v15 =	vadd.f32 v35, v61;
	v21 =	vadd.s32 v49, v16  }
.LBB2_21:
0x382: {  	_ = 	snop  }
0x383: {  	v0 =	vadd.s32 v54, v16;
	v1 =	vbroadcast v23, $0x0;
	[tilespmem:v17+s24+$0x0] =	vst.idx.msk $0xffff, v8  }
0x384: {  	v2 =	vadd.s32 v56, v16;
	[tilespmem:v18+s24+$0x0] =	vst.idx.msk $0xffff, v63  }
0x385: {  	s10 =	smov.u32 s1;
	v3 =	vadd.s32 v55, v1;
	[tilespmem:v19+s24+$0x0] =	vst.idx.msk $0xffff, v9  }
0x386: {  	s15 =	sadd.s32 $0xFFFFFFFA, s10;
	v4 =	vadd.s32 v53, v1;
	[tilespmem:v21+s24+$0x0] =	vst.idx.msk $0xffff, v10  }
0x387: {  	v5 =	vadd.s32 v44, v1;
	v16 =	vmov s15;
	[tilespmem:v20+s24+$0x0] =	vst.idx.msk $0xffff, v12  }
0x388: {  	v34 =	vadd.s32 v46, v1;
	v16 =	vshrl.u32 v16, $0x3;
	[tilespmem:v0+s24+$0x0] =	vst.idx.msk $0xffff, v11  }
0x389: {  	v16 =	vshll.u32 v16, v25;
	[tilespmem:v2+s24+$0x0] =	vst.idx.msk $0xffff, v13  }
0x38a: {  	v35 =	vadd.f32 v62, v58;
	v16 =	vbroadcast v16, $0x0;
	[tilespmem:v3+s24+$0x0] =	vst.idx.msk $0xffff, v14  }
0x38b: {  	v62 =	vadd.f32 v59, v57;
	[tilespmem:v4+s24+$0x0] =	vst.idx.msk $0xffff, v15  }
0x38c: {  	v27 =	vadd.s32 v40, v16;
	v31 =	vadd.s32 v42, v16;
	v42 =	vld [tilespmem:$0x1FE70];
	[tilespmem:v5+s24+$0x0] =	vst.idx.msk $0xffff, v35  }
0x38d: {  	s0 =	sadd.s32 $0x400, s0;
	v29 =	vadd.s32 v41, v16;
	v16 =	vadd.s32 v43, v16;
	v43 =	vld [tilespmem:$0x1FEA0];
	[tilespmem:v34+s24+$0x0] =	vst.idx.msk $0xffff, v62  }
0x38e: {  	v59 =	vld [tilespmem:s0+$0x1B0]  }
0x38f: {  	v62 =	vld [tilespmem:s0+$0x1A0]  }
0x390: {  	v0 =	vld [tilespmem:s0+$0xFFFFFEA0]  }
0x391: {  	v1 =	vld [tilespmem:s0+$0xFFFFFE90]  }
0x392: {  	v2 =	vld [tilespmem:s0+$0xFFFFFE80]  }
0x393: {  	v3 =	vld [tilespmem:s0+$0xFFFFFE30]  }
0x394: {  	v4 =	vld [tilespmem:s0+$0xFFFFFE20]  }
0x395: {  	v5 =	vld [tilespmem:s0+$0xFFFFFE10]  }
0x396: {  	v6 =	vld [tilespmem:s0+$0xFFFFFEB0]  }
0x397: {  	v7 =	vld [tilespmem:s0+$0xFFFFFF00]  }
0x398: {  	v8 =	vld [tilespmem:s0+$0xFFFFFF10]  }
0x399: {  	v9 =	vld [tilespmem:s0+$0xFFFFFF20]  }
0x39a: {  	v10 =	vld [tilespmem:s0+$0xFFFFFF30]  }
0x39b: {  	v12 =	vld [tilespmem:s0+$0xFFFFFF80]  }
0x39c: {  	v13 =	vld [tilespmem:s0+$0xFFFFFF90]  }
0x39d: {  	v14 =	vld [tilespmem:s0+$0xFFFFFFA0]  }
0x39e: {  	v15 =	vld [tilespmem:s0+$0xFFFFFFB0]  }
0x39f: {  	v17 =	vld [tilespmem:s0+$0x0]  }
0x3a0: {  	v19 =	vld [tilespmem:s0+$0x10]  }
0x3a1: {  	v21 =	vld [tilespmem:s0+$0x20]  }
0x3a2: {  	s14 =	sadd.s32 $0xFFFFFFF9, s10;
	v23 =	vld [tilespmem:s0+$0x30]  }
0x3a3: {  	s16 =	sadd.s32 $0xFFFFFFFB, s10;
	v11 =	vmov s14;
	v26 =	vld [tilespmem:s0+$0x80]  }
0x3a4: {  	v24 =	vmov s16;
	v11 =	vshrl.u32 v11, $0x3;
	v41 =	vadd.f32 v8, v61;
	v8 =	vld [tilespmem:$0x1FE80]  }
0x3a5: {  	v24 =	vshrl.u32 v24, $0x3;
	v11 =	vshll.u32 v11, v25;
	v28 =	vld [tilespmem:s0+$0x90]  }
0x3a6: {  	v24 =	vshll.u32 v24, v25;
	v11 =	vbroadcast v11, $0x0;
	v30 =	vld [tilespmem:s0+$0xA0]  }
0x3a7: {  	s17 =	sadd.s32 $0xFFFFFFFC, s10;
	v24 =	vbroadcast v24, $0x0;
	v32 =	vld [tilespmem:s0+$0xB0]  }
0x3a8: {  	v63 =	vmov s17;
	v22 =	vadd.s32 v38, v11;
	v33 =	vld [tilespmem:s0+$0xFFFFFE00]  }
0x3a9: {  	v38 =	vadd.s32 v42, v24;
	v42 =	vadd.s32 v8, v24;
	v8 =	vshrl.u32 v63, $0x3;
	v63 =	vld [tilespmem:$0x1FE90]  }
0x3aa: {  	v34 =	vld [tilespmem:s0+$0x100]  }
0x3ab: {  	v18 =	vadd.s32 v36, v11;
	v35 =	vld [tilespmem:s0+$0x110]  }
0x3ac: {  	v20 =	vadd.s32 v37, v11;
	v37 =	vld [tilespmem:s0+$0x120]  }
0x3ad: {  	v11 =	vadd.s32 v39, v11;
	v40 =	vld [tilespmem:s0+$0x130]  }
0x3ae: {  	v39 =	vadd.s32 v43, v24;
	v33 =	vadd.f32 v33, v60;
	v24 =	vadd.s32 v63, v24;
	v63 =	vld [tilespmem:$0x1FED0]  }
0x3af: {  	v36 =	vld [tilespmem:s0+$0x180];
	v5 =	vadd.f32 v5, v61  }
0x3b0: {  	v43 =	vld [tilespmem:s0+$0x190];
	v4 =	vadd.f32 v4, v58;
	[tilespmem:v18+s24+$0x0] =	vst.idx.msk $0xffff, v33;
	v8 =	vshll.u32 v8, v25  }
0x3b1: {  	v3 =	vadd.f32 v3, v57;
	[tilespmem:v20+s24+$0x0] =	vst.idx.msk $0xffff, v5;
	v8 =	vbroadcast v8, $0x0  }
0x3b2: {  	v2 =	vadd.f32 v2, v60;
	[tilespmem:v22+s24+$0x0] =	vst.idx.msk $0xffff, v4  }
0x3b3: {  	v1 =	vadd.f32 v1, v61;
	[tilespmem:v11+s24+$0x0] =	vst.idx.msk $0xffff, v3;
	v4 =	vadd.s32 v63, v8;
	v63 =	vld [tilespmem:$0x1FEB0]  }
0x3b4: {  	s15 =	sadd.s32 $0xFFFFFFFD, s10;
	v0 =	vadd.f32 v0, v58;
	v6 =	vadd.f32 v6, v57;
	[tilespmem:v27+s24+$0x0] =	vst.idx.msk $0xffff, v2  }
0x3b5: {  	v9 =	vadd.f32 v9, v58;
	v10 =	vadd.f32 v10, v57;
	v33 =	vld [tilespmem:$0x1FEC0];
	v11 =	vmov s15;
	[tilespmem:v29+s24+$0x0] =	vst.idx.msk $0xffff, v1  }
0x3b6: {  	v12 =	vadd.f32 v12, v60;
	v7 =	vadd.f32 v7, v60;
	v11 =	vshrl.u32 v11, $0x3;
	[tilespmem:v31+s24+$0x0] =	vst.idx.msk $0xffff, v0  }
0x3b7: {  	v13 =	vadd.f32 v13, v61;
	v29 =	vshll.u32 v11, v25;
	v11 =	vld [tilespmem:$0x1FEF0];
	[tilespmem:v16+s24+$0x0] =	vst.idx.msk $0xffff, v6  }
0x3b8: {  	v18 =	vadd.f32 v19, v61;
	[tilespmem:v38+s24+$0x0] =	vst.idx.msk $0xffff, v7;
	v3 =	vadd.s32 v63, v8;
	v63 =	vld [tilespmem:$0x1FEE0]  }
0x3b9: {  	v19 =	vadd.f32 v21, v58;
	v5 =	vadd.f32 v14, v58;
	v7 =	vld [tilespmem:$0x1FE20];
	[tilespmem:v42+s24+$0x0] =	vst.idx.msk $0xffff, v41  }
0x3ba: {  	s16 =	sadd.s32 $0xFFFFFFFE, s10;
	v14 =	vadd.f32 v15, v57;
	v2 =	vadd.s32 v33, v8;
	[tilespmem:v24+s24+$0x0] =	vst.idx.msk $0xffff, v9;
	v9 =	vld [tilespmem:$0x1FF00]  }
0x3bb: {  	v15 =	vadd.f32 v17, v60;
	v1 =	vbroadcast v29, $0x0;
	v6 =	vmov s16  }
0x3bc: {  	v20 =	vadd.f32 v23, v57;
	v22 =	vadd.f32 v26, v60;
	v29 =	vld [tilespmem:$0x1FF20];
	v6 =	vshrl.u32 v6, $0x3  }
0x3bd: {  	v31 =	vld [tilespmem:$0x1FFF0];
	v6 =	vshll.u32 v6, v25;
	v16 =	vadd.s32 v11, v1;
	v0 =	vadd.s32 v63, v8  }
0x3be: {  	v11 =	vadd.f32 v37, v58;
	v7 =	vadd.s32 v7, v1;
	[tilespmem:v39+s24+$0x0] =	vst.idx.msk $0xffff, v10  }
0x3bf: {  	v10 =	vadd.f32 v34, v60;
	[tilespmem:v2+s24+$0x0] =	vst.idx.msk $0xffff, v12;
	v21 =	vadd.s32 v9, v1  }
0x3c0: {  	s17 =	sadd.s32 $0xFFFFFFFF, s10;
	v12 =	vadd.f32 v35, v61;
	v63 =	vadd.f32 v30, v58;
	v30 =	vbroadcast v6, $0x0;
	[tilespmem:v3+s24+$0x0] =	vst.idx.msk $0xffff, v13  }
0x3c1: {  	v9 =	vadd.f32 v32, v57;
	v1 =	vadd.s32 v29, v1;
	v32 =	vmov s17;
	[tilespmem:v4+s24+$0x0] =	vst.idx.msk $0xffff, v5  }
0x3c2: {  	p0 =	sne.s32 s1, $0x7F;
	v38 =	vld [tilespmem:$0x1FF40];
	v34 =	vshrl.u32 v32, $0x3;
	v8 =	vadd.f32 v28, v61;
	v3 =	vadd.s32 v31, v30;
	[tilespmem:v0+s24+$0x0] =	vst.idx.msk $0xffff, v14  }
.Ltmp10:
0x3c3: {  	v41 =	vld [tilespmem:$0x1FF80];
	v35 =	vmov s10;
	v13 =	vadd.f32 v40, v57;
	v0 =	vshll.u32 v34, v25;
	[tilespmem:v16+s24+$0x0] =	vst.idx.msk $0xffff, v15;
	(pc) =	sbr.rel @p0 .LBB2_21-.Ltmp10, $4  }
0x3c4: {  	v37 =	vld [tilespmem:$0x1FF30];
	v17 =	vadd.s32 v47, v30;
	v14 =	vadd.f32 v36, v60;
	v16 =	vbroadcast v0, $0x0;
	[tilespmem:v21+s24+$0x0] =	vst.idx.msk $0xffff, v18  }
0x3c5: {  	v39 =	vld [tilespmem:$0x1FF60];
	v0 =	vshrl.u32 v35, $0x3;
	v15 =	vadd.f32 v43, v61;
	v18 =	vadd.s32 v45, v30;
	[tilespmem:v7+s24+$0x0] =	vst.idx.msk $0xffff, v19  }
0x3c6: {  	v42 =	vmov v50;
	v40 =	vld [tilespmem:$0x1FF70];
	v23 =	vshll.u32 v0, v25;
	v19 =	vadd.s32 v48, v30;
	[tilespmem:v1+s24+$0x0] =	vst.idx.msk $0xffff, v20  }
0x3c7: {  	s1 =	sadd.s32 $0x8, s1;
	v36 =	vld [tilespmem:$0x1FF10];
	v43 =	vmov v51;
	v21 =	vadd.s32 v49, v16;
	v20 =	vadd.s32 v52, v16;
	[tilespmem:v3+s24+$0x0] =	vst.idx.msk $0xffff, v22  }
0x3c8: {  	_ =	sdelay $0x3  }
0x3c9: {  	[tilespmem:v17+s24+$0x0] =	vst.idx.msk $0xffff, v8;
	v0 =	vadd.s32 v54, v16;
	v1 =	vbroadcast v23, $0x0  }
0x3ca: {  	v2 =	vadd.s32 v56, v16;
	[tilespmem:v18+s24+$0x0] =	vst.idx.msk $0xffff, v63  }
0x3cb: {  	[tilespmem:v19+s24+$0x0] =	vst.idx.msk $0xffff, v9;
	v3 =	vadd.s32 v55, v1  }
0x3cc: {  	v4 =	vadd.s32 v53, v1;
	[tilespmem:v21+s24+$0x0] =	vst.idx.msk $0xffff, v10  }
0x3cd: {  	v5 =	vadd.s32 v44, v1;
	[tilespmem:v20+s24+$0x0] =	vst.idx.msk $0xffff, v12  }
0x3ce: {  	v61 =	vadd.s32 v46, v1;
	[tilespmem:v0+s24+$0x0] =	vst.idx.msk $0xffff, v11  }
0x3cf: {  	[tilespmem:v2+s24+$0x0] =	vst.idx.msk $0xffff, v13  }
0x3d0: {  	v62 =	vadd.f32 v62, v58;
	s0 =	sshll.u32 s31, $0x12;
	[tilespmem:v3+s24+$0x0] =	vst.idx.msk $0xffff, v14  }
0x3d1: {  	v63 =	vadd.f32 v59, v57;
	s0 =	sor.u32 s7, s0;
	[tilespmem:v4+s24+$0x0] =	vst.idx.msk $0xffff, v15  }
0x3d2: {  	s0 =	sshrl.u32 s0, $0x3;
	[tilespmem:v5+s24+$0x0] =	vst.idx.msk $0xffff, v62  }
0x3d3: {  	s10 =	simm.s32 $0x1BE00;
	s1 =	sadd.s32 s2, s0;
	[tilespmem:v61+s24+$0x0] =	vst.idx.msk $0xffff, v63  }
0x3d4: {  	[hbm4b:s1+s3] =	stream.linear.scatter [tilespmem:s10], [sflag:$0x6], $0x80, $0x38;
	[tilespmem:$0x1E000] =	vst v63  }
0x3d5: {  	s14 =	simm.s32 $0x1BE88;
	s10 =	sadd.s32 $0x10, s1  }
0x3d6: {  	[hbm4b:s10+s3] =	stream.linear.scatter [tilespmem:s14], [sflag:$0x6], $0x80, $0x38;
	[tilespmem:$0x1E000] =	vst v63  }
0x3d7: {  	s15 =	simm.s32 $0x1BF10;
	s17 =	simm.s32 $0x1BF98;
	s16 =	sadd.s32 $0x20, s1  }
0x3d8: {  	[hbm4b:s16+s3] =	stream.linear.scatter [tilespmem:s15], [sflag:$0x6], $0x80, $0x38;
	[tilespmem:$0x1E000] =	vst v63  }
0x3d9: {  	s0 =	simm.s32 $0x440;
	s31 =	sadd.s32 $0x30, s1;
	s10 =	simm.s32 $0x1C020  }
0x3da: {  	[hbm4b:s31+s3] =	stream.linear.scatter [tilespmem:s17], [sflag:$0x6], $0x80, $0x38;
	[tilespmem:$0x1E000] =	vst v63  }
0x3db: {  	s14 =	sadd.s32 $0x40, s1;
	s15 =	simm.s32 $0x1C0A8;
	s16 =	sadd.s32 $0x50, s1  }
0x3dc: {  	[hbm4b:s14+s3] =	stream.linear.scatter [tilespmem:s10], [sflag:$0x6], $0x80, $0x38;
	[tilespmem:$0x1E000] =	vst v63  }
0x3dd: {  	s17 =	simm.s32 $0x1C130;
	s31 =	sadd.s32 $0x60, s1;
	s10 =	simm.s32 $0x2200  }
0x3de: {  	[hbm4b:s16+s3] =	stream.linear.scatter [tilespmem:s15], [sflag:$0x6], $0x80, $0x38;
	[tilespmem:$0x1E000] =	vst v63  }
0x3df: {  	s14 =	simm.s32 $0x1C1B8;
	s15 =	sadd.s32 $0x70, s1;
	s1 =	sadd.s32 $0x1000, s1  }
0x3e0: {  	[hbm4b:s31+s3] =	stream.linear.scatter [tilespmem:s17], [sflag:$0x6], $0x80, $0x38;
	[tilespmem:$0x1E000] =	vst v63  }
.LBB2_23:
0x3e1: {  	[hbm4b:s15+s3] =	stream.linear.scatter [tilespmem:s14], [sflag:$0x6], $0x80, $0x38;
	[tilespmem:$0x1E000] =	vst v63  }
0x3e2: {  	s14 =	smov.u32 s0;
	s0 =	smov.u32 s10  }
0x3e3: {  	s16 =	sadd.s32 $0x1100, s10;
	s0 =	sshra.s32 s0, $0x2;
	s15 =	sadd.s32 $0x1BE00, s14  }
0x3e4: {  	[hbm4b:s1+s3] =	stream.linear.scatter [tilespmem:s15], [sflag:$0x6], $0x80, $0x38;
	[tilespmem:$0x1E000] =	vst v63  }
0x3e5: {  	p0 =	sne.s32 s10, $0x7700;
	s10 =	sadd.s32 $0x1BE88, s14;
	s15 =	sadd.s32 $0x10, s1  }
0x3e6: {  	[hbm4b:s15+s3] =	stream.linear.scatter [tilespmem:s10], [sflag:$0x6], $0x80, $0x38;
	[tilespmem:$0x1E000] =	vst v63  }
0x3e7: {  	s10 =	sadd.s32 $0x1BF10, s14;
	s15 =	sadd.s32 $0x20, s1  }
0x3e8: {  	[hbm4b:s15+s3] =	stream.linear.scatter [tilespmem:s10], [sflag:$0x6], $0x80, $0x38;
	[tilespmem:$0x1E000] =	vst v63  }
0x3e9: {  	s10 =	sadd.s32 $0x1BF98, s14;
	s15 =	sadd.s32 $0x30, s1  }
0x3ea: {  	[hbm4b:s15+s3] =	stream.linear.scatter [tilespmem:s10], [sflag:$0x6], $0x80, $0x38;
	[tilespmem:$0x1E000] =	vst v63  }
0x3eb: {  	s10 =	sadd.s32 $0x1C020, s14;
	s15 =	sadd.s32 $0x40, s1  }
0x3ec: {  	[hbm4b:s15+s3] =	stream.linear.scatter [tilespmem:s10], [sflag:$0x6], $0x80, $0x38;
	[tilespmem:$0x1E000] =	vst v63  }
.Ltmp11:
0x3ed: {  	s10 =	sadd.s32 $0x1C0A8, s14;
	s15 =	sadd.s32 $0x50, s1;
	(pc) =	sbr.rel @p0 .LBB2_23-.Ltmp11, $4  }
0x3ee: {  	[hbm4b:s15+s3] =	stream.linear.scatter [tilespmem:s10], [sflag:$0x6], $0x80, $0x38;
	[tilespmem:$0x1E000] =	vst v63  }
0x3ef: {  	s10 =	sadd.s32 $0x1C130, s14;
	s15 =	sadd.s32 $0x60, s1;
	s14 =	sadd.s32 $0x1C1B8, s14  }
0x3f0: {  	[hbm4b:s15+s3] =	stream.linear.scatter [tilespmem:s10], [sflag:$0x6], $0x80, $0x38;
	[tilespmem:$0x1E000] =	vst v63  }
0x3f1: {  	s15 =	sadd.s32 $0x70, s1;
	s1 =	sadd.s32 $0x1000, s1;
	s10 =	smov.u32 s16  }
0x3f2: {  	[hbm4b:s15+s3] =	stream.linear.scatter [tilespmem:s14], [sflag:$0x6], $0x80, $0x38;
	[tilespmem:$0x1E000] =	vst v63  }
0x3f3: {  	s10 =	sadd.s32 $0x1BE00, s0  }
0x3f4: {  	[hbm4b:s1+s3] =	stream.linear.scatter [tilespmem:s10], [sflag:$0x6], $0x80, $0x38;
	[tilespmem:$0x1E000] =	vst v63  }
0x3f5: {  	s17 =	sadd.s32 $0x1BE88, s0;
	s31 =	sadd.s32 $0x10, s1  }
0x3f6: {  	[hbm4b:s31+s3] =	stream.linear.scatter [tilespmem:s17], [sflag:$0x6], $0x80, $0x38;
	[tilespmem:$0x1E000] =	vst v63  }
0x3f7: {  	s15 =	sadd.s32 $0x1BF10, s0;
	s16 =	sadd.s32 $0x20, s1  }
0x3f8: {  	v22 =	vld [tilespmem:$0x1FE70];
	[hbm4b:s16+s3] =	stream.linear.scatter [tilespmem:s15], [sflag:$0x6], $0x80, $0x38  }
0x3f9: {  	v26 =	vld [tilespmem:$0x1FE80];
	s17 =	sadd.s32 $0x1BF98, s0;
	s31 =	sadd.s32 $0x30, s1  }
0x3fa: {  	v27 =	vld [tilespmem:$0x1FE90];
	[hbm4b:s31+s3] =	stream.linear.scatter [tilespmem:s17], [sflag:$0x6], $0x80, $0x38  }
0x3fb: {  	s30 =	sadd.s32 $0x1, s30;
	v28 =	vld [tilespmem:$0x1FEA0];
	s15 =	sadd.s32 $0x1C020, s0;
	s16 =	sadd.s32 $0x40, s1  }
0x3fc: {  	v29 =	vld [tilespmem:$0x1FEB0];
	[hbm4b:s16+s3] =	stream.linear.scatter [tilespmem:s15], [sflag:$0x6], $0x80, $0x38  }
0x3fd: {  	v30 =	vld [tilespmem:$0x1FED0];
	p0 =	sne.s32 s30, $0x32;
	s17 =	sadd.s32 $0x1C0A8, s0;
	s31 =	sadd.s32 $0x50, s1  }
0x3fe: {  	v31 =	vld [tilespmem:$0x1FEE0];
	[hbm4b:s31+s3] =	stream.linear.scatter [tilespmem:s17], [sflag:$0x6], $0x80, $0x38  }
.Ltmp12:
0x3ff: {  	v32 =	vld [tilespmem:$0x1FEF0];
	(pc) =	sbr.rel @p0 .LBB2_4-.Ltmp12, $4  }
0x400: {  	v34 =	vld [tilespmem:$0x1FF00];
	s15 =	sadd.s32 $0x1C130, s0;
	s16 =	sadd.s32 $0x60, s1  }
0x401: {  	v35 =	vld [tilespmem:$0x1FF20];
	[hbm4b:s16+s3] =	stream.linear.scatter [tilespmem:s15], [sflag:$0x6], $0x80, $0x38  }
0x402: {  	v44 =	vld [tilespmem:$0x1FF50];
	s17 =	sadd.s32 $0x1C1B8, s0;
	s31 =	sadd.s32 $0x70, s1  }
0x403: {  	v45 =	vld [tilespmem:$0x1FFF0];
	[hbm4b:s31+s3] =	stream.linear.scatter [tilespmem:s17], [sflag:$0x6], $0x80, $0x38  }
0x404: {  	s29 =	sadd.s32 $0x1, s29  }
0x405: {  	_ =	swait.ge [sflag:s26], $0x2000;
	p0 =	sne.s32 s29, s8  }
.Ltmp13:
0x406: {  	[sflag:s26] =	ssyncset.done $0x0;
	(pc) =	sbr.rel @p0 .LBB2_1-.Ltmp13, $4  }
0x407: {  	[sflag:s26] =	ssyncadd.s32 $0xFFFFE000  }
0x408: {  	_ =	swait.ge [sflag:s23], $0x2000  }
0x409: {  	[sflag:s23] =	ssyncset.done $0x0  }
0x40a: {  	[sflag:s23] =	ssyncadd.s32 $0xFFFFE000  }
0x40b: {  	_ =	sfence.sel $0x180000  }
0x40c: {  	[bflag:$0x0] =	sbarrier.arrive $0xFFFF  }
0x40d: {  	_ =	strace $0x90000047  }
0x40e: {  	s0 =	stileid.u32;
	[bflag:$0x2] =	sbarrier.arrive $0xFFFF  }
0x40f: {  	p0 =	sne.s32 s0, $0x0;
	s0 =	rddreg [dreg:$0x2]  }
0x410: {  	s0 =	sadd.s32 @!p0 $0x100000, s0  }
0x411: {  	[sflag:s0] =	ssyncadd.tile.s32 @!p0 $0x1;
	_ =	shalt  }
.Lfunc_end2:
_tile_overlayer_lowered:
.L_overlay_start_2:
0x412: {  	(tag) =	ssettag $0x2  }
0x413: {  	s0 =	rddreg [dreg:$0x0];
	s2 =	stileid.u32  }
0x414: {  	s1 =	rddreg [dreg:$0x1];
	p0 =	sne.s32 s2, $0x0  }
0x415: {  	s3 =	rddreg [dreg:$0x2];
	[bflag:$0x3] =	sbarrier.arrive $0xFFFF;
	s2 =	simm.s32 @!p0 $0x1C07  }
0x416: {  	[timem:s3], [sflag:s2] =	dma.local @!p0 [hbm:s0], s1  }
0x417: {  	s0 =	simm.s32 @!p0 $0x7  }
0x418: {  	_ =	swait.ge @!p0 [sflag:s0], s1  }
0x419: {  	s1 =	ssub.s32 @!p0 $0x0, s1;
	[sflag:s0] =	ssyncset.done @!p0 $0x0  }
0x41a: {  	[sflag:s0] =	ssyncadd.s32 @!p0 s1  }
0x41b: {  	[bflag:$0x3] =	sbarrier.arrive $0xFFFF  }
0x41c: {  	_ =	shalt  }

</sc_bundles>
